<compile_context>
chip_gen: v7x
topology: tpu7x:2x2x1
jax: 0.10.2.dev20260603
libtpu: 0.0.44.dev20260713+nightly
codegen_flags: <defaults>
</compile_context>

<pallas_src>
import jax
import jax.numpy as jnp
from jax import lax
from jax.experimental import pallas as pl
from jax.experimental.pallas import tpu as pltpu
from jax.experimental.pallas import tpu_sc as plsc

_E = 64
_N = 32768
_NC = 2
_NS = 16
_NW = _NC * _NS
_TPW = _N // _NW
_L = 16
_CHUNK = 256
_NCHUNK = _TPW // _CHUNK
_TPB = 2
_NV = _E // _L


def _sc_body(x_hbm, mask_hbm, cnt_hbm, psum_hbm,
             xv0, xv1, mv, cntv, psv, sem0, sem1):
    wid = lax.axis_index("s") * _NC + lax.axis_index("c")
    base = wid * _TPW
    pltpu.sync_copy(mask_hbm.at[pl.ds(base, _TPW)], mv.at[pl.ds(0, _TPW)])

    ios = [lax.iota(jnp.int32, _L) + k * _L for k in range(_NV)]

    def token(t, xv, moff, acc):
        v = [xv[t, pl.ds(k * _L, _L)] for k in range(_NV)]
        m = jnp.maximum(jnp.maximum(v[0], v[1]), jnp.maximum(v[2], v[3]))
        smax = jnp.max(m)
        ids = [jnp.where(v[k] == smax, ios[k], _E) for k in range(_NV)]
        imin = jnp.minimum(jnp.minimum(ids[0], ids[1]),
                           jnp.minimum(ids[2], ids[3]))
        fidx = jnp.min(imin)
        valid = mv[pl.ds(moff + t, _L)][0] == 1
        fidx = jnp.where(valid, fidx, _E)
        cs, ps = acc
        cs = tuple(cs[k] + jnp.where(ios[k] == fidx, 1.0, 0.0)
                   for k in range(_NV))
        ps = tuple(ps[k] + jnp.where(ios[k] == fidx, smax, 0.0)
                   for k in range(_NV))
        return cs, ps

    acc = (tuple(jnp.zeros((_L,), jnp.float32) for _ in range(_NV)),
           tuple(jnp.zeros((_L,), jnp.float32) for _ in range(_NV)))

    bufs = (xv0, xv1)
    sems = (sem0, sem1)
    copies = [None] * _NCHUNK
    copies[0] = pltpu.async_copy(x_hbm.at[pl.ds(base, _CHUNK)], xv0, sem0)

    for c in range(_NCHUNK):
        copies[c].wait()
        if c + 1 < _NCHUNK:
            copies[c + 1] = pltpu.async_copy(
                x_hbm.at[pl.ds(base + (c + 1) * _CHUNK, _CHUNK)],
                bufs[(c + 1) % 2], sems[(c + 1) % 2])
        xv = bufs[c % 2]

        @pl.loop(0, _CHUNK // _TPB, init_carry=acc)
        def _blk(b, carry):
            t0 = b * _TPB
            for j in range(_TPB):
                carry = token(t0 + j, xv, c * _CHUNK, carry)
            return carry

        acc = _blk

    cs, ps = acc
    for k in range(_NV):
        cntv[pl.ds(k * _L, _L)] = cs[k]
        psv[pl.ds(k * _L, _L)] = ps[k]
    pltpu.sync_copy(cntv, cnt_hbm.at[wid])
    pltpu.sync_copy(psv, psum_hbm.at[wid])


_sc_call = pl.kernel(
    _sc_body,
    out_type=[
        jax.ShapeDtypeStruct((_NW, _E), jnp.float32),
        jax.ShapeDtypeStruct((_NW, _E), jnp.float32),
    ],
    mesh=plsc.VectorSubcoreMesh(core_axis_name="c", subcore_axis_name="s",
                                num_cores=_NC, num_subcores=_NS),
    compiler_params=pltpu.CompilerParams(needs_layout_passes=False),
    scratch_types=[
        pltpu.VMEM((_CHUNK, _E), jnp.float32),
        pltpu.VMEM((_CHUNK, _E), jnp.float32),
        pltpu.VMEM((_TPW + _L,), jnp.int32),
        pltpu.VMEM((_E,), jnp.float32),
        pltpu.VMEM((_E,), jnp.float32),
        pltpu.SemaphoreType.DMA,
        pltpu.SemaphoreType.DMA,
    ],
)


def _combine_body(cnt_ref, ps_ref, out_ref):
    cnt = jnp.sum(cnt_ref[...], axis=0, keepdims=True)
    ps = jnp.sum(ps_ref[...], axis=0, keepdims=True)
    nv = jnp.sum(cnt)
    loss = _E * jnp.sum(cnt * ps) / (nv * nv * nv)
    out_ref[...] = jnp.full((1, 1), loss, dtype=jnp.float32)


def kernel(x, mask):
    xr = x.reshape(_N, _E)
    mr = mask.reshape(_N)
    cnt, psum = _sc_call(xr, mr)
    out = pl.pallas_call(
        _combine_body,
        out_shape=jax.ShapeDtypeStruct((1, 1), jnp.float32),
    )(cnt, psum)
    return out[0, 0]

# --- scband reference (transcript-rebuilt; emitter-appended) ---
"""Pipeline reference for scband-moe-loss-65395172049424 (READ-ONLY COPY).

The authoritative reference and input builder live on the scoring server;
editing this copy changes nothing except your own understanding.
"""

import jax, jax.numpy as jnp
import numpy as np


def setup_inputs(seed: int = 0) -> dict:
    key = jax.random.key(seed)
    k1, k2 = jax.random.split(key)
    x = jax.random.normal(k1, (4, 8192, 64), dtype=jnp.float32)
    mask = jax.random.randint(k2, (4, 8192), 0, 2, dtype=jnp.int32)
    return {"x": x, "mask": mask}


def reference(x, mask):
    # Faithful static-shape translation of:
    #   xx = x[mask == 1]; sel = xx.argmax(-1)
    #   f[i] = (sel == i).sum() / xx.size(0)
    #   p[i] = xx[sel == i, i].sum() / xx.size(0)
    #   loss = E * sum(f[i] * p[i]) / xx.size(0)
    # Boolean masking is replaced by weighting with the validity mask, which is
    # mathematically identical (masked-out rows contribute 0 to every sum).
    n_expert = x.shape[2]
    valid = (mask == 1)                      # [B, L] bool
    n_valid = valid.sum().astype(x.dtype)    # == xx.size(0)
    sel = jnp.argmax(x, axis=-1)             # [B, L] int; argmax over experts
    onehot = (sel[..., None] == jnp.arange(n_expert)) & valid[..., None]  # [B, L, E]
    cnt = onehot.sum(axis=(0, 1)).astype(x.dtype)                         # (sel == i).sum() per expert
    f = cnt / n_valid                                                     # fraction routed to expert i
    p = jnp.where(onehot, x, jnp.zeros_like(x)).sum(axis=(0, 1)) / n_valid  # mean selected prob mass
    loss = n_expert * jnp.sum(f * p) / n_valid
    return loss

if __name__ == "__main__":
    import jax
    _d = setup_inputs()
    print(jax.jit(kernel)(*tuple(_d.values())))

</pallas_src>

<mosaic_0001>
#map = affine_map<(d0, d1) -> (0, 0)>
#map1 = affine_map<(d0, d1) -> (0)>
module attributes {stable_mosaic.version = 14 : i64} {
  func.func @_sc_body(%arg0: i32, %arg1: i32, %arg2: memref<32768x64xf32, #tpu.memory_space<hbm>>, %arg3: memref<32768xi32, #tpu.memory_space<hbm>>, %arg4: memref<32x64xf32, #tpu.memory_space<hbm>>, %arg5: memref<32x64xf32, #tpu.memory_space<hbm>>, %arg6: memref<256x64xf32, #tpu.memory_space<vmem>>, %arg7: memref<256x64xf32, #tpu.memory_space<vmem>>, %arg8: memref<1040xi32, #tpu.memory_space<vmem>>, %arg9: memref<64xf32, #tpu.memory_space<vmem>>, %arg10: memref<64xf32, #tpu.memory_space<vmem>>, %arg11: memref<!tpu.dma_semaphore, #tpu.memory_space<semaphore_mem>>, %arg12: memref<!tpu.dma_semaphore, #tpu.memory_space<semaphore_mem>>) attributes {dimension_semantics = [#tpu.dimension_semantics<core_parallel>, #tpu.dimension_semantics<subcore_parallel>], iteration_bounds = array<i64: 2, 16>, scalar_prefetch = 0 : i64, scratch_operands = 7 : i64, tpu.core_type = #tpu.core_type<sc_vector_subcore>, window_params = [{transform_indices = #map}, {transform_indices = #map1}, {transform_indices = #map}, {transform_indices = #map}]} {
    %mul3A = arith.constant 2 : i32
    %mul3A_0 = arith.muli %arg1, %mul3A : i32
    %add3A = arith.addi %mul3A_0, %arg0 : i32
    %mul3A_1 = arith.constant 1024 : i32
    %mul3A_2 = arith.muli %add3A, %mul3A_1 : i32
    "tpu.region"() ({
      %run_scoped3A = tpu.sem_alloc : memref<!tpu.dma_semaphore, #tpu.memory_space<semaphore_mem>>
      %dma_start3A_107 = arith.constant 0 : i32
      %dma_start3A_108 = tpu.memref_slice %arg8[%dma_start3A_107] : memref<1040xi32, #tpu.memory_space<vmem>> -> memref<1024xi32, #tpu.memory_space<vmem>>
      %dma_start3A_109 = tpu.memref_slice %arg3[%mul3A_2] : memref<32768xi32, #tpu.memory_space<hbm>> -> memref<1024xi32, #tpu.memory_space<hbm>>
      %dma_start3A_110 = arith.constant 0 : i32
      %dma_start3A_111 = tpu.memref_slice %arg8[%dma_start3A_110] : memref<1040xi32, #tpu.memory_space<vmem>> -> memref<1024xi32, #tpu.memory_space<vmem>>
      %dma_start3A_112 = tpu.memref_slice %arg3[%mul3A_2] : memref<32768xi32, #tpu.memory_space<hbm>> -> memref<1024xi32, #tpu.memory_space<hbm>>
      tpu.enqueue_dma source(%dma_start3A_112 : memref<1024xi32, #tpu.memory_space<hbm>>) target(%dma_start3A_111 : memref<1024xi32, #tpu.memory_space<vmem>>) target_semaphore(%run_scoped3A : memref<!tpu.dma_semaphore, #tpu.memory_space<semaphore_mem>>)
      %dma_wait3A_113 = arith.constant 0 : i32
      %dma_wait3A_114 = tpu.memref_slice %arg8[%dma_wait3A_113] : memref<1040xi32, #tpu.memory_space<vmem>> -> memref<1024xi32, #tpu.memory_space<vmem>>
      %dma_wait3A_115 = tpu.memref_slice %arg3[%mul3A_2] : memref<32768xi32, #tpu.memory_space<hbm>> -> memref<1024xi32, #tpu.memory_space<hbm>>
      %dma_wait3A_116 = arith.constant 0 : i32
      %dma_wait3A_117 = tpu.memref_slice %arg8[%dma_wait3A_116] : memref<1040xi32, #tpu.memory_space<vmem>> -> memref<1024xi32, #tpu.memory_space<vmem>>
      %dma_wait3A_118 = tpu.memref_slice %arg3[%mul3A_2] : memref<32768xi32, #tpu.memory_space<hbm>> -> memref<1024xi32, #tpu.memory_space<hbm>>
      tpu.wait_dma2 semaphore(%run_scoped3A : memref<!tpu.dma_semaphore, #tpu.memory_space<semaphore_mem>>) src(%dma_wait3A_118 : memref<1024xi32, #tpu.memory_space<hbm>>) dst(%dma_wait3A_117 : memref<1024xi32, #tpu.memory_space<vmem>>)
      tpu.yield
    }) : () -> ()
    %iota3A = tpu.iota {dimensions = array<i32: 0>} : vector<16xi32>
    %add3A_3 = arith.constant 0 : i32
    %add3A_4 = vector.broadcast %add3A_3 : i32 to vector<16xi32>
    %add3A_5 = arith.addi %iota3A, %add3A_4 : vector<16xi32>
    %iota3A_6 = tpu.iota {dimensions = array<i32: 0>} : vector<16xi32>
    %add3A_7 = arith.constant 16 : i32
    %add3A_8 = vector.broadcast %add3A_7 : i32 to vector<16xi32>
    %add3A_9 = arith.addi %iota3A_6, %add3A_8 : vector<16xi32>
    %iota3A_10 = tpu.iota {dimensions = array<i32: 0>} : vector<16xi32>
    %add3A_11 = arith.constant 32 : i32
    %add3A_12 = vector.broadcast %add3A_11 : i32 to vector<16xi32>
    %add3A_13 = arith.addi %iota3A_10, %add3A_12 : vector<16xi32>
    %iota3A_14 = tpu.iota {dimensions = array<i32: 0>} : vector<16xi32>
    %add3A_15 = arith.constant 48 : i32
    %add3A_16 = vector.broadcast %add3A_15 : i32 to vector<16xi32>
    %add3A_17 = arith.addi %iota3A_14, %add3A_16 : vector<16xi32>
    %broadcast_in_dim3A = arith.constant 0.000000e+00 : f32
    %broadcast_in_dim3A_18 = vector.broadcast %broadcast_in_dim3A : f32 to vector<16xf32>
    %broadcast_in_dim3A_19 = arith.constant 0.000000e+00 : f32
    %broadcast_in_dim3A_20 = vector.broadcast %broadcast_in_dim3A_19 : f32 to vector<16xf32>
    %broadcast_in_dim3A_21 = arith.constant 0.000000e+00 : f32
    %broadcast_in_dim3A_22 = vector.broadcast %broadcast_in_dim3A_21 : f32 to vector<16xf32>
    %broadcast_in_dim3A_23 = arith.constant 0.000000e+00 : f32
    %broadcast_in_dim3A_24 = vector.broadcast %broadcast_in_dim3A_23 : f32 to vector<16xf32>
    %broadcast_in_dim3A_25 = arith.constant 0.000000e+00 : f32
    %broadcast_in_dim3A_26 = vector.broadcast %broadcast_in_dim3A_25 : f32 to vector<16xf32>
    %broadcast_in_dim3A_27 = arith.constant 0.000000e+00 : f32
    %broadcast_in_dim3A_28 = vector.broadcast %broadcast_in_dim3A_27 : f32 to vector<16xf32>
    %broadcast_in_dim3A_29 = arith.constant 0.000000e+00 : f32
    %broadcast_in_dim3A_30 = vector.broadcast %broadcast_in_dim3A_29 : f32 to vector<16xf32>
    %broadcast_in_dim3A_31 = arith.constant 0.000000e+00 : f32
    %broadcast_in_dim3A_32 = vector.broadcast %broadcast_in_dim3A_31 : f32 to vector<16xf32>
    %dma_start3A = arith.constant 0 : i32
    %dma_start3A_33 = tpu.memref_slice %arg2[%mul3A_2, %dma_start3A] : memref<32768x64xf32, #tpu.memory_space<hbm>> -> memref<256x64xf32, #tpu.memory_space<hbm>>
    %dma_start3A_34 = arith.constant 0 : i32
    %dma_start3A_35 = tpu.memref_slice %arg2[%mul3A_2, %dma_start3A_34] : memref<32768x64xf32, #tpu.memory_space<hbm>> -> memref<256x64xf32, #tpu.memory_space<hbm>>
    tpu.enqueue_dma source(%dma_start3A_35 : memref<256x64xf32, #tpu.memory_space<hbm>>) target(%arg6 : memref<256x64xf32, #tpu.memory_space<vmem>>) target_semaphore(%arg11 : memref<!tpu.dma_semaphore, #tpu.memory_space<semaphore_mem>>)
    %dma_wait3A = arith.constant 0 : i32
    %dma_wait3A_36 = tpu.memref_slice %arg2[%mul3A_2, %dma_wait3A] : memref<32768x64xf32, #tpu.memory_space<hbm>> -> memref<256x64xf32, #tpu.memory_space<hbm>>
    %dma_wait3A_37 = arith.constant 0 : i32
    %dma_wait3A_38 = tpu.memref_slice %arg2[%mul3A_2, %dma_wait3A_37] : memref<32768x64xf32, #tpu.memory_space<hbm>> -> memref<256x64xf32, #tpu.memory_space<hbm>>
    tpu.wait_dma2 semaphore(%arg11 : memref<!tpu.dma_semaphore, #tpu.memory_space<semaphore_mem>>) src(%dma_wait3A_38 : memref<256x64xf32, #tpu.memory_space<hbm>>) dst(%arg6 : memref<256x64xf32, #tpu.memory_space<vmem>>)
    %add3A_39 = arith.constant 256 : i32
    %add3A_40 = arith.addi %mul3A_2, %add3A_39 : i32
    %dma_start3A_41 = arith.constant 0 : i32
    %dma_start3A_42 = tpu.memref_slice %arg2[%add3A_40, %dma_start3A_41] : memref<32768x64xf32, #tpu.memory_space<hbm>> -> memref<256x64xf32, #tpu.memory_space<hbm>>
    %dma_start3A_43 = arith.constant 0 : i32
    %dma_start3A_44 = tpu.memref_slice %arg2[%add3A_40, %dma_start3A_43] : memref<32768x64xf32, #tpu.memory_space<hbm>> -> memref<256x64xf32, #tpu.memory_space<hbm>>
    tpu.enqueue_dma source(%dma_start3A_44 : memref<256x64xf32, #tpu.memory_space<hbm>>) target(%arg7 : memref<256x64xf32, #tpu.memory_space<vmem>>) target_semaphore(%arg12 : memref<!tpu.dma_semaphore, #tpu.memory_space<semaphore_mem>>)
    %scan3A = arith.constant 0 : i32
    %scan3A_45 = arith.constant 128 : i32
    %scan3A_46 = arith.addi %scan3A, %scan3A_45 : i32
    %scan3A_47 = arith.constant 1 : i32
    %scan3A_48:8 = scf.for %scan3A_107 = %scan3A to %scan3A_46 step %scan3A_47 iter_args(%scan3A_108 = %broadcast_in_dim3A_18, %scan3A_109 = %broadcast_in_dim3A_20, %scan3A_110 = %broadcast_in_dim3A_22, %scan3A_111 = %broadcast_in_dim3A_24, %scan3A_112 = %broadcast_in_dim3A_26, %scan3A_113 = %broadcast_in_dim3A_28, %scan3A_114 = %broadcast_in_dim3A_30, %scan3A_115 = %broadcast_in_dim3A_32) -> (vector<16xf32>, vector<16xf32>, vector<16xf32>, vector<16xf32>, vector<16xf32>, vector<16xf32>, vector<16xf32>, vector<16xf32>)  : i32 {
      %mul3A_116 = arith.constant 1 : i32
      %mul3A_117 = arith.muli %scan3A_107, %mul3A_116 : i32
      %add3A_118 = arith.constant 0 : i32
      %add3A_119 = arith.addi %add3A_118, %mul3A_117 : i32
      %mul3A_120 = arith.constant 2 : i32
      %mul3A_121 = arith.muli %add3A_119, %mul3A_120 : i32
      %add3A_122 = arith.constant 0 : i32
      %add3A_123 = arith.addi %mul3A_121, %add3A_122 : i32
      %get3A = arith.index_cast %add3A_123 : i32 to index
      %get3A_124 = arith.constant 0 : index
      %get3A_125 = tpu.vector_load %arg6[%get3A, %get3A_124] {strides = array<i32>} : memref<256x64xf32, #tpu.memory_space<vmem>>, vector<16xf32>,
      %get3A_126 = arith.index_cast %add3A_123 : i32 to index
      %get3A_127 = arith.constant 16 : index
      %get3A_128 = tpu.vector_load %arg6[%get3A_126, %get3A_127] {strides = array<i32>} : memref<256x64xf32, #tpu.memory_space<vmem>>, vector<16xf32>,
      %get3A_129 = arith.index_cast %add3A_123 : i32 to index
      %get3A_130 = arith.constant 32 : index
      %get3A_131 = tpu.vector_load %arg6[%get3A_129, %get3A_130] {strides = array<i32>} : memref<256x64xf32, #tpu.memory_space<vmem>>, vector<16xf32>,
      %get3A_132 = arith.index_cast %add3A_123 : i32 to index
      %get3A_133 = arith.constant 48 : index
      %get3A_134 = tpu.vector_load %arg6[%get3A_132, %get3A_133] {strides = array<i32>} : memref<256x64xf32, #tpu.memory_space<vmem>>, vector<16xf32>,
      %max3A = arith.maximumf %get3A_125, %get3A_128 : vector<16xf32>
      %max3A_135 = arith.maximumf %get3A_131, %get3A_134 : vector<16xf32>
      %max3A_136 = arith.maximumf %max3A, %max3A_135 : vector<16xf32>
      %reduce_max3A = arith.constant true
      %reduce_max3A_137 = vector.broadcast %reduce_max3A : i1 to vector<16xi1>
      %reduce_max3A_138 = tpu.scan <max>, %max3A_136 masked %reduce_max3A_137 : vector<16xf32>, vector<16xi1> -> vector<16xf32>
      %reduce_max3A_139 = vector.extract %reduce_max3A_138[15] : f32 from vector<16xf32>
      %eq3A = vector.broadcast %reduce_max3A_139 : f32 to vector<16xf32>
      %eq3A_140 = arith.cmpf oeq, %get3A_125, %eq3A : vector<16xf32>
      %jit3A = arith.constant 64 : i32
      %broadcast_in_dim3A_141 = vector.broadcast %jit3A : i32 to vector<16xi32>
      %select_n3A = arith.select %eq3A_140, %add3A_5, %broadcast_in_dim3A_141 : vector<16xi1>, vector<16xi32>
      %eq3A_142 = vector.broadcast %reduce_max3A_139 : f32 to vector<16xf32>
      %eq3A_143 = arith.cmpf oeq, %get3A_128, %eq3A_142 : vector<16xf32>
      %jit3A_144 = arith.constant 64 : i32
      %broadcast_in_dim3A_145 = vector.broadcast %jit3A_144 : i32 to vector<16xi32>
      %select_n3A_146 = arith.select %eq3A_143, %add3A_9, %broadcast_in_dim3A_145 : vector<16xi1>, vector<16xi32>
      %eq3A_147 = vector.broadcast %reduce_max3A_139 : f32 to vector<16xf32>
      %eq3A_148 = arith.cmpf oeq, %get3A_131, %eq3A_147 : vector<16xf32>
      %jit3A_149 = arith.constant 64 : i32
      %broadcast_in_dim3A_150 = vector.broadcast %jit3A_149 : i32 to vector<16xi32>
      %select_n3A_151 = arith.select %eq3A_148, %add3A_13, %broadcast_in_dim3A_150 : vector<16xi1>, vector<16xi32>
      %eq3A_152 = vector.broadcast %reduce_max3A_139 : f32 to vector<16xf32>
      %eq3A_153 = arith.cmpf oeq, %get3A_134, %eq3A_152 : vector<16xf32>
      %jit3A_154 = arith.constant 64 : i32
      %broadcast_in_dim3A_155 = vector.broadcast %jit3A_154 : i32 to vector<16xi32>
      %select_n3A_156 = arith.select %eq3A_153, %add3A_17, %broadcast_in_dim3A_155 : vector<16xi1>, vector<16xi32>
      %min3A = arith.minsi %select_n3A, %select_n3A_146 : vector<16xi32>
      %min3A_157 = arith.minsi %select_n3A_151, %select_n3A_156 : vector<16xi32>
      %min3A_158 = arith.minsi %min3A, %min3A_157 : vector<16xi32>
      %reduce_min3A = arith.constant true
      %reduce_min3A_159 = vector.broadcast %reduce_min3A : i1 to vector<16xi1>
      %reduce_min3A_160 = arith.constant -2147483648 : i32
      %reduce_min3A_161 = vector.broadcast %reduce_min3A_160 : i32 to vector<16xi32>
      %reduce_min3A_162 = arith.xori %min3A_158, %reduce_min3A_161 : vector<16xi32>
      %reduce_min3A_163 = tpu.scan <min>, %reduce_min3A_162 masked %reduce_min3A_159 : vector<16xi32>, vector<16xi1> -> vector<16xi32>
      %reduce_min3A_164 = arith.xori %reduce_min3A_163, %reduce_min3A_161 : vector<16xi32>
      %reduce_min3A_165 = vector.extract %reduce_min3A_164[15] : i32 from vector<16xi32>
      %add3A_166 = arith.constant 0 : i32
      %add3A_167 = arith.addi %add3A_166, %add3A_123 : i32
      %get3A_168 = arith.index_cast %add3A_167 : i32 to index
      %get3A_169 = tpu.vector_load %arg8[%get3A_168] {strides = array<i32>} : memref<1040xi32, #tpu.memory_space<vmem>>, vector<16xi32>,
      %slice3A = vector.extract_strided_slice %get3A_169 {offsets = [0], sizes = [1], strides = [1]} : vector<16xi32> to vector<1xi32>
      %squeeze3A = vector.extract %slice3A[0] : i32 from vector<1xi32>
      %eq3A_170 = arith.constant 1 : i32
      %eq3A_171 = arith.cmpi eq, %squeeze3A, %eq3A_170 : i32
      %jit3A_172 = arith.constant 64 : i32
      %select_n3A_173 = arith.select %eq3A_171, %reduce_min3A_165, %jit3A_172 : i32
      %eq3A_174 = vector.broadcast %select_n3A_173 : i32 to vector<16xi32>
      %eq3A_175 = arith.cmpi eq, %add3A_5, %eq3A_174 : vector<16xi32>
      %jit3A_176 = arith.constant 1.000000e+00 : f32
      %jit3A_177 = arith.constant 0.000000e+00 : f32
      %broadcast_in_dim3A_178 = vector.broadcast %jit3A_176 : f32 to vector<16xf32>
      %broadcast_in_dim3A_179 = vector.broadcast %jit3A_177 : f32 to vector<16xf32>
      %select_n3A_180 = arith.select %eq3A_175, %broadcast_in_dim3A_178, %broadcast_in_dim3A_179 : vector<16xi1>, vector<16xf32>
      %add3A_181 = arith.addf %scan3A_108, %select_n3A_180 : vector<16xf32>
      %eq3A_182 = vector.broadcast %select_n3A_173 : i32 to vector<16xi32>
      %eq3A_183 = arith.cmpi eq, %add3A_9, %eq3A_182 : vector<16xi32>
      %jit3A_184 = arith.constant 1.000000e+00 : f32
      %jit3A_185 = arith.constant 0.000000e+00 : f32
      %broadcast_in_dim3A_186 = vector.broadcast %jit3A_184 : f32 to vector<16xf32>
      %broadcast_in_dim3A_187 = vector.broadcast %jit3A_185 : f32 to vector<16xf32>
      %select_n3A_188 = arith.select %eq3A_183, %broadcast_in_dim3A_186, %broadcast_in_dim3A_187 : vector<16xi1>, vector<16xf32>
      %add3A_189 = arith.addf %scan3A_109, %select_n3A_188 : vector<16xf32>
      %eq3A_190 = vector.broadcast %select_n3A_173 : i32 to vector<16xi32>
      %eq3A_191 = arith.cmpi eq, %add3A_13, %eq3A_190 : vector<16xi32>
      %jit3A_192 = arith.constant 1.000000e+00 : f32
      %jit3A_193 = arith.constant 0.000000e+00 : f32
      %broadcast_in_dim3A_194 = vector.broadcast %jit3A_192 : f32 to vector<16xf32>
      %broadcast_in_dim3A_195 = vector.broadcast %jit3A_193 : f32 to vector<16xf32>
      %select_n3A_196 = arith.select %eq3A_191, %broadcast_in_dim3A_194, %broadcast_in_dim3A_195 : vector<16xi1>, vector<16xf32>
      %add3A_197 = arith.addf %scan3A_110, %select_n3A_196 : vector<16xf32>
      %eq3A_198 = vector.broadcast %select_n3A_173 : i32 to vector<16xi32>
      %eq3A_199 = arith.cmpi eq, %add3A_17, %eq3A_198 : vector<16xi32>
      %jit3A_200 = arith.constant 1.000000e+00 : f32
      %jit3A_201 = arith.constant 0.000000e+00 : f32
      %broadcast_in_dim3A_202 = vector.broadcast %jit3A_200 : f32 to vector<16xf32>
      %broadcast_in_dim3A_203 = vector.broadcast %jit3A_201 : f32 to vector<16xf32>
      %select_n3A_204 = arith.select %eq3A_199, %broadcast_in_dim3A_202, %broadcast_in_dim3A_203 : vector<16xi1>, vector<16xf32>
      %add3A_205 = arith.addf %scan3A_111, %select_n3A_204 : vector<16xf32>
      %eq3A_206 = vector.broadcast %select_n3A_173 : i32 to vector<16xi32>
      %eq3A_207 = arith.cmpi eq, %add3A_5, %eq3A_206 : vector<16xi32>
      %jit3A_208 = arith.constant 0.000000e+00 : f32
      %broadcast_in_dim3A_209 = vector.broadcast %reduce_max3A_139 : f32 to vector<16xf32>
      %broadcast_in_dim3A_210 = vector.broadcast %jit3A_208 : f32 to vector<16xf32>
      %select_n3A_211 = arith.select %eq3A_207, %broadcast_in_dim3A_209, %broadcast_in_dim3A_210 : vector<16xi1>, vector<16xf32>
      %add3A_212 = arith.addf %scan3A_112, %select_n3A_211 : vector<16xf32>
      %eq3A_213 = vector.broadcast %select_n3A_173 : i32 to vector<16xi32>
      %eq3A_214 = arith.cmpi eq, %add3A_9, %eq3A_213 : vector<16xi32>
      %jit3A_215 = arith.constant 0.000000e+00 : f32
      %broadcast_in_dim3A_216 = vector.broadcast %reduce_max3A_139 : f32 to vector<16xf32>
      %broadcast_in_dim3A_217 = vector.broadcast %jit3A_215 : f32 to vector<16xf32>
      %select_n3A_218 = arith.select %eq3A_214, %broadcast_in_dim3A_216, %broadcast_in_dim3A_217 : vector<16xi1>, vector<16xf32>
      %add3A_219 = arith.addf %scan3A_113, %select_n3A_218 : vector<16xf32>
      %eq3A_220 = vector.broadcast %select_n3A_173 : i32 to vector<16xi32>
      %eq3A_221 = arith.cmpi eq, %add3A_13, %eq3A_220 : vector<16xi32>
      %jit3A_222 = arith.constant 0.000000e+00 : f32
      %broadcast_in_dim3A_223 = vector.broadcast %reduce_max3A_139 : f32 to vector<16xf32>
      %broadcast_in_dim3A_224 = vector.broadcast %jit3A_222 : f32 to vector<16xf32>
      %select_n3A_225 = arith.select %eq3A_221, %broadcast_in_dim3A_223, %broadcast_in_dim3A_224 : vector<16xi1>, vector<16xf32>
      %add3A_226 = arith.addf %scan3A_114, %select_n3A_225 : vector<16xf32>
      %eq3A_227 = vector.broadcast %select_n3A_173 : i32 to vector<16xi32>
      %eq3A_228 = arith.cmpi eq, %add3A_17, %eq3A_227 : vector<16xi32>
      %jit3A_229 = arith.constant 0.000000e+00 : f32
      %broadcast_in_dim3A_230 = vector.broadcast %reduce_max3A_139 : f32 to vector<16xf32>
      %broadcast_in_dim3A_231 = vector.broadcast %jit3A_229 : f32 to vector<16xf32>
      %select_n3A_232 = arith.select %eq3A_228, %broadcast_in_dim3A_230, %broadcast_in_dim3A_231 : vector<16xi1>, vector<16xf32>
      %add3A_233 = arith.addf %scan3A_115, %select_n3A_232 : vector<16xf32>
      %add3A_234 = arith.constant 1 : i32
      %add3A_235 = arith.addi %mul3A_121, %add3A_234 : i32
      %get3A_236 = arith.index_cast %add3A_235 : i32 to index
      %get3A_237 = arith.constant 0 : index
      %get3A_238 = tpu.vector_load %arg6[%get3A_236, %get3A_237] {strides = array<i32>} : memref<256x64xf32, #tpu.memory_space<vmem>>, vector<16xf32>,
      %get3A_239 = arith.index_cast %add3A_235 : i32 to index
      %get3A_240 = arith.constant 16 : index
      %get3A_241 = tpu.vector_load %arg6[%get3A_239, %get3A_240] {strides = array<i32>} : memref<256x64xf32, #tpu.memory_space<vmem>>, vector<16xf32>,
      %get3A_242 = arith.index_cast %add3A_235 : i32 to index
      %get3A_243 = arith.constant 32 : index
      %get3A_244 = tpu.vector_load %arg6[%get3A_242, %get3A_243] {strides = array<i32>} : memref<256x64xf32, #tpu.memory_space<vmem>>, vector<16xf32>,
      %get3A_245 = arith.index_cast %add3A_235 : i32 to index
      %get3A_246 = arith.constant 48 : index
      %get3A_247 = tpu.vector_load %arg6[%get3A_245, %get3A_246] {strides = array<i32>} : memref<256x64xf32, #tpu.memory_space<vmem>>, vector<16xf32>,
      %max3A_248 = arith.maximumf %get3A_238, %get3A_241 : vector<16xf32>
      %max3A_249 = arith.maximumf %get3A_244, %get3A_247 : vector<16xf32>
      %max3A_250 = arith.maximumf %max3A_248, %max3A_249 : vector<16xf32>
      %reduce_max3A_251 = arith.constant true
      %reduce_max3A_252 = vector.broadcast %reduce_max3A_251 : i1 to vector<16xi1>
      %reduce_max3A_253 = tpu.scan <max>, %max3A_250 masked %reduce_max3A_252 : vector<16xf32>, vector<16xi1> -> vector<16xf32>
      %reduce_max3A_254 = vector.extract %reduce_max3A_253[15] : f32 from vector<16xf32>
      %eq3A_255 = vector.broadcast %reduce_max3A_254 : f32 to vector<16xf32>
      %eq3A_256 = arith.cmpf oeq, %get3A_238, %eq3A_255 : vector<16xf32>
      %jit3A_257 = arith.constant 64 : i32
      %broadcast_in_dim3A_258 = vector.broadcast %jit3A_257 : i32 to vector<16xi32>
      %select_n3A_259 = arith.select %eq3A_256, %add3A_5, %broadcast_in_dim3A_258 : vector<16xi1>, vector<16xi32>
      %eq3A_260 = vector.broadcast %reduce_max3A_254 : f32 to vector<16xf32>
      %eq3A_261 = arith.cmpf oeq, %get3A_241, %eq3A_260 : vector<16xf32>
      %jit3A_262 = arith.constant 64 : i32
      %broadcast_in_dim3A_263 = vector.broadcast %jit3A_262 : i32 to vector<16xi32>
      %select_n3A_264 = arith.select %eq3A_261, %add3A_9, %broadcast_in_dim3A_263 : vector<16xi1>, vector<16xi32>
      %eq3A_265 = vector.broadcast %reduce_max3A_254 : f32 to vector<16xf32>
      %eq3A_266 = arith.cmpf oeq, %get3A_244, %eq3A_265 : vector<16xf32>
      %jit3A_267 = arith.constant 64 : i32
      %broadcast_in_dim3A_268 = vector.broadcast %jit3A_267 : i32 to vector<16xi32>
      %select_n3A_269 = arith.select %eq3A_266, %add3A_13, %broadcast_in_dim3A_268 : vector<16xi1>, vector<16xi32>
      %eq3A_270 = vector.broadcast %reduce_max3A_254 : f32 to vector<16xf32>
      %eq3A_271 = arith.cmpf oeq, %get3A_247, %eq3A_270 : vector<16xf32>
      %jit3A_272 = arith.constant 64 : i32
      %broadcast_in_dim3A_273 = vector.broadcast %jit3A_272 : i32 to vector<16xi32>
      %select_n3A_274 = arith.select %eq3A_271, %add3A_17, %broadcast_in_dim3A_273 : vector<16xi1>, vector<16xi32>
      %min3A_275 = arith.minsi %select_n3A_259, %select_n3A_264 : vector<16xi32>
      %min3A_276 = arith.minsi %select_n3A_269, %select_n3A_274 : vector<16xi32>
      %min3A_277 = arith.minsi %min3A_275, %min3A_276 : vector<16xi32>
      %reduce_min3A_278 = arith.constant true
      %reduce_min3A_279 = vector.broadcast %reduce_min3A_278 : i1 to vector<16xi1>
      %reduce_min3A_280 = arith.constant -2147483648 : i32
      %reduce_min3A_281 = vector.broadcast %reduce_min3A_280 : i32 to vector<16xi32>
      %reduce_min3A_282 = arith.xori %min3A_277, %reduce_min3A_281 : vector<16xi32>
      %reduce_min3A_283 = tpu.scan <min>, %reduce_min3A_282 masked %reduce_min3A_279 : vector<16xi32>, vector<16xi1> -> vector<16xi32>
      %reduce_min3A_284 = arith.xori %reduce_min3A_283, %reduce_min3A_281 : vector<16xi32>
      %reduce_min3A_285 = vector.extract %reduce_min3A_284[15] : i32 from vector<16xi32>
      %add3A_286 = arith.constant 0 : i32
      %add3A_287 = arith.addi %add3A_286, %add3A_235 : i32
      %get3A_288 = arith.index_cast %add3A_287 : i32 to index
      %get3A_289 = tpu.vector_load %arg8[%get3A_288] {strides = array<i32>} : memref<1040xi32, #tpu.memory_space<vmem>>, vector<16xi32>,
      %slice3A_290 = vector.extract_strided_slice %get3A_289 {offsets = [0], sizes = [1], strides = [1]} : vector<16xi32> to vector<1xi32>
      %squeeze3A_291 = vector.extract %slice3A_290[0] : i32 from vector<1xi32>
      %eq3A_292 = arith.constant 1 : i32
      %eq3A_293 = arith.cmpi eq, %squeeze3A_291, %eq3A_292 : i32
      %jit3A_294 = arith.constant 64 : i32
      %select_n3A_295 = arith.select %eq3A_293, %reduce_min3A_285, %jit3A_294 : i32
      %eq3A_296 = vector.broadcast %select_n3A_295 : i32 to vector<16xi32>
      %eq3A_297 = arith.cmpi eq, %add3A_5, %eq3A_296 : vector<16xi32>
      %jit3A_298 = arith.constant 1.000000e+00 : f32
      %jit3A_299 = arith.constant 0.000000e+00 : f32
      %broadcast_in_dim3A_300 = vector.broadcast %jit3A_298 : f32 to vector<16xf32>
      %broadcast_in_dim3A_301 = vector.broadcast %jit3A_299 : f32 to vector<16xf32>
      %select_n3A_302 = arith.select %eq3A_297, %broadcast_in_dim3A_300, %broadcast_in_dim3A_301 : vector<16xi1>, vector<16xf32>
      %add3A_303 = arith.addf %add3A_181, %select_n3A_302 : vector<16xf32>
      %eq3A_304 = vector.broadcast %select_n3A_295 : i32 to vector<16xi32>
      %eq3A_305 = arith.cmpi eq, %add3A_9, %eq3A_304 : vector<16xi32>
      %jit3A_306 = arith.constant 1.000000e+00 : f32
      %jit3A_307 = arith.constant 0.000000e+00 : f32
      %broadcast_in_dim3A_308 = vector.broadcast %jit3A_306 : f32 to vector<16xf32>
      %broadcast_in_dim3A_309 = vector.broadcast %jit3A_307 : f32 to vector<16xf32>
      %select_n3A_310 = arith.select %eq3A_305, %broadcast_in_dim3A_308, %broadcast_in_dim3A_309 : vector<16xi1>, vector<16xf32>
      %add3A_311 = arith.addf %add3A_189, %select_n3A_310 : vector<16xf32>
      %eq3A_312 = vector.broadcast %select_n3A_295 : i32 to vector<16xi32>
      %eq3A_313 = arith.cmpi eq, %add3A_13, %eq3A_312 : vector<16xi32>
      %jit3A_314 = arith.constant 1.000000e+00 : f32
      %jit3A_315 = arith.constant 0.000000e+00 : f32
      %broadcast_in_dim3A_316 = vector.broadcast %jit3A_314 : f32 to vector<16xf32>
      %broadcast_in_dim3A_317 = vector.broadcast %jit3A_315 : f32 to vector<16xf32>
      %select_n3A_318 = arith.select %eq3A_313, %broadcast_in_dim3A_316, %broadcast_in_dim3A_317 : vector<16xi1>, vector<16xf32>
      %add3A_319 = arith.addf %add3A_197, %select_n3A_318 : vector<16xf32>
      %eq3A_320 = vector.broadcast %select_n3A_295 : i32 to vector<16xi32>
      %eq3A_321 = arith.cmpi eq, %add3A_17, %eq3A_320 : vector<16xi32>
      %jit3A_322 = arith.constant 1.000000e+00 : f32
      %jit3A_323 = arith.constant 0.000000e+00 : f32
      %broadcast_in_dim3A_324 = vector.broadcast %jit3A_322 : f32 to vector<16xf32>
      %broadcast_in_dim3A_325 = vector.broadcast %jit3A_323 : f32 to vector<16xf32>
      %select_n3A_326 = arith.select %eq3A_321, %broadcast_in_dim3A_324, %broadcast_in_dim3A_325 : vector<16xi1>, vector<16xf32>
      %add3A_327 = arith.addf %add3A_205, %select_n3A_326 : vector<16xf32>
      %eq3A_328 = vector.broadcast %select_n3A_295 : i32 to vector<16xi32>
      %eq3A_329 = arith.cmpi eq, %add3A_5, %eq3A_328 : vector<16xi32>
      %jit3A_330 = arith.constant 0.000000e+00 : f32
      %broadcast_in_dim3A_331 = vector.broadcast %reduce_max3A_254 : f32 to vector<16xf32>
      %broadcast_in_dim3A_332 = vector.broadcast %jit3A_330 : f32 to vector<16xf32>
      %select_n3A_333 = arith.select %eq3A_329, %broadcast_in_dim3A_331, %broadcast_in_dim3A_332 : vector<16xi1>, vector<16xf32>
      %add3A_334 = arith.addf %add3A_212, %select_n3A_333 : vector<16xf32>
      %eq3A_335 = vector.broadcast %select_n3A_295 : i32 to vector<16xi32>
      %eq3A_336 = arith.cmpi eq, %add3A_9, %eq3A_335 : vector<16xi32>
      %jit3A_337 = arith.constant 0.000000e+00 : f32
      %broadcast_in_dim3A_338 = vector.broadcast %reduce_max3A_254 : f32 to vector<16xf32>
      %broadcast_in_dim3A_339 = vector.broadcast %jit3A_337 : f32 to vector<16xf32>
      %select_n3A_340 = arith.select %eq3A_336, %broadcast_in_dim3A_338, %broadcast_in_dim3A_339 : vector<16xi1>, vector<16xf32>
      %add3A_341 = arith.addf %add3A_219, %select_n3A_340 : vector<16xf32>
      %eq3A_342 = vector.broadcast %select_n3A_295 : i32 to vector<16xi32>
      %eq3A_343 = arith.cmpi eq, %add3A_13, %eq3A_342 : vector<16xi32>
      %jit3A_344 = arith.constant 0.000000e+00 : f32
      %broadcast_in_dim3A_345 = vector.broadcast %reduce_max3A_254 : f32 to vector<16xf32>
      %broadcast_in_dim3A_346 = vector.broadcast %jit3A_344 : f32 to vector<16xf32>
      %select_n3A_347 = arith.select %eq3A_343, %broadcast_in_dim3A_345, %broadcast_in_dim3A_346 : vector<16xi1>, vector<16xf32>
      %add3A_348 = arith.addf %add3A_226, %select_n3A_347 : vector<16xf32>
      %eq3A_349 = vector.broadcast %select_n3A_295 : i32 to vector<16xi32>
      %eq3A_350 = arith.cmpi eq, %add3A_17, %eq3A_349 : vector<16xi32>
      %jit3A_351 = arith.constant 0.000000e+00 : f32
      %broadcast_in_dim3A_352 = vector.broadcast %reduce_max3A_254 : f32 to vector<16xf32>
      %broadcast_in_dim3A_353 = vector.broadcast %jit3A_351 : f32 to vector<16xf32>
      %select_n3A_354 = arith.select %eq3A_350, %broadcast_in_dim3A_352, %broadcast_in_dim3A_353 : vector<16xi1>, vector<16xf32>
      %add3A_355 = arith.addf %add3A_233, %select_n3A_354 : vector<16xf32>
      scf.yield %add3A_303, %add3A_311, %add3A_319, %add3A_327, %add3A_334, %add3A_341, %add3A_348, %add3A_355 : vector<16xf32>, vector<16xf32>, vector<16xf32>, vector<16xf32>, vector<16xf32>, vector<16xf32>, vector<16xf32>, vector<16xf32>
    }
    %scan3A_49 = arith.constant 128 : i32
    %dma_wait3A_50 = arith.constant 0 : i32
    %dma_wait3A_51 = tpu.memref_slice %arg2[%add3A_40, %dma_wait3A_50] : memref<32768x64xf32, #tpu.memory_space<hbm>> -> memref<256x64xf32, #tpu.memory_space<hbm>>
    %dma_wait3A_52 = arith.constant 0 : i32
    %dma_wait3A_53 = tpu.memref_slice %arg2[%add3A_40, %dma_wait3A_52] : memref<32768x64xf32, #tpu.memory_space<hbm>> -> memref<256x64xf32, #tpu.memory_space<hbm>>
    tpu.wait_dma2 semaphore(%arg12 : memref<!tpu.dma_semaphore, #tpu.memory_space<semaphore_mem>>) src(%dma_wait3A_53 : memref<256x64xf32, #tpu.memory_space<hbm>>) dst(%arg7 : memref<256x64xf32, #tpu.memory_space<vmem>>)
    %add3A_54 = arith.constant 512 : i32
    %add3A_55 = arith.addi %mul3A_2, %add3A_54 : i32
    %dma_start3A_56 = arith.constant 0 : i32
    %dma_start3A_57 = tpu.memref_slice %arg2[%add3A_55, %dma_start3A_56] : memref<32768x64xf32, #tpu.memory_space<hbm>> -> memref<256x64xf32, #tpu.memory_space<hbm>>
    %dma_start3A_58 = arith.constant 0 : i32
    %dma_start3A_59 = tpu.memref_slice %arg2[%add3A_55, %dma_start3A_58] : memref<32768x64xf32, #tpu.memory_space<hbm>> -> memref<256x64xf32, #tpu.memory_space<hbm>>
    tpu.enqueue_dma source(%dma_start3A_59 : memref<256x64xf32, #tpu.memory_space<hbm>>) target(%arg6 : memref<256x64xf32, #tpu.memory_space<vmem>>) target_semaphore(%arg11 : memref<!tpu.dma_semaphore, #tpu.memory_space<semaphore_mem>>)
    %scan3A_60 = arith.constant 0 : i32
    %scan3A_61 = arith.constant 128 : i32
    %scan3A_62 = arith.addi %scan3A_60, %scan3A_61 : i32
    %scan3A_63 = arith.constant 1 : i32
    %scan3A_64:8 = scf.for %scan3A_107 = %scan3A_60 to %scan3A_62 step %scan3A_63 iter_args(%scan3A_108 = %scan3A_48#0, %scan3A_109 = %scan3A_48#1, %scan3A_110 = %scan3A_48#2, %scan3A_111 = %scan3A_48#3, %scan3A_112 = %scan3A_48#4, %scan3A_113 = %scan3A_48#5, %scan3A_114 = %scan3A_48#6, %scan3A_115 = %scan3A_48#7) -> (vector<16xf32>, vector<16xf32>, vector<16xf32>, vector<16xf32>, vector<16xf32>, vector<16xf32>, vector<16xf32>, vector<16xf32>)  : i32 {
      %mul3A_116 = arith.constant 1 : i32
      %mul3A_117 = arith.muli %scan3A_107, %mul3A_116 : i32
      %add3A_118 = arith.constant 0 : i32
      %add3A_119 = arith.addi %add3A_118, %mul3A_117 : i32
      %mul3A_120 = arith.constant 2 : i32
      %mul3A_121 = arith.muli %add3A_119, %mul3A_120 : i32
      %add3A_122 = arith.constant 0 : i32
      %add3A_123 = arith.addi %mul3A_121, %add3A_122 : i32
      %get3A = arith.index_cast %add3A_123 : i32 to index
      %get3A_124 = arith.constant 0 : index
      %get3A_125 = tpu.vector_load %arg7[%get3A, %get3A_124] {strides = array<i32>} : memref<256x64xf32, #tpu.memory_space<vmem>>, vector<16xf32>,
      %get3A_126 = arith.index_cast %add3A_123 : i32 to index
      %get3A_127 = arith.constant 16 : index
      %get3A_128 = tpu.vector_load %arg7[%get3A_126, %get3A_127] {strides = array<i32>} : memref<256x64xf32, #tpu.memory_space<vmem>>, vector<16xf32>,
      %get3A_129 = arith.index_cast %add3A_123 : i32 to index
      %get3A_130 = arith.constant 32 : index
      %get3A_131 = tpu.vector_load %arg7[%get3A_129, %get3A_130] {strides = array<i32>} : memref<256x64xf32, #tpu.memory_space<vmem>>, vector<16xf32>,
      %get3A_132 = arith.index_cast %add3A_123 : i32 to index
      %get3A_133 = arith.constant 48 : index
      %get3A_134 = tpu.vector_load %arg7[%get3A_132, %get3A_133] {strides = array<i32>} : memref<256x64xf32, #tpu.memory_space<vmem>>, vector<16xf32>,
      %max3A = arith.maximumf %get3A_125, %get3A_128 : vector<16xf32>
      %max3A_135 = arith.maximumf %get3A_131, %get3A_134 : vector<16xf32>
      %max3A_136 = arith.maximumf %max3A, %max3A_135 : vector<16xf32>
      %reduce_max3A = arith.constant true
      %reduce_max3A_137 = vector.broadcast %reduce_max3A : i1 to vector<16xi1>
      %reduce_max3A_138 = tpu.scan <max>, %max3A_136 masked %reduce_max3A_137 : vector<16xf32>, vector<16xi1> -> vector<16xf32>
      %reduce_max3A_139 = vector.extract %reduce_max3A_138[15] : f32 from vector<16xf32>
      %eq3A = vector.broadcast %reduce_max3A_139 : f32 to vector<16xf32>
      %eq3A_140 = arith.cmpf oeq, %get3A_125, %eq3A : vector<16xf32>
      %jit3A = arith.constant 64 : i32
      %broadcast_in_dim3A_141 = vector.broadcast %jit3A : i32 to vector<16xi32>
      %select_n3A = arith.select %eq3A_140, %add3A_5, %broadcast_in_dim3A_141 : vector<16xi1>, vector<16xi32>
      %eq3A_142 = vector.broadcast %reduce_max3A_139 : f32 to vector<16xf32>
      %eq3A_143 = arith.cmpf oeq, %get3A_128, %eq3A_142 : vector<16xf32>
      %jit3A_144 = arith.constant 64 : i32
      %broadcast_in_dim3A_145 = vector.broadcast %jit3A_144 : i32 to vector<16xi32>
      %select_n3A_146 = arith.select %eq3A_143, %add3A_9, %broadcast_in_dim3A_145 : vector<16xi1>, vector<16xi32>
      %eq3A_147 = vector.broadcast %reduce_max3A_139 : f32 to vector<16xf32>
      %eq3A_148 = arith.cmpf oeq, %get3A_131, %eq3A_147 : vector<16xf32>
      %jit3A_149 = arith.constant 64 : i32
      %broadcast_in_dim3A_150 = vector.broadcast %jit3A_149 : i32 to vector<16xi32>
      %select_n3A_151 = arith.select %eq3A_148, %add3A_13, %broadcast_in_dim3A_150 : vector<16xi1>, vector<16xi32>
      %eq3A_152 = vector.broadcast %reduce_max3A_139 : f32 to vector<16xf32>
      %eq3A_153 = arith.cmpf oeq, %get3A_134, %eq3A_152 : vector<16xf32>
      %jit3A_154 = arith.constant 64 : i32
      %broadcast_in_dim3A_155 = vector.broadcast %jit3A_154 : i32 to vector<16xi32>
      %select_n3A_156 = arith.select %eq3A_153, %add3A_17, %broadcast_in_dim3A_155 : vector<16xi1>, vector<16xi32>
      %min3A = arith.minsi %select_n3A, %select_n3A_146 : vector<16xi32>
      %min3A_157 = arith.minsi %select_n3A_151, %select_n3A_156 : vector<16xi32>
      %min3A_158 = arith.minsi %min3A, %min3A_157 : vector<16xi32>
      %reduce_min3A = arith.constant true
      %reduce_min3A_159 = vector.broadcast %reduce_min3A : i1 to vector<16xi1>
      %reduce_min3A_160 = arith.constant -2147483648 : i32
      %reduce_min3A_161 = vector.broadcast %reduce_min3A_160 : i32 to vector<16xi32>
      %reduce_min3A_162 = arith.xori %min3A_158, %reduce_min3A_161 : vector<16xi32>
      %reduce_min3A_163 = tpu.scan <min>, %reduce_min3A_162 masked %reduce_min3A_159 : vector<16xi32>, vector<16xi1> -> vector<16xi32>
      %reduce_min3A_164 = arith.xori %reduce_min3A_163, %reduce_min3A_161 : vector<16xi32>
      %reduce_min3A_165 = vector.extract %reduce_min3A_164[15] : i32 from vector<16xi32>
      %add3A_166 = arith.constant 256 : i32
      %add3A_167 = arith.addi %add3A_166, %add3A_123 : i32
      %get3A_168 = arith.index_cast %add3A_167 : i32 to index
      %get3A_169 = tpu.vector_load %arg8[%get3A_168] {strides = array<i32>} : memref<1040xi32, #tpu.memory_space<vmem>>, vector<16xi32>,
      %slice3A = vector.extract_strided_slice %get3A_169 {offsets = [0], sizes = [1], strides = [1]} : vector<16xi32> to vector<1xi32>
      %squeeze3A = vector.extract %slice3A[0] : i32 from vector<1xi32>
      %eq3A_170 = arith.constant 1 : i32
      %eq3A_171 = arith.cmpi eq, %squeeze3A, %eq3A_170 : i32
      %jit3A_172 = arith.constant 64 : i32
      %select_n3A_173 = arith.select %eq3A_171, %reduce_min3A_165, %jit3A_172 : i32
      %eq3A_174 = vector.broadcast %select_n3A_173 : i32 to vector<16xi32>
      %eq3A_175 = arith.cmpi eq, %add3A_5, %eq3A_174 : vector<16xi32>
      %jit3A_176 = arith.constant 1.000000e+00 : f32
      %jit3A_177 = arith.constant 0.000000e+00 : f32
      %broadcast_in_dim3A_178 = vector.broadcast %jit3A_176 : f32 to vector<16xf32>
      %broadcast_in_dim3A_179 = vector.broadcast %jit3A_177 : f32 to vector<16xf32>
      %select_n3A_180 = arith.select %eq3A_175, %broadcast_in_dim3A_178, %broadcast_in_dim3A_179 : vector<16xi1>, vector<16xf32>
      %add3A_181 = arith.addf %scan3A_108, %select_n3A_180 : vector<16xf32>
      %eq3A_182 = vector.broadcast %select_n3A_173 : i32 to vector<16xi32>
      %eq3A_183 = arith.cmpi eq, %add3A_9, %eq3A_182 : vector<16xi32>
      %jit3A_184 = arith.constant 1.000000e+00 : f32
      %jit3A_185 = arith.constant 0.000000e+00 : f32
      %broadcast_in_dim3A_186 = vector.broadcast %jit3A_184 : f32 to vector<16xf32>
      %broadcast_in_dim3A_187 = vector.broadcast %jit3A_185 : f32 to vector<16xf32>
      %select_n3A_188 = arith.select %eq3A_183, %broadcast_in_dim3A_186, %broadcast_in_dim3A_187 : vector<16xi1>, vector<16xf32>
      %add3A_189 = arith.addf %scan3A_109, %select_n3A_188 : vector<16xf32>
      %eq3A_190 = vector.broadcast %select_n3A_173 : i32 to vector<16xi32>
      %eq3A_191 = arith.cmpi eq, %add3A_13, %eq3A_190 : vector<16xi32>
      %jit3A_192 = arith.constant 1.000000e+00 : f32
      %jit3A_193 = arith.constant 0.000000e+00 : f32
      %broadcast_in_dim3A_194 = vector.broadcast %jit3A_192 : f32 to vector<16xf32>
      %broadcast_in_dim3A_195 = vector.broadcast %jit3A_193 : f32 to vector<16xf32>
      %select_n3A_196 = arith.select %eq3A_191, %broadcast_in_dim3A_194, %broadcast_in_dim3A_195 : vector<16xi1>, vector<16xf32>
      %add3A_197 = arith.addf %scan3A_110, %select_n3A_196 : vector<16xf32>
      %eq3A_198 = vector.broadcast %select_n3A_173 : i32 to vector<16xi32>
      %eq3A_199 = arith.cmpi eq, %add3A_17, %eq3A_198 : vector<16xi32>
      %jit3A_200 = arith.constant 1.000000e+00 : f32
      %jit3A_201 = arith.constant 0.000000e+00 : f32
      %broadcast_in_dim3A_202 = vector.broadcast %jit3A_200 : f32 to vector<16xf32>
      %broadcast_in_dim3A_203 = vector.broadcast %jit3A_201 : f32 to vector<16xf32>
      %select_n3A_204 = arith.select %eq3A_199, %broadcast_in_dim3A_202, %broadcast_in_dim3A_203 : vector<16xi1>, vector<16xf32>
      %add3A_205 = arith.addf %scan3A_111, %select_n3A_204 : vector<16xf32>
      %eq3A_206 = vector.broadcast %select_n3A_173 : i32 to vector<16xi32>
      %eq3A_207 = arith.cmpi eq, %add3A_5, %eq3A_206 : vector<16xi32>
      %jit3A_208 = arith.constant 0.000000e+00 : f32
      %broadcast_in_dim3A_209 = vector.broadcast %reduce_max3A_139 : f32 to vector<16xf32>
      %broadcast_in_dim3A_210 = vector.broadcast %jit3A_208 : f32 to vector<16xf32>
      %select_n3A_211 = arith.select %eq3A_207, %broadcast_in_dim3A_209, %broadcast_in_dim3A_210 : vector<16xi1>, vector<16xf32>
      %add3A_212 = arith.addf %scan3A_112, %select_n3A_211 : vector<16xf32>
      %eq3A_213 = vector.broadcast %select_n3A_173 : i32 to vector<16xi32>
      %eq3A_214 = arith.cmpi eq, %add3A_9, %eq3A_213 : vector<16xi32>
      %jit3A_215 = arith.constant 0.000000e+00 : f32
      %broadcast_in_dim3A_216 = vector.broadcast %reduce_max3A_139 : f32 to vector<16xf32>
      %broadcast_in_dim3A_217 = vector.broadcast %jit3A_215 : f32 to vector<16xf32>
      %select_n3A_218 = arith.select %eq3A_214, %broadcast_in_dim3A_216, %broadcast_in_dim3A_217 : vector<16xi1>, vector<16xf32>
      %add3A_219 = arith.addf %scan3A_113, %select_n3A_218 : vector<16xf32>
      %eq3A_220 = vector.broadcast %select_n3A_173 : i32 to vector<16xi32>
      %eq3A_221 = arith.cmpi eq, %add3A_13, %eq3A_220 : vector<16xi32>
      %jit3A_222 = arith.constant 0.000000e+00 : f32
      %broadcast_in_dim3A_223 = vector.broadcast %reduce_max3A_139 : f32 to vector<16xf32>
      %broadcast_in_dim3A_224 = vector.broadcast %jit3A_222 : f32 to vector<16xf32>
      %select_n3A_225 = arith.select %eq3A_221, %broadcast_in_dim3A_223, %broadcast_in_dim3A_224 : vector<16xi1>, vector<16xf32>
      %add3A_226 = arith.addf %scan3A_114, %select_n3A_225 : vector<16xf32>
      %eq3A_227 = vector.broadcast %select_n3A_173 : i32 to vector<16xi32>
      %eq3A_228 = arith.cmpi eq, %add3A_17, %eq3A_227 : vector<16xi32>
      %jit3A_229 = arith.constant 0.000000e+00 : f32
      %broadcast_in_dim3A_230 = vector.broadcast %reduce_max3A_139 : f32 to vector<16xf32>
      %broadcast_in_dim3A_231 = vector.broadcast %jit3A_229 : f32 to vector<16xf32>
      %select_n3A_232 = arith.select %eq3A_228, %broadcast_in_dim3A_230, %broadcast_in_dim3A_231 : vector<16xi1>, vector<16xf32>
      %add3A_233 = arith.addf %scan3A_115, %select_n3A_232 : vector<16xf32>
      %add3A_234 = arith.constant 1 : i32
      %add3A_235 = arith.addi %mul3A_121, %add3A_234 : i32
      %get3A_236 = arith.index_cast %add3A_235 : i32 to index
      %get3A_237 = arith.constant 0 : index
      %get3A_238 = tpu.vector_load %arg7[%get3A_236, %get3A_237] {strides = array<i32>} : memref<256x64xf32, #tpu.memory_space<vmem>>, vector<16xf32>,
      %get3A_239 = arith.index_cast %add3A_235 : i32 to index
      %get3A_240 = arith.constant 16 : index
      %get3A_241 = tpu.vector_load %arg7[%get3A_239, %get3A_240] {strides = array<i32>} : memref<256x64xf32, #tpu.memory_space<vmem>>, vector<16xf32>,
      %get3A_242 = arith.index_cast %add3A_235 : i32 to index
      %get3A_243 = arith.constant 32 : index
      %get3A_244 = tpu.vector_load %arg7[%get3A_242, %get3A_243] {strides = array<i32>} : memref<256x64xf32, #tpu.memory_space<vmem>>, vector<16xf32>,
      %get3A_245 = arith.index_cast %add3A_235 : i32 to index
      %get3A_246 = arith.constant 48 : index
      %get3A_247 = tpu.vector_load %arg7[%get3A_245, %get3A_246] {strides = array<i32>} : memref<256x64xf32, #tpu.memory_space<vmem>>, vector<16xf32>,
      %max3A_248 = arith.maximumf %get3A_238, %get3A_241 : vector<16xf32>
      %max3A_249 = arith.maximumf %get3A_244, %get3A_247 : vector<16xf32>
      %max3A_250 = arith.maximumf %max3A_248, %max3A_249 : vector<16xf32>
      %reduce_max3A_251 = arith.constant true
      %reduce_max3A_252 = vector.broadcast %reduce_max3A_251 : i1 to vector<16xi1>
      %reduce_max3A_253 = tpu.scan <max>, %max3A_250 masked %reduce_max3A_252 : vector<16xf32>, vector<16xi1> -> vector<16xf32>
      %reduce_max3A_254 = vector.extract %reduce_max3A_253[15] : f32 from vector<16xf32>
      %eq3A_255 = vector.broadcast %reduce_max3A_254 : f32 to vector<16xf32>
      %eq3A_256 = arith.cmpf oeq, %get3A_238, %eq3A_255 : vector<16xf32>
      %jit3A_257 = arith.constant 64 : i32
      %broadcast_in_dim3A_258 = vector.broadcast %jit3A_257 : i32 to vector<16xi32>
      %select_n3A_259 = arith.select %eq3A_256, %add3A_5, %broadcast_in_dim3A_258 : vector<16xi1>, vector<16xi32>
      %eq3A_260 = vector.broadcast %reduce_max3A_254 : f32 to vector<16xf32>
      %eq3A_261 = arith.cmpf oeq, %get3A_241, %eq3A_260 : vector<16xf32>
      %jit3A_262 = arith.constant 64 : i32
      %broadcast_in_dim3A_263 = vector.broadcast %jit3A_262 : i32 to vector<16xi32>
      %select_n3A_264 = arith.select %eq3A_261, %add3A_9, %broadcast_in_dim3A_263 : vector<16xi1>, vector<16xi32>
      %eq3A_265 = vector.broadcast %reduce_max3A_254 : f32 to vector<16xf32>
      %eq3A_266 = arith.cmpf oeq, %get3A_244, %eq3A_265 : vector<16xf32>
      %jit3A_267 = arith.constant 64 : i32
      %broadcast_in_dim3A_268 = vector.broadcast %jit3A_267 : i32 to vector<16xi32>
      %select_n3A_269 = arith.select %eq3A_266, %add3A_13, %broadcast_in_dim3A_268 : vector<16xi1>, vector<16xi32>
      %eq3A_270 = vector.broadcast %reduce_max3A_254 : f32 to vector<16xf32>
      %eq3A_271 = arith.cmpf oeq, %get3A_247, %eq3A_270 : vector<16xf32>
      %jit3A_272 = arith.constant 64 : i32
      %broadcast_in_dim3A_273 = vector.broadcast %jit3A_272 : i32 to vector<16xi32>
      %select_n3A_274 = arith.select %eq3A_271, %add3A_17, %broadcast_in_dim3A_273 : vector<16xi1>, vector<16xi32>
      %min3A_275 = arith.minsi %select_n3A_259, %select_n3A_264 : vector<16xi32>
      %min3A_276 = arith.minsi %select_n3A_269, %select_n3A_274 : vector<16xi32>
      %min3A_277 = arith.minsi %min3A_275, %min3A_276 : vector<16xi32>
      %reduce_min3A_278 = arith.constant true
      %reduce_min3A_279 = vector.broadcast %reduce_min3A_278 : i1 to vector<16xi1>
      %reduce_min3A_280 = arith.constant -2147483648 : i32
      %reduce_min3A_281 = vector.broadcast %reduce_min3A_280 : i32 to vector<16xi32>
      %reduce_min3A_282 = arith.xori %min3A_277, %reduce_min3A_281 : vector<16xi32>
      %reduce_min3A_283 = tpu.scan <min>, %reduce_min3A_282 masked %reduce_min3A_279 : vector<16xi32>, vector<16xi1> -> vector<16xi32>
      %reduce_min3A_284 = arith.xori %reduce_min3A_283, %reduce_min3A_281 : vector<16xi32>
      %reduce_min3A_285 = vector.extract %reduce_min3A_284[15] : i32 from vector<16xi32>
      %add3A_286 = arith.constant 256 : i32
      %add3A_287 = arith.addi %add3A_286, %add3A_235 : i32
      %get3A_288 = arith.index_cast %add3A_287 : i32 to index
      %get3A_289 = tpu.vector_load %arg8[%get3A_288] {strides = array<i32>} : memref<1040xi32, #tpu.memory_space<vmem>>, vector<16xi32>,
      %slice3A_290 = vector.extract_strided_slice %get3A_289 {offsets = [0], sizes = [1], strides = [1]} : vector<16xi32> to vector<1xi32>
      %squeeze3A_291 = vector.extract %slice3A_290[0] : i32 from vector<1xi32>
      %eq3A_292 = arith.constant 1 : i32
      %eq3A_293 = arith.cmpi eq, %squeeze3A_291, %eq3A_292 : i32
      %jit3A_294 = arith.constant 64 : i32
      %select_n3A_295 = arith.select %eq3A_293, %reduce_min3A_285, %jit3A_294 : i32
      %eq3A_296 = vector.broadcast %select_n3A_295 : i32 to vector<16xi32>
      %eq3A_297 = arith.cmpi eq, %add3A_5, %eq3A_296 : vector<16xi32>
      %jit3A_298 = arith.constant 1.000000e+00 : f32
      %jit3A_299 = arith.constant 0.000000e+00 : f32
      %broadcast_in_dim3A_300 = vector.broadcast %jit3A_298 : f32 to vector<16xf32>
      %broadcast_in_dim3A_301 = vector.broadcast %jit3A_299 : f32 to vector<16xf32>
      %select_n3A_302 = arith.select %eq3A_297, %broadcast_in_dim3A_300, %broadcast_in_dim3A_301 : vector<16xi1>, vector<16xf32>
      %add3A_303 = arith.addf %add3A_181, %select_n3A_302 : vector<16xf32>
      %eq3A_304 = vector.broadcast %select_n3A_295 : i32 to vector<16xi32>
      %eq3A_305 = arith.cmpi eq, %add3A_9, %eq3A_304 : vector<16xi32>
      %jit3A_306 = arith.constant 1.000000e+00 : f32
      %jit3A_307 = arith.constant 0.000000e+00 : f32
      %broadcast_in_dim3A_308 = vector.broadcast %jit3A_306 : f32 to vector<16xf32>
      %broadcast_in_dim3A_309 = vector.broadcast %jit3A_307 : f32 to vector<16xf32>
      %select_n3A_310 = arith.select %eq3A_305, %broadcast_in_dim3A_308, %broadcast_in_dim3A_309 : vector<16xi1>, vector<16xf32>
      %add3A_311 = arith.addf %add3A_189, %select_n3A_310 : vector<16xf32>
      %eq3A_312 = vector.broadcast %select_n3A_295 : i32 to vector<16xi32>
      %eq3A_313 = arith.cmpi eq, %add3A_13, %eq3A_312 : vector<16xi32>
      %jit3A_314 = arith.constant 1.000000e+00 : f32
      %jit3A_315 = arith.constant 0.000000e+00 : f32
      %broadcast_in_dim3A_316 = vector.broadcast %jit3A_314 : f32 to vector<16xf32>
      %broadcast_in_dim3A_317 = vector.broadcast %jit3A_315 : f32 to vector<16xf32>
      %select_n3A_318 = arith.select %eq3A_313, %broadcast_in_dim3A_316, %broadcast_in_dim3A_317 : vector<16xi1>, vector<16xf32>
      %add3A_319 = arith.addf %add3A_197, %select_n3A_318 : vector<16xf32>
      %eq3A_320 = vector.broadcast %select_n3A_295 : i32 to vector<16xi32>
      %eq3A_321 = arith.cmpi eq, %add3A_17, %eq3A_320 : vector<16xi32>
      %jit3A_322 = arith.constant 1.000000e+00 : f32
      %jit3A_323 = arith.constant 0.000000e+00 : f32
      %broadcast_in_dim3A_324 = vector.broadcast %jit3A_322 : f32 to vector<16xf32>
      %broadcast_in_dim3A_325 = vector.broadcast %jit3A_323 : f32 to vector<16xf32>
      %select_n3A_326 = arith.select %eq3A_321, %broadcast_in_dim3A_324, %broadcast_in_dim3A_325 : vector<16xi1>, vector<16xf32>
      %add3A_327 = arith.addf %add3A_205, %select_n3A_326 : vector<16xf32>
      %eq3A_328 = vector.broadcast %select_n3A_295 : i32 to vector<16xi32>
      %eq3A_329 = arith.cmpi eq, %add3A_5, %eq3A_328 : vector<16xi32>
      %jit3A_330 = arith.constant 0.000000e+00 : f32
      %broadcast_in_dim3A_331 = vector.broadcast %reduce_max3A_254 : f32 to vector<16xf32>
      %broadcast_in_dim3A_332 = vector.broadcast %jit3A_330 : f32 to vector<16xf32>
      %select_n3A_333 = arith.select %eq3A_329, %broadcast_in_dim3A_331, %broadcast_in_dim3A_332 : vector<16xi1>, vector<16xf32>
      %add3A_334 = arith.addf %add3A_212, %select_n3A_333 : vector<16xf32>
      %eq3A_335 = vector.broadcast %select_n3A_295 : i32 to vector<16xi32>
      %eq3A_336 = arith.cmpi eq, %add3A_9, %eq3A_335 : vector<16xi32>
      %jit3A_337 = arith.constant 0.000000e+00 : f32
      %broadcast_in_dim3A_338 = vector.broadcast %reduce_max3A_254 : f32 to vector<16xf32>
      %broadcast_in_dim3A_339 = vector.broadcast %jit3A_337 : f32 to vector<16xf32>
      %select_n3A_340 = arith.select %eq3A_336, %broadcast_in_dim3A_338, %broadcast_in_dim3A_339 : vector<16xi1>, vector<16xf32>
      %add3A_341 = arith.addf %add3A_219, %select_n3A_340 : vector<16xf32>
      %eq3A_342 = vector.broadcast %select_n3A_295 : i32 to vector<16xi32>
      %eq3A_343 = arith.cmpi eq, %add3A_13, %eq3A_342 : vector<16xi32>
      %jit3A_344 = arith.constant 0.000000e+00 : f32
      %broadcast_in_dim3A_345 = vector.broadcast %reduce_max3A_254 : f32 to vector<16xf32>
      %broadcast_in_dim3A_346 = vector.broadcast %jit3A_344 : f32 to vector<16xf32>
      %select_n3A_347 = arith.select %eq3A_343, %broadcast_in_dim3A_345, %broadcast_in_dim3A_346 : vector<16xi1>, vector<16xf32>
      %add3A_348 = arith.addf %add3A_226, %select_n3A_347 : vector<16xf32>
      %eq3A_349 = vector.broadcast %select_n3A_295 : i32 to vector<16xi32>
      %eq3A_350 = arith.cmpi eq, %add3A_17, %eq3A_349 : vector<16xi32>
      %jit3A_351 = arith.constant 0.000000e+00 : f32
      %broadcast_in_dim3A_352 = vector.broadcast %reduce_max3A_254 : f32 to vector<16xf32>
      %broadcast_in_dim3A_353 = vector.broadcast %jit3A_351 : f32 to vector<16xf32>
      %select_n3A_354 = arith.select %eq3A_350, %broadcast_in_dim3A_352, %broadcast_in_dim3A_353 : vector<16xi1>, vector<16xf32>
      %add3A_355 = arith.addf %add3A_233, %select_n3A_354 : vector<16xf32>
      scf.yield %add3A_303, %add3A_311, %add3A_319, %add3A_327, %add3A_334, %add3A_341, %add3A_348, %add3A_355 : vector<16xf32>, vector<16xf32>, vector<16xf32>, vector<16xf32>, vector<16xf32>, vector<16xf32>, vector<16xf32>, vector<16xf32>
    }
    %scan3A_65 = arith.constant 128 : i32
    %dma_wait3A_66 = arith.constant 0 : i32
    %dma_wait3A_67 = tpu.memref_slice %arg2[%add3A_55, %dma_wait3A_66] : memref<32768x64xf32, #tpu.memory_space<hbm>> -> memref<256x64xf32, #tpu.memory_space<hbm>>
    %dma_wait3A_68 = arith.constant 0 : i32
    %dma_wait3A_69 = tpu.memref_slice %arg2[%add3A_55, %dma_wait3A_68] : memref<32768x64xf32, #tpu.memory_space<hbm>> -> memref<256x64xf32, #tpu.memory_space<hbm>>
    tpu.wait_dma2 semaphore(%arg11 : memref<!tpu.dma_semaphore, #tpu.memory_space<semaphore_mem>>) src(%dma_wait3A_69 : memref<256x64xf32, #tpu.memory_space<hbm>>) dst(%arg6 : memref<256x64xf32, #tpu.memory_space<vmem>>)
    %add3A_70 = arith.constant 768 : i32
    %add3A_71 = arith.addi %mul3A_2, %add3A_70 : i32
    %dma_start3A_72 = arith.constant 0 : i32
    %dma_start3A_73 = tpu.memref_slice %arg2[%add3A_71, %dma_start3A_72] : memref<32768x64xf32, #tpu.memory_space<hbm>> -> memref<256x64xf32, #tpu.memory_space<hbm>>
    %dma_start3A_74 = arith.constant 0 : i32
    %dma_start3A_75 = tpu.memref_slice %arg2[%add3A_71, %dma_start3A_74] : memref<32768x64xf32, #tpu.memory_space<hbm>> -> memref<256x64xf32, #tpu.memory_space<hbm>>
    tpu.enqueue_dma source(%dma_start3A_75 : memref<256x64xf32, #tpu.memory_space<hbm>>) target(%arg7 : memref<256x64xf32, #tpu.memory_space<vmem>>) target_semaphore(%arg12 : memref<!tpu.dma_semaphore, #tpu.memory_space<semaphore_mem>>)
    %scan3A_76 = arith.constant 0 : i32
    %scan3A_77 = arith.constant 128 : i32
    %scan3A_78 = arith.addi %scan3A_76, %scan3A_77 : i32
    %scan3A_79 = arith.constant 1 : i32
    %scan3A_80:8 = scf.for %scan3A_107 = %scan3A_76 to %scan3A_78 step %scan3A_79 iter_args(%scan3A_108 = %scan3A_64#0, %scan3A_109 = %scan3A_64#1, %scan3A_110 = %scan3A_64#2, %scan3A_111 = %scan3A_64#3, %scan3A_112 = %scan3A_64#4, %scan3A_113 = %scan3A_64#5, %scan3A_114 = %scan3A_64#6, %scan3A_115 = %scan3A_64#7) -> (vector<16xf32>, vector<16xf32>, vector<16xf32>, vector<16xf32>, vector<16xf32>, vector<16xf32>, vector<16xf32>, vector<16xf32>)  : i32 {
      %mul3A_116 = arith.constant 1 : i32
      %mul3A_117 = arith.muli %scan3A_107, %mul3A_116 : i32
      %add3A_118 = arith.constant 0 : i32
      %add3A_119 = arith.addi %add3A_118, %mul3A_117 : i32
      %mul3A_120 = arith.constant 2 : i32
      %mul3A_121 = arith.muli %add3A_119, %mul3A_120 : i32
      %add3A_122 = arith.constant 0 : i32
      %add3A_123 = arith.addi %mul3A_121, %add3A_122 : i32
      %get3A = arith.index_cast %add3A_123 : i32 to index
      %get3A_124 = arith.constant 0 : index
      %get3A_125 = tpu.vector_load %arg6[%get3A, %get3A_124] {strides = array<i32>} : memref<256x64xf32, #tpu.memory_space<vmem>>, vector<16xf32>,
      %get3A_126 = arith.index_cast %add3A_123 : i32 to index
      %get3A_127 = arith.constant 16 : index
      %get3A_128 = tpu.vector_load %arg6[%get3A_126, %get3A_127] {strides = array<i32>} : memref<256x64xf32, #tpu.memory_space<vmem>>, vector<16xf32>,
      %get3A_129 = arith.index_cast %add3A_123 : i32 to index
      %get3A_130 = arith.constant 32 : index
      %get3A_131 = tpu.vector_load %arg6[%get3A_129, %get3A_130] {strides = array<i32>} : memref<256x64xf32, #tpu.memory_space<vmem>>, vector<16xf32>,
      %get3A_132 = arith.index_cast %add3A_123 : i32 to index
      %get3A_133 = arith.constant 48 : index
      %get3A_134 = tpu.vector_load %arg6[%get3A_132, %get3A_133] {strides = array<i32>} : memref<256x64xf32, #tpu.memory_space<vmem>>, vector<16xf32>,
      %max3A = arith.maximumf %get3A_125, %get3A_128 : vector<16xf32>
      %max3A_135 = arith.maximumf %get3A_131, %get3A_134 : vector<16xf32>
      %max3A_136 = arith.maximumf %max3A, %max3A_135 : vector<16xf32>
      %reduce_max3A = arith.constant true
      %reduce_max3A_137 = vector.broadcast %reduce_max3A : i1 to vector<16xi1>
      %reduce_max3A_138 = tpu.scan <max>, %max3A_136 masked %reduce_max3A_137 : vector<16xf32>, vector<16xi1> -> vector<16xf32>
      %reduce_max3A_139 = vector.extract %reduce_max3A_138[15] : f32 from vector<16xf32>
      %eq3A = vector.broadcast %reduce_max3A_139 : f32 to vector<16xf32>
      %eq3A_140 = arith.cmpf oeq, %get3A_125, %eq3A : vector<16xf32>
      %jit3A = arith.constant 64 : i32
      %broadcast_in_dim3A_141 = vector.broadcast %jit3A : i32 to vector<16xi32>
      %select_n3A = arith.select %eq3A_140, %add3A_5, %broadcast_in_dim3A_141 : vector<16xi1>, vector<16xi32>
      %eq3A_142 = vector.broadcast %reduce_max3A_139 : f32 to vector<16xf32>
      %eq3A_143 = arith.cmpf oeq, %get3A_128, %eq3A_142 : vector<16xf32>
      %jit3A_144 = arith.constant 64 : i32
      %broadcast_in_dim3A_145 = vector.broadcast %jit3A_144 : i32 to vector<16xi32>
      %select_n3A_146 = arith.select %eq3A_143, %add3A_9, %broadcast_in_dim3A_145 : vector<16xi1>, vector<16xi32>
      %eq3A_147 = vector.broadcast %reduce_max3A_139 : f32 to vector<16xf32>
      %eq3A_148 = arith.cmpf oeq, %get3A_131, %eq3A_147 : vector<16xf32>
      %jit3A_149 = arith.constant 64 : i32
      %broadcast_in_dim3A_150 = vector.broadcast %jit3A_149 : i32 to vector<16xi32>
      %select_n3A_151 = arith.select %eq3A_148, %add3A_13, %broadcast_in_dim3A_150 : vector<16xi1>, vector<16xi32>
      %eq3A_152 = vector.broadcast %reduce_max3A_139 : f32 to vector<16xf32>
      %eq3A_153 = arith.cmpf oeq, %get3A_134, %eq3A_152 : vector<16xf32>
      %jit3A_154 = arith.constant 64 : i32
      %broadcast_in_dim3A_155 = vector.broadcast %jit3A_154 : i32 to vector<16xi32>
      %select_n3A_156 = arith.select %eq3A_153, %add3A_17, %broadcast_in_dim3A_155 : vector<16xi1>, vector<16xi32>
      %min3A = arith.minsi %select_n3A, %select_n3A_146 : vector<16xi32>
      %min3A_157 = arith.minsi %select_n3A_151, %select_n3A_156 : vector<16xi32>
      %min3A_158 = arith.minsi %min3A, %min3A_157 : vector<16xi32>
      %reduce_min3A = arith.constant true
      %reduce_min3A_159 = vector.broadcast %reduce_min3A : i1 to vector<16xi1>
      %reduce_min3A_160 = arith.constant -2147483648 : i32
      %reduce_min3A_161 = vector.broadcast %reduce_min3A_160 : i32 to vector<16xi32>
      %reduce_min3A_162 = arith.xori %min3A_158, %reduce_min3A_161 : vector<16xi32>
      %reduce_min3A_163 = tpu.scan <min>, %reduce_min3A_162 masked %reduce_min3A_159 : vector<16xi32>, vector<16xi1> -> vector<16xi32>
      %reduce_min3A_164 = arith.xori %reduce_min3A_163, %reduce_min3A_161 : vector<16xi32>
      %reduce_min3A_165 = vector.extract %reduce_min3A_164[15] : i32 from vector<16xi32>
      %add3A_166 = arith.constant 512 : i32
      %add3A_167 = arith.addi %add3A_166, %add3A_123 : i32
      %get3A_168 = arith.index_cast %add3A_167 : i32 to index
      %get3A_169 = tpu.vector_load %arg8[%get3A_168] {strides = array<i32>} : memref<1040xi32, #tpu.memory_space<vmem>>, vector<16xi32>,
      %slice3A = vector.extract_strided_slice %get3A_169 {offsets = [0], sizes = [1], strides = [1]} : vector<16xi32> to vector<1xi32>
      %squeeze3A = vector.extract %slice3A[0] : i32 from vector<1xi32>
      %eq3A_170 = arith.constant 1 : i32
      %eq3A_171 = arith.cmpi eq, %squeeze3A, %eq3A_170 : i32
      %jit3A_172 = arith.constant 64 : i32
      %select_n3A_173 = arith.select %eq3A_171, %reduce_min3A_165, %jit3A_172 : i32
      %eq3A_174 = vector.broadcast %select_n3A_173 : i32 to vector<16xi32>
      %eq3A_175 = arith.cmpi eq, %add3A_5, %eq3A_174 : vector<16xi32>
      %jit3A_176 = arith.constant 1.000000e+00 : f32
      %jit3A_177 = arith.constant 0.000000e+00 : f32
      %broadcast_in_dim3A_178 = vector.broadcast %jit3A_176 : f32 to vector<16xf32>
      %broadcast_in_dim3A_179 = vector.broadcast %jit3A_177 : f32 to vector<16xf32>
      %select_n3A_180 = arith.select %eq3A_175, %broadcast_in_dim3A_178, %broadcast_in_dim3A_179 : vector<16xi1>, vector<16xf32>
      %add3A_181 = arith.addf %scan3A_108, %select_n3A_180 : vector<16xf32>
      %eq3A_182 = vector.broadcast %select_n3A_173 : i32 to vector<16xi32>
      %eq3A_183 = arith.cmpi eq, %add3A_9, %eq3A_182 : vector<16xi32>
      %jit3A_184 = arith.constant 1.000000e+00 : f32
      %jit3A_185 = arith.constant 0.000000e+00 : f32
      %broadcast_in_dim3A_186 = vector.broadcast %jit3A_184 : f32 to vector<16xf32>
      %broadcast_in_dim3A_187 = vector.broadcast %jit3A_185 : f32 to vector<16xf32>
      %select_n3A_188 = arith.select %eq3A_183, %broadcast_in_dim3A_186, %broadcast_in_dim3A_187 : vector<16xi1>, vector<16xf32>
      %add3A_189 = arith.addf %scan3A_109, %select_n3A_188 : vector<16xf32>
      %eq3A_190 = vector.broadcast %select_n3A_173 : i32 to vector<16xi32>
      %eq3A_191 = arith.cmpi eq, %add3A_13, %eq3A_190 : vector<16xi32>
      %jit3A_192 = arith.constant 1.000000e+00 : f32
      %jit3A_193 = arith.constant 0.000000e+00 : f32
      %broadcast_in_dim3A_194 = vector.broadcast %jit3A_192 : f32 to vector<16xf32>
      %broadcast_in_dim3A_195 = vector.broadcast %jit3A_193 : f32 to vector<16xf32>
      %select_n3A_196 = arith.select %eq3A_191, %broadcast_in_dim3A_194, %broadcast_in_dim3A_195 : vector<16xi1>, vector<16xf32>
      %add3A_197 = arith.addf %scan3A_110, %select_n3A_196 : vector<16xf32>
      %eq3A_198 = vector.broadcast %select_n3A_173 : i32 to vector<16xi32>
      %eq3A_199 = arith.cmpi eq, %add3A_17, %eq3A_198 : vector<16xi32>
      %jit3A_200 = arith.constant 1.000000e+00 : f32
      %jit3A_201 = arith.constant 0.000000e+00 : f32
      %broadcast_in_dim3A_202 = vector.broadcast %jit3A_200 : f32 to vector<16xf32>
      %broadcast_in_dim3A_203 = vector.broadcast %jit3A_201 : f32 to vector<16xf32>
      %select_n3A_204 = arith.select %eq3A_199, %broadcast_in_dim3A_202, %broadcast_in_dim3A_203 : vector<16xi1>, vector<16xf32>
      %add3A_205 = arith.addf %scan3A_111, %select_n3A_204 : vector<16xf32>
      %eq3A_206 = vector.broadcast %select_n3A_173 : i32 to vector<16xi32>
      %eq3A_207 = arith.cmpi eq, %add3A_5, %eq3A_206 : vector<16xi32>
      %jit3A_208 = arith.constant 0.000000e+00 : f32
      %broadcast_in_dim3A_209 = vector.broadcast %reduce_max3A_139 : f32 to vector<16xf32>
      %broadcast_in_dim3A_210 = vector.broadcast %jit3A_208 : f32 to vector<16xf32>
      %select_n3A_211 = arith.select %eq3A_207, %broadcast_in_dim3A_209, %broadcast_in_dim3A_210 : vector<16xi1>, vector<16xf32>
      %add3A_212 = arith.addf %scan3A_112, %select_n3A_211 : vector<16xf32>
      %eq3A_213 = vector.broadcast %select_n3A_173 : i32 to vector<16xi32>
      %eq3A_214 = arith.cmpi eq, %add3A_9, %eq3A_213 : vector<16xi32>
      %jit3A_215 = arith.constant 0.000000e+00 : f32
      %broadcast_in_dim3A_216 = vector.broadcast %reduce_max3A_139 : f32 to vector<16xf32>
      %broadcast_in_dim3A_217 = vector.broadcast %jit3A_215 : f32 to vector<16xf32>
      %select_n3A_218 = arith.select %eq3A_214, %broadcast_in_dim3A_216, %broadcast_in_dim3A_217 : vector<16xi1>, vector<16xf32>
      %add3A_219 = arith.addf %scan3A_113, %select_n3A_218 : vector<16xf32>
      %eq3A_220 = vector.broadcast %select_n3A_173 : i32 to vector<16xi32>
      %eq3A_221 = arith.cmpi eq, %add3A_13, %eq3A_220 : vector<16xi32>
      %jit3A_222 = arith.constant 0.000000e+00 : f32
      %broadcast_in_dim3A_223 = vector.broadcast %reduce_max3A_139 : f32 to vector<16xf32>
      %broadcast_in_dim3A_224 = vector.broadcast %jit3A_222 : f32 to vector<16xf32>
      %select_n3A_225 = arith.select %eq3A_221, %broadcast_in_dim3A_223, %broadcast_in_dim3A_224 : vector<16xi1>, vector<16xf32>
      %add3A_226 = arith.addf %scan3A_114, %select_n3A_225 : vector<16xf32>
      %eq3A_227 = vector.broadcast %select_n3A_173 : i32 to vector<16xi32>
      %eq3A_228 = arith.cmpi eq, %add3A_17, %eq3A_227 : vector<16xi32>
      %jit3A_229 = arith.constant 0.000000e+00 : f32
      %broadcast_in_dim3A_230 = vector.broadcast %reduce_max3A_139 : f32 to vector<16xf32>
      %broadcast_in_dim3A_231 = vector.broadcast %jit3A_229 : f32 to vector<16xf32>
      %select_n3A_232 = arith.select %eq3A_228, %broadcast_in_dim3A_230, %broadcast_in_dim3A_231 : vector<16xi1>, vector<16xf32>
      %add3A_233 = arith.addf %scan3A_115, %select_n3A_232 : vector<16xf32>
      %add3A_234 = arith.constant 1 : i32
      %add3A_235 = arith.addi %mul3A_121, %add3A_234 : i32
      %get3A_236 = arith.index_cast %add3A_235 : i32 to index
      %get3A_237 = arith.constant 0 : index
      %get3A_238 = tpu.vector_load %arg6[%get3A_236, %get3A_237] {strides = array<i32>} : memref<256x64xf32, #tpu.memory_space<vmem>>, vector<16xf32>,
      %get3A_239 = arith.index_cast %add3A_235 : i32 to index
      %get3A_240 = arith.constant 16 : index
      %get3A_241 = tpu.vector_load %arg6[%get3A_239, %get3A_240] {strides = array<i32>} : memref<256x64xf32, #tpu.memory_space<vmem>>, vector<16xf32>,
      %get3A_242 = arith.index_cast %add3A_235 : i32 to index
      %get3A_243 = arith.constant 32 : index
      %get3A_244 = tpu.vector_load %arg6[%get3A_242, %get3A_243] {strides = array<i32>} : memref<256x64xf32, #tpu.memory_space<vmem>>, vector<16xf32>,
      %get3A_245 = arith.index_cast %add3A_235 : i32 to index
      %get3A_246 = arith.constant 48 : index
      %get3A_247 = tpu.vector_load %arg6[%get3A_245, %get3A_246] {strides = array<i32>} : memref<256x64xf32, #tpu.memory_space<vmem>>, vector<16xf32>,
      %max3A_248 = arith.maximumf %get3A_238, %get3A_241 : vector<16xf32>
      %max3A_249 = arith.maximumf %get3A_244, %get3A_247 : vector<16xf32>
      %max3A_250 = arith.maximumf %max3A_248, %max3A_249 : vector<16xf32>
      %reduce_max3A_251 = arith.constant true
      %reduce_max3A_252 = vector.broadcast %reduce_max3A_251 : i1 to vector<16xi1>
      %reduce_max3A_253 = tpu.scan <max>, %max3A_250 masked %reduce_max3A_252 : vector<16xf32>, vector<16xi1> -> vector<16xf32>
      %reduce_max3A_254 = vector.extract %reduce_max3A_253[15] : f32 from vector<16xf32>
      %eq3A_255 = vector.broadcast %reduce_max3A_254 : f32 to vector<16xf32>
      %eq3A_256 = arith.cmpf oeq, %get3A_238, %eq3A_255 : vector<16xf32>
      %jit3A_257 = arith.constant 64 : i32
      %broadcast_in_dim3A_258 = vector.broadcast %jit3A_257 : i32 to vector<16xi32>
      %select_n3A_259 = arith.select %eq3A_256, %add3A_5, %broadcast_in_dim3A_258 : vector<16xi1>, vector<16xi32>
      %eq3A_260 = vector.broadcast %reduce_max3A_254 : f32 to vector<16xf32>
      %eq3A_261 = arith.cmpf oeq, %get3A_241, %eq3A_260 : vector<16xf32>
      %jit3A_262 = arith.constant 64 : i32
      %broadcast_in_dim3A_263 = vector.broadcast %jit3A_262 : i32 to vector<16xi32>
      %select_n3A_264 = arith.select %eq3A_261, %add3A_9, %broadcast_in_dim3A_263 : vector<16xi1>, vector<16xi32>
      %eq3A_265 = vector.broadcast %reduce_max3A_254 : f32 to vector<16xf32>
      %eq3A_266 = arith.cmpf oeq, %get3A_244, %eq3A_265 : vector<16xf32>
      %jit3A_267 = arith.constant 64 : i32
      %broadcast_in_dim3A_268 = vector.broadcast %jit3A_267 : i32 to vector<16xi32>
      %select_n3A_269 = arith.select %eq3A_266, %add3A_13, %broadcast_in_dim3A_268 : vector<16xi1>, vector<16xi32>
      %eq3A_270 = vector.broadcast %reduce_max3A_254 : f32 to vector<16xf32>
      %eq3A_271 = arith.cmpf oeq, %get3A_247, %eq3A_270 : vector<16xf32>
      %jit3A_272 = arith.constant 64 : i32
      %broadcast_in_dim3A_273 = vector.broadcast %jit3A_272 : i32 to vector<16xi32>
      %select_n3A_274 = arith.select %eq3A_271, %add3A_17, %broadcast_in_dim3A_273 : vector<16xi1>, vector<16xi32>
      %min3A_275 = arith.minsi %select_n3A_259, %select_n3A_264 : vector<16xi32>
      %min3A_276 = arith.minsi %select_n3A_269, %select_n3A_274 : vector<16xi32>
      %min3A_277 = arith.minsi %min3A_275, %min3A_276 : vector<16xi32>
      %reduce_min3A_278 = arith.constant true
      %reduce_min3A_279 = vector.broadcast %reduce_min3A_278 : i1 to vector<16xi1>
      %reduce_min3A_280 = arith.constant -2147483648 : i32
      %reduce_min3A_281 = vector.broadcast %reduce_min3A_280 : i32 to vector<16xi32>
      %reduce_min3A_282 = arith.xori %min3A_277, %reduce_min3A_281 : vector<16xi32>
      %reduce_min3A_283 = tpu.scan <min>, %reduce_min3A_282 masked %reduce_min3A_279 : vector<16xi32>, vector<16xi1> -> vector<16xi32>
      %reduce_min3A_284 = arith.xori %reduce_min3A_283, %reduce_min3A_281 : vector<16xi32>
      %reduce_min3A_285 = vector.extract %reduce_min3A_284[15] : i32 from vector<16xi32>
      %add3A_286 = arith.constant 512 : i32
      %add3A_287 = arith.addi %add3A_286, %add3A_235 : i32
      %get3A_288 = arith.index_cast %add3A_287 : i32 to index
      %get3A_289 = tpu.vector_load %arg8[%get3A_288] {strides = array<i32>} : memref<1040xi32, #tpu.memory_space<vmem>>, vector<16xi32>,
      %slice3A_290 = vector.extract_strided_slice %get3A_289 {offsets = [0], sizes = [1], strides = [1]} : vector<16xi32> to vector<1xi32>
      %squeeze3A_291 = vector.extract %slice3A_290[0] : i32 from vector<1xi32>
      %eq3A_292 = arith.constant 1 : i32
      %eq3A_293 = arith.cmpi eq, %squeeze3A_291, %eq3A_292 : i32
      %jit3A_294 = arith.constant 64 : i32
      %select_n3A_295 = arith.select %eq3A_293, %reduce_min3A_285, %jit3A_294 : i32
      %eq3A_296 = vector.broadcast %select_n3A_295 : i32 to vector<16xi32>
      %eq3A_297 = arith.cmpi eq, %add3A_5, %eq3A_296 : vector<16xi32>
      %jit3A_298 = arith.constant 1.000000e+00 : f32
      %jit3A_299 = arith.constant 0.000000e+00 : f32
      %broadcast_in_dim3A_300 = vector.broadcast %jit3A_298 : f32 to vector<16xf32>
      %broadcast_in_dim3A_301 = vector.broadcast %jit3A_299 : f32 to vector<16xf32>
      %select_n3A_302 = arith.select %eq3A_297, %broadcast_in_dim3A_300, %broadcast_in_dim3A_301 : vector<16xi1>, vector<16xf32>
      %add3A_303 = arith.addf %add3A_181, %select_n3A_302 : vector<16xf32>
      %eq3A_304 = vector.broadcast %select_n3A_295 : i32 to vector<16xi32>
      %eq3A_305 = arith.cmpi eq, %add3A_9, %eq3A_304 : vector<16xi32>
      %jit3A_306 = arith.constant 1.000000e+00 : f32
      %jit3A_307 = arith.constant 0.000000e+00 : f32
      %broadcast_in_dim3A_308 = vector.broadcast %jit3A_306 : f32 to vector<16xf32>
      %broadcast_in_dim3A_309 = vector.broadcast %jit3A_307 : f32 to vector<16xf32>
      %select_n3A_310 = arith.select %eq3A_305, %broadcast_in_dim3A_308, %broadcast_in_dim3A_309 : vector<16xi1>, vector<16xf32>
      %add3A_311 = arith.addf %add3A_189, %select_n3A_310 : vector<16xf32>
      %eq3A_312 = vector.broadcast %select_n3A_295 : i32 to vector<16xi32>
      %eq3A_313 = arith.cmpi eq, %add3A_13, %eq3A_312 : vector<16xi32>
      %jit3A_314 = arith.constant 1.000000e+00 : f32
      %jit3A_315 = arith.constant 0.000000e+00 : f32
      %broadcast_in_dim3A_316 = vector.broadcast %jit3A_314 : f32 to vector<16xf32>
      %broadcast_in_dim3A_317 = vector.broadcast %jit3A_315 : f32 to vector<16xf32>
      %select_n3A_318 = arith.select %eq3A_313, %broadcast_in_dim3A_316, %broadcast_in_dim3A_317 : vector<16xi1>, vector<16xf32>
      %add3A_319 = arith.addf %add3A_197, %select_n3A_318 : vector<16xf32>
      %eq3A_320 = vector.broadcast %select_n3A_295 : i32 to vector<16xi32>
      %eq3A_321 = arith.cmpi eq, %add3A_17, %eq3A_320 : vector<16xi32>
      %jit3A_322 = arith.constant 1.000000e+00 : f32
      %jit3A_323 = arith.constant 0.000000e+00 : f32
      %broadcast_in_dim3A_324 = vector.broadcast %jit3A_322 : f32 to vector<16xf32>
      %broadcast_in_dim3A_325 = vector.broadcast %jit3A_323 : f32 to vector<16xf32>
      %select_n3A_326 = arith.select %eq3A_321, %broadcast_in_dim3A_324, %broadcast_in_dim3A_325 : vector<16xi1>, vector<16xf32>
      %add3A_327 = arith.addf %add3A_205, %select_n3A_326 : vector<16xf32>
      %eq3A_328 = vector.broadcast %select_n3A_295 : i32 to vector<16xi32>
      %eq3A_329 = arith.cmpi eq, %add3A_5, %eq3A_328 : vector<16xi32>
      %jit3A_330 = arith.constant 0.000000e+00 : f32
      %broadcast_in_dim3A_331 = vector.broadcast %reduce_max3A_254 : f32 to vector<16xf32>
      %broadcast_in_dim3A_332 = vector.broadcast %jit3A_330 : f32 to vector<16xf32>
      %select_n3A_333 = arith.select %eq3A_329, %broadcast_in_dim3A_331, %broadcast_in_dim3A_332 : vector<16xi1>, vector<16xf32>
      %add3A_334 = arith.addf %add3A_212, %select_n3A_333 : vector<16xf32>
      %eq3A_335 = vector.broadcast %select_n3A_295 : i32 to vector<16xi32>
      %eq3A_336 = arith.cmpi eq, %add3A_9, %eq3A_335 : vector<16xi32>
      %jit3A_337 = arith.constant 0.000000e+00 : f32
      %broadcast_in_dim3A_338 = vector.broadcast %reduce_max3A_254 : f32 to vector<16xf32>
      %broadcast_in_dim3A_339 = vector.broadcast %jit3A_337 : f32 to vector<16xf32>
      %select_n3A_340 = arith.select %eq3A_336, %broadcast_in_dim3A_338, %broadcast_in_dim3A_339 : vector<16xi1>, vector<16xf32>
      %add3A_341 = arith.addf %add3A_219, %select_n3A_340 : vector<16xf32>
      %eq3A_342 = vector.broadcast %select_n3A_295 : i32 to vector<16xi32>
      %eq3A_343 = arith.cmpi eq, %add3A_13, %eq3A_342 : vector<16xi32>
      %jit3A_344 = arith.constant 0.000000e+00 : f32
      %broadcast_in_dim3A_345 = vector.broadcast %reduce_max3A_254 : f32 to vector<16xf32>
      %broadcast_in_dim3A_346 = vector.broadcast %jit3A_344 : f32 to vector<16xf32>
      %select_n3A_347 = arith.select %eq3A_343, %broadcast_in_dim3A_345, %broadcast_in_dim3A_346 : vector<16xi1>, vector<16xf32>
      %add3A_348 = arith.addf %add3A_226, %select_n3A_347 : vector<16xf32>
      %eq3A_349 = vector.broadcast %select_n3A_295 : i32 to vector<16xi32>
      %eq3A_350 = arith.cmpi eq, %add3A_17, %eq3A_349 : vector<16xi32>
      %jit3A_351 = arith.constant 0.000000e+00 : f32
      %broadcast_in_dim3A_352 = vector.broadcast %reduce_max3A_254 : f32 to vector<16xf32>
      %broadcast_in_dim3A_353 = vector.broadcast %jit3A_351 : f32 to vector<16xf32>
      %select_n3A_354 = arith.select %eq3A_350, %broadcast_in_dim3A_352, %broadcast_in_dim3A_353 : vector<16xi1>, vector<16xf32>
      %add3A_355 = arith.addf %add3A_233, %select_n3A_354 : vector<16xf32>
      scf.yield %add3A_303, %add3A_311, %add3A_319, %add3A_327, %add3A_334, %add3A_341, %add3A_348, %add3A_355 : vector<16xf32>, vector<16xf32>, vector<16xf32>, vector<16xf32>, vector<16xf32>, vector<16xf32>, vector<16xf32>, vector<16xf32>
    }
    %scan3A_81 = arith.constant 128 : i32
    %dma_wait3A_82 = arith.constant 0 : i32
    %dma_wait3A_83 = tpu.memref_slice %arg2[%add3A_71, %dma_wait3A_82] : memref<32768x64xf32, #tpu.memory_space<hbm>> -> memref<256x64xf32, #tpu.memory_space<hbm>>
    %dma_wait3A_84 = arith.constant 0 : i32
    %dma_wait3A_85 = tpu.memref_slice %arg2[%add3A_71, %dma_wait3A_84] : memref<32768x64xf32, #tpu.memory_space<hbm>> -> memref<256x64xf32, #tpu.memory_space<hbm>>
    tpu.wait_dma2 semaphore(%arg12 : memref<!tpu.dma_semaphore, #tpu.memory_space<semaphore_mem>>) src(%dma_wait3A_85 : memref<256x64xf32, #tpu.memory_space<hbm>>) dst(%arg7 : memref<256x64xf32, #tpu.memory_space<vmem>>)
    %scan3A_86 = arith.constant 0 : i32
    %scan3A_87 = arith.constant 128 : i32
    %scan3A_88 = arith.addi %scan3A_86, %scan3A_87 : i32
    %scan3A_89 = arith.constant 1 : i32
    %scan3A_90:8 = scf.for %scan3A_107 = %scan3A_86 to %scan3A_88 step %scan3A_89 iter_args(%scan3A_108 = %scan3A_80#0, %scan3A_109 = %scan3A_80#1, %scan3A_110 = %scan3A_80#2, %scan3A_111 = %scan3A_80#3, %scan3A_112 = %scan3A_80#4, %scan3A_113 = %scan3A_80#5, %scan3A_114 = %scan3A_80#6, %scan3A_115 = %scan3A_80#7) -> (vector<16xf32>, vector<16xf32>, vector<16xf32>, vector<16xf32>, vector<16xf32>, vector<16xf32>, vector<16xf32>, vector<16xf32>)  : i32 {
      %mul3A_116 = arith.constant 1 : i32
      %mul3A_117 = arith.muli %scan3A_107, %mul3A_116 : i32
      %add3A_118 = arith.constant 0 : i32
      %add3A_119 = arith.addi %add3A_118, %mul3A_117 : i32
      %mul3A_120 = arith.constant 2 : i32
      %mul3A_121 = arith.muli %add3A_119, %mul3A_120 : i32
      %add3A_122 = arith.constant 0 : i32
      %add3A_123 = arith.addi %mul3A_121, %add3A_122 : i32
      %get3A = arith.index_cast %add3A_123 : i32 to index
      %get3A_124 = arith.constant 0 : index
      %get3A_125 = tpu.vector_load %arg7[%get3A, %get3A_124] {strides = array<i32>} : memref<256x64xf32, #tpu.memory_space<vmem>>, vector<16xf32>,
      %get3A_126 = arith.index_cast %add3A_123 : i32 to index
      %get3A_127 = arith.constant 16 : index
      %get3A_128 = tpu.vector_load %arg7[%get3A_126, %get3A_127] {strides = array<i32>} : memref<256x64xf32, #tpu.memory_space<vmem>>, vector<16xf32>,
      %get3A_129 = arith.index_cast %add3A_123 : i32 to index
      %get3A_130 = arith.constant 32 : index
      %get3A_131 = tpu.vector_load %arg7[%get3A_129, %get3A_130] {strides = array<i32>} : memref<256x64xf32, #tpu.memory_space<vmem>>, vector<16xf32>,
      %get3A_132 = arith.index_cast %add3A_123 : i32 to index
      %get3A_133 = arith.constant 48 : index
      %get3A_134 = tpu.vector_load %arg7[%get3A_132, %get3A_133] {strides = array<i32>} : memref<256x64xf32, #tpu.memory_space<vmem>>, vector<16xf32>,
      %max3A = arith.maximumf %get3A_125, %get3A_128 : vector<16xf32>
      %max3A_135 = arith.maximumf %get3A_131, %get3A_134 : vector<16xf32>
      %max3A_136 = arith.maximumf %max3A, %max3A_135 : vector<16xf32>
      %reduce_max3A = arith.constant true
      %reduce_max3A_137 = vector.broadcast %reduce_max3A : i1 to vector<16xi1>
      %reduce_max3A_138 = tpu.scan <max>, %max3A_136 masked %reduce_max3A_137 : vector<16xf32>, vector<16xi1> -> vector<16xf32>
      %reduce_max3A_139 = vector.extract %reduce_max3A_138[15] : f32 from vector<16xf32>
      %eq3A = vector.broadcast %reduce_max3A_139 : f32 to vector<16xf32>
      %eq3A_140 = arith.cmpf oeq, %get3A_125, %eq3A : vector<16xf32>
      %jit3A = arith.constant 64 : i32
      %broadcast_in_dim3A_141 = vector.broadcast %jit3A : i32 to vector<16xi32>
      %select_n3A = arith.select %eq3A_140, %add3A_5, %broadcast_in_dim3A_141 : vector<16xi1>, vector<16xi32>
      %eq3A_142 = vector.broadcast %reduce_max3A_139 : f32 to vector<16xf32>
      %eq3A_143 = arith.cmpf oeq, %get3A_128, %eq3A_142 : vector<16xf32>
      %jit3A_144 = arith.constant 64 : i32
      %broadcast_in_dim3A_145 = vector.broadcast %jit3A_144 : i32 to vector<16xi32>
      %select_n3A_146 = arith.select %eq3A_143, %add3A_9, %broadcast_in_dim3A_145 : vector<16xi1>, vector<16xi32>
      %eq3A_147 = vector.broadcast %reduce_max3A_139 : f32 to vector<16xf32>
      %eq3A_148 = arith.cmpf oeq, %get3A_131, %eq3A_147 : vector<16xf32>
      %jit3A_149 = arith.constant 64 : i32
      %broadcast_in_dim3A_150 = vector.broadcast %jit3A_149 : i32 to vector<16xi32>
      %select_n3A_151 = arith.select %eq3A_148, %add3A_13, %broadcast_in_dim3A_150 : vector<16xi1>, vector<16xi32>
      %eq3A_152 = vector.broadcast %reduce_max3A_139 : f32 to vector<16xf32>
      %eq3A_153 = arith.cmpf oeq, %get3A_134, %eq3A_152 : vector<16xf32>
      %jit3A_154 = arith.constant 64 : i32
      %broadcast_in_dim3A_155 = vector.broadcast %jit3A_154 : i32 to vector<16xi32>
      %select_n3A_156 = arith.select %eq3A_153, %add3A_17, %broadcast_in_dim3A_155 : vector<16xi1>, vector<16xi32>
      %min3A = arith.minsi %select_n3A, %select_n3A_146 : vector<16xi32>
      %min3A_157 = arith.minsi %select_n3A_151, %select_n3A_156 : vector<16xi32>
      %min3A_158 = arith.minsi %min3A, %min3A_157 : vector<16xi32>
      %reduce_min3A = arith.constant true
      %reduce_min3A_159 = vector.broadcast %reduce_min3A : i1 to vector<16xi1>
      %reduce_min3A_160 = arith.constant -2147483648 : i32
      %reduce_min3A_161 = vector.broadcast %reduce_min3A_160 : i32 to vector<16xi32>
      %reduce_min3A_162 = arith.xori %min3A_158, %reduce_min3A_161 : vector<16xi32>
      %reduce_min3A_163 = tpu.scan <min>, %reduce_min3A_162 masked %reduce_min3A_159 : vector<16xi32>, vector<16xi1> -> vector<16xi32>
      %reduce_min3A_164 = arith.xori %reduce_min3A_163, %reduce_min3A_161 : vector<16xi32>
      %reduce_min3A_165 = vector.extract %reduce_min3A_164[15] : i32 from vector<16xi32>
      %add3A_166 = arith.constant 768 : i32
      %add3A_167 = arith.addi %add3A_166, %add3A_123 : i32
      %get3A_168 = arith.index_cast %add3A_167 : i32 to index
      %get3A_169 = tpu.vector_load %arg8[%get3A_168] {strides = array<i32>} : memref<1040xi32, #tpu.memory_space<vmem>>, vector<16xi32>,
      %slice3A = vector.extract_strided_slice %get3A_169 {offsets = [0], sizes = [1], strides = [1]} : vector<16xi32> to vector<1xi32>
      %squeeze3A = vector.extract %slice3A[0] : i32 from vector<1xi32>
      %eq3A_170 = arith.constant 1 : i32
      %eq3A_171 = arith.cmpi eq, %squeeze3A, %eq3A_170 : i32
      %jit3A_172 = arith.constant 64 : i32
      %select_n3A_173 = arith.select %eq3A_171, %reduce_min3A_165, %jit3A_172 : i32
      %eq3A_174 = vector.broadcast %select_n3A_173 : i32 to vector<16xi32>
      %eq3A_175 = arith.cmpi eq, %add3A_5, %eq3A_174 : vector<16xi32>
      %jit3A_176 = arith.constant 1.000000e+00 : f32
      %jit3A_177 = arith.constant 0.000000e+00 : f32
      %broadcast_in_dim3A_178 = vector.broadcast %jit3A_176 : f32 to vector<16xf32>
      %broadcast_in_dim3A_179 = vector.broadcast %jit3A_177 : f32 to vector<16xf32>
      %select_n3A_180 = arith.select %eq3A_175, %broadcast_in_dim3A_178, %broadcast_in_dim3A_179 : vector<16xi1>, vector<16xf32>
      %add3A_181 = arith.addf %scan3A_108, %select_n3A_180 : vector<16xf32>
      %eq3A_182 = vector.broadcast %select_n3A_173 : i32 to vector<16xi32>
      %eq3A_183 = arith.cmpi eq, %add3A_9, %eq3A_182 : vector<16xi32>
      %jit3A_184 = arith.constant 1.000000e+00 : f32
      %jit3A_185 = arith.constant 0.000000e+00 : f32
      %broadcast_in_dim3A_186 = vector.broadcast %jit3A_184 : f32 to vector<16xf32>
      %broadcast_in_dim3A_187 = vector.broadcast %jit3A_185 : f32 to vector<16xf32>
      %select_n3A_188 = arith.select %eq3A_183, %broadcast_in_dim3A_186, %broadcast_in_dim3A_187 : vector<16xi1>, vector<16xf32>
      %add3A_189 = arith.addf %scan3A_109, %select_n3A_188 : vector<16xf32>
      %eq3A_190 = vector.broadcast %select_n3A_173 : i32 to vector<16xi32>
      %eq3A_191 = arith.cmpi eq, %add3A_13, %eq3A_190 : vector<16xi32>
      %jit3A_192 = arith.constant 1.000000e+00 : f32
      %jit3A_193 = arith.constant 0.000000e+00 : f32
      %broadcast_in_dim3A_194 = vector.broadcast %jit3A_192 : f32 to vector<16xf32>
      %broadcast_in_dim3A_195 = vector.broadcast %jit3A_193 : f32 to vector<16xf32>
      %select_n3A_196 = arith.select %eq3A_191, %broadcast_in_dim3A_194, %broadcast_in_dim3A_195 : vector<16xi1>, vector<16xf32>
      %add3A_197 = arith.addf %scan3A_110, %select_n3A_196 : vector<16xf32>
      %eq3A_198 = vector.broadcast %select_n3A_173 : i32 to vector<16xi32>
      %eq3A_199 = arith.cmpi eq, %add3A_17, %eq3A_198 : vector<16xi32>
      %jit3A_200 = arith.constant 1.000000e+00 : f32
      %jit3A_201 = arith.constant 0.000000e+00 : f32
      %broadcast_in_dim3A_202 = vector.broadcast %jit3A_200 : f32 to vector<16xf32>
      %broadcast_in_dim3A_203 = vector.broadcast %jit3A_201 : f32 to vector<16xf32>
      %select_n3A_204 = arith.select %eq3A_199, %broadcast_in_dim3A_202, %broadcast_in_dim3A_203 : vector<16xi1>, vector<16xf32>
      %add3A_205 = arith.addf %scan3A_111, %select_n3A_204 : vector<16xf32>
      %eq3A_206 = vector.broadcast %select_n3A_173 : i32 to vector<16xi32>
      %eq3A_207 = arith.cmpi eq, %add3A_5, %eq3A_206 : vector<16xi32>
      %jit3A_208 = arith.constant 0.000000e+00 : f32
      %broadcast_in_dim3A_209 = vector.broadcast %reduce_max3A_139 : f32 to vector<16xf32>
      %broadcast_in_dim3A_210 = vector.broadcast %jit3A_208 : f32 to vector<16xf32>
      %select_n3A_211 = arith.select %eq3A_207, %broadcast_in_dim3A_209, %broadcast_in_dim3A_210 : vector<16xi1>, vector<16xf32>
      %add3A_212 = arith.addf %scan3A_112, %select_n3A_211 : vector<16xf32>
      %eq3A_213 = vector.broadcast %select_n3A_173 : i32 to vector<16xi32>
      %eq3A_214 = arith.cmpi eq, %add3A_9, %eq3A_213 : vector<16xi32>
      %jit3A_215 = arith.constant 0.000000e+00 : f32
      %broadcast_in_dim3A_216 = vector.broadcast %reduce_max3A_139 : f32 to vector<16xf32>
      %broadcast_in_dim3A_217 = vector.broadcast %jit3A_215 : f32 to vector<16xf32>
      %select_n3A_218 = arith.select %eq3A_214, %broadcast_in_dim3A_216, %broadcast_in_dim3A_217 : vector<16xi1>, vector<16xf32>
      %add3A_219 = arith.addf %scan3A_113, %select_n3A_218 : vector<16xf32>
      %eq3A_220 = vector.broadcast %select_n3A_173 : i32 to vector<16xi32>
      %eq3A_221 = arith.cmpi eq, %add3A_13, %eq3A_220 : vector<16xi32>
      %jit3A_222 = arith.constant 0.000000e+00 : f32
      %broadcast_in_dim3A_223 = vector.broadcast %reduce_max3A_139 : f32 to vector<16xf32>
      %broadcast_in_dim3A_224 = vector.broadcast %jit3A_222 : f32 to vector<16xf32>
      %select_n3A_225 = arith.select %eq3A_221, %broadcast_in_dim3A_223, %broadcast_in_dim3A_224 : vector<16xi1>, vector<16xf32>
      %add3A_226 = arith.addf %scan3A_114, %select_n3A_225 : vector<16xf32>
      %eq3A_227 = vector.broadcast %select_n3A_173 : i32 to vector<16xi32>
      %eq3A_228 = arith.cmpi eq, %add3A_17, %eq3A_227 : vector<16xi32>
      %jit3A_229 = arith.constant 0.000000e+00 : f32
      %broadcast_in_dim3A_230 = vector.broadcast %reduce_max3A_139 : f32 to vector<16xf32>
      %broadcast_in_dim3A_231 = vector.broadcast %jit3A_229 : f32 to vector<16xf32>
      %select_n3A_232 = arith.select %eq3A_228, %broadcast_in_dim3A_230, %broadcast_in_dim3A_231 : vector<16xi1>, vector<16xf32>
      %add3A_233 = arith.addf %scan3A_115, %select_n3A_232 : vector<16xf32>
      %add3A_234 = arith.constant 1 : i32
      %add3A_235 = arith.addi %mul3A_121, %add3A_234 : i32
      %get3A_236 = arith.index_cast %add3A_235 : i32 to index
      %get3A_237 = arith.constant 0 : index
      %get3A_238 = tpu.vector_load %arg7[%get3A_236, %get3A_237] {strides = array<i32>} : memref<256x64xf32, #tpu.memory_space<vmem>>, vector<16xf32>,
      %get3A_239 = arith.index_cast %add3A_235 : i32 to index
      %get3A_240 = arith.constant 16 : index
      %get3A_241 = tpu.vector_load %arg7[%get3A_239, %get3A_240] {strides = array<i32>} : memref<256x64xf32, #tpu.memory_space<vmem>>, vector<16xf32>,
      %get3A_242 = arith.index_cast %add3A_235 : i32 to index
      %get3A_243 = arith.constant 32 : index
      %get3A_244 = tpu.vector_load %arg7[%get3A_242, %get3A_243] {strides = array<i32>} : memref<256x64xf32, #tpu.memory_space<vmem>>, vector<16xf32>,
      %get3A_245 = arith.index_cast %add3A_235 : i32 to index
      %get3A_246 = arith.constant 48 : index
      %get3A_247 = tpu.vector_load %arg7[%get3A_245, %get3A_246] {strides = array<i32>} : memref<256x64xf32, #tpu.memory_space<vmem>>, vector<16xf32>,
      %max3A_248 = arith.maximumf %get3A_238, %get3A_241 : vector<16xf32>
      %max3A_249 = arith.maximumf %get3A_244, %get3A_247 : vector<16xf32>
      %max3A_250 = arith.maximumf %max3A_248, %max3A_249 : vector<16xf32>
      %reduce_max3A_251 = arith.constant true
      %reduce_max3A_252 = vector.broadcast %reduce_max3A_251 : i1 to vector<16xi1>
      %reduce_max3A_253 = tpu.scan <max>, %max3A_250 masked %reduce_max3A_252 : vector<16xf32>, vector<16xi1> -> vector<16xf32>
      %reduce_max3A_254 = vector.extract %reduce_max3A_253[15] : f32 from vector<16xf32>
      %eq3A_255 = vector.broadcast %reduce_max3A_254 : f32 to vector<16xf32>
      %eq3A_256 = arith.cmpf oeq, %get3A_238, %eq3A_255 : vector<16xf32>
      %jit3A_257 = arith.constant 64 : i32
      %broadcast_in_dim3A_258 = vector.broadcast %jit3A_257 : i32 to vector<16xi32>
      %select_n3A_259 = arith.select %eq3A_256, %add3A_5, %broadcast_in_dim3A_258 : vector<16xi1>, vector<16xi32>
      %eq3A_260 = vector.broadcast %reduce_max3A_254 : f32 to vector<16xf32>
      %eq3A_261 = arith.cmpf oeq, %get3A_241, %eq3A_260 : vector<16xf32>
      %jit3A_262 = arith.constant 64 : i32
      %broadcast_in_dim3A_263 = vector.broadcast %jit3A_262 : i32 to vector<16xi32>
      %select_n3A_264 = arith.select %eq3A_261, %add3A_9, %broadcast_in_dim3A_263 : vector<16xi1>, vector<16xi32>
      %eq3A_265 = vector.broadcast %reduce_max3A_254 : f32 to vector<16xf32>
      %eq3A_266 = arith.cmpf oeq, %get3A_244, %eq3A_265 : vector<16xf32>
      %jit3A_267 = arith.constant 64 : i32
      %broadcast_in_dim3A_268 = vector.broadcast %jit3A_267 : i32 to vector<16xi32>
      %select_n3A_269 = arith.select %eq3A_266, %add3A_13, %broadcast_in_dim3A_268 : vector<16xi1>, vector<16xi32>
      %eq3A_270 = vector.broadcast %reduce_max3A_254 : f32 to vector<16xf32>
      %eq3A_271 = arith.cmpf oeq, %get3A_247, %eq3A_270 : vector<16xf32>
      %jit3A_272 = arith.constant 64 : i32
      %broadcast_in_dim3A_273 = vector.broadcast %jit3A_272 : i32 to vector<16xi32>
      %select_n3A_274 = arith.select %eq3A_271, %add3A_17, %broadcast_in_dim3A_273 : vector<16xi1>, vector<16xi32>
      %min3A_275 = arith.minsi %select_n3A_259, %select_n3A_264 : vector<16xi32>
      %min3A_276 = arith.minsi %select_n3A_269, %select_n3A_274 : vector<16xi32>
      %min3A_277 = arith.minsi %min3A_275, %min3A_276 : vector<16xi32>
      %reduce_min3A_278 = arith.constant true
      %reduce_min3A_279 = vector.broadcast %reduce_min3A_278 : i1 to vector<16xi1>
      %reduce_min3A_280 = arith.constant -2147483648 : i32
      %reduce_min3A_281 = vector.broadcast %reduce_min3A_280 : i32 to vector<16xi32>
      %reduce_min3A_282 = arith.xori %min3A_277, %reduce_min3A_281 : vector<16xi32>
      %reduce_min3A_283 = tpu.scan <min>, %reduce_min3A_282 masked %reduce_min3A_279 : vector<16xi32>, vector<16xi1> -> vector<16xi32>
      %reduce_min3A_284 = arith.xori %reduce_min3A_283, %reduce_min3A_281 : vector<16xi32>
      %reduce_min3A_285 = vector.extract %reduce_min3A_284[15] : i32 from vector<16xi32>
      %add3A_286 = arith.constant 768 : i32
      %add3A_287 = arith.addi %add3A_286, %add3A_235 : i32
      %get3A_288 = arith.index_cast %add3A_287 : i32 to index
      %get3A_289 = tpu.vector_load %arg8[%get3A_288] {strides = array<i32>} : memref<1040xi32, #tpu.memory_space<vmem>>, vector<16xi32>,
      %slice3A_290 = vector.extract_strided_slice %get3A_289 {offsets = [0], sizes = [1], strides = [1]} : vector<16xi32> to vector<1xi32>
      %squeeze3A_291 = vector.extract %slice3A_290[0] : i32 from vector<1xi32>
      %eq3A_292 = arith.constant 1 : i32
      %eq3A_293 = arith.cmpi eq, %squeeze3A_291, %eq3A_292 : i32
      %jit3A_294 = arith.constant 64 : i32
      %select_n3A_295 = arith.select %eq3A_293, %reduce_min3A_285, %jit3A_294 : i32
      %eq3A_296 = vector.broadcast %select_n3A_295 : i32 to vector<16xi32>
      %eq3A_297 = arith.cmpi eq, %add3A_5, %eq3A_296 : vector<16xi32>
      %jit3A_298 = arith.constant 1.000000e+00 : f32
      %jit3A_299 = arith.constant 0.000000e+00 : f32
      %broadcast_in_dim3A_300 = vector.broadcast %jit3A_298 : f32 to vector<16xf32>
      %broadcast_in_dim3A_301 = vector.broadcast %jit3A_299 : f32 to vector<16xf32>
      %select_n3A_302 = arith.select %eq3A_297, %broadcast_in_dim3A_300, %broadcast_in_dim3A_301 : vector<16xi1>, vector<16xf32>
      %add3A_303 = arith.addf %add3A_181, %select_n3A_302 : vector<16xf32>
      %eq3A_304 = vector.broadcast %select_n3A_295 : i32 to vector<16xi32>
      %eq3A_305 = arith.cmpi eq, %add3A_9, %eq3A_304 : vector<16xi32>
      %jit3A_306 = arith.constant 1.000000e+00 : f32
      %jit3A_307 = arith.constant 0.000000e+00 : f32
      %broadcast_in_dim3A_308 = vector.broadcast %jit3A_306 : f32 to vector<16xf32>
      %broadcast_in_dim3A_309 = vector.broadcast %jit3A_307 : f32 to vector<16xf32>
      %select_n3A_310 = arith.select %eq3A_305, %broadcast_in_dim3A_308, %broadcast_in_dim3A_309 : vector<16xi1>, vector<16xf32>
      %add3A_311 = arith.addf %add3A_189, %select_n3A_310 : vector<16xf32>
      %eq3A_312 = vector.broadcast %select_n3A_295 : i32 to vector<16xi32>
      %eq3A_313 = arith.cmpi eq, %add3A_13, %eq3A_312 : vector<16xi32>
      %jit3A_314 = arith.constant 1.000000e+00 : f32
      %jit3A_315 = arith.constant 0.000000e+00 : f32
      %broadcast_in_dim3A_316 = vector.broadcast %jit3A_314 : f32 to vector<16xf32>
      %broadcast_in_dim3A_317 = vector.broadcast %jit3A_315 : f32 to vector<16xf32>
      %select_n3A_318 = arith.select %eq3A_313, %broadcast_in_dim3A_316, %broadcast_in_dim3A_317 : vector<16xi1>, vector<16xf32>
      %add3A_319 = arith.addf %add3A_197, %select_n3A_318 : vector<16xf32>
      %eq3A_320 = vector.broadcast %select_n3A_295 : i32 to vector<16xi32>
      %eq3A_321 = arith.cmpi eq, %add3A_17, %eq3A_320 : vector<16xi32>
      %jit3A_322 = arith.constant 1.000000e+00 : f32
      %jit3A_323 = arith.constant 0.000000e+00 : f32
      %broadcast_in_dim3A_324 = vector.broadcast %jit3A_322 : f32 to vector<16xf32>
      %broadcast_in_dim3A_325 = vector.broadcast %jit3A_323 : f32 to vector<16xf32>
      %select_n3A_326 = arith.select %eq3A_321, %broadcast_in_dim3A_324, %broadcast_in_dim3A_325 : vector<16xi1>, vector<16xf32>
      %add3A_327 = arith.addf %add3A_205, %select_n3A_326 : vector<16xf32>
      %eq3A_328 = vector.broadcast %select_n3A_295 : i32 to vector<16xi32>
      %eq3A_329 = arith.cmpi eq, %add3A_5, %eq3A_328 : vector<16xi32>
      %jit3A_330 = arith.constant 0.000000e+00 : f32
      %broadcast_in_dim3A_331 = vector.broadcast %reduce_max3A_254 : f32 to vector<16xf32>
      %broadcast_in_dim3A_332 = vector.broadcast %jit3A_330 : f32 to vector<16xf32>
      %select_n3A_333 = arith.select %eq3A_329, %broadcast_in_dim3A_331, %broadcast_in_dim3A_332 : vector<16xi1>, vector<16xf32>
      %add3A_334 = arith.addf %add3A_212, %select_n3A_333 : vector<16xf32>
      %eq3A_335 = vector.broadcast %select_n3A_295 : i32 to vector<16xi32>
      %eq3A_336 = arith.cmpi eq, %add3A_9, %eq3A_335 : vector<16xi32>
      %jit3A_337 = arith.constant 0.000000e+00 : f32
      %broadcast_in_dim3A_338 = vector.broadcast %reduce_max3A_254 : f32 to vector<16xf32>
      %broadcast_in_dim3A_339 = vector.broadcast %jit3A_337 : f32 to vector<16xf32>
      %select_n3A_340 = arith.select %eq3A_336, %broadcast_in_dim3A_338, %broadcast_in_dim3A_339 : vector<16xi1>, vector<16xf32>
      %add3A_341 = arith.addf %add3A_219, %select_n3A_340 : vector<16xf32>
      %eq3A_342 = vector.broadcast %select_n3A_295 : i32 to vector<16xi32>
      %eq3A_343 = arith.cmpi eq, %add3A_13, %eq3A_342 : vector<16xi32>
      %jit3A_344 = arith.constant 0.000000e+00 : f32
      %broadcast_in_dim3A_345 = vector.broadcast %reduce_max3A_254 : f32 to vector<16xf32>
      %broadcast_in_dim3A_346 = vector.broadcast %jit3A_344 : f32 to vector<16xf32>
      %select_n3A_347 = arith.select %eq3A_343, %broadcast_in_dim3A_345, %broadcast_in_dim3A_346 : vector<16xi1>, vector<16xf32>
      %add3A_348 = arith.addf %add3A_226, %select_n3A_347 : vector<16xf32>
      %eq3A_349 = vector.broadcast %select_n3A_295 : i32 to vector<16xi32>
      %eq3A_350 = arith.cmpi eq, %add3A_17, %eq3A_349 : vector<16xi32>
      %jit3A_351 = arith.constant 0.000000e+00 : f32
      %broadcast_in_dim3A_352 = vector.broadcast %reduce_max3A_254 : f32 to vector<16xf32>
      %broadcast_in_dim3A_353 = vector.broadcast %jit3A_351 : f32 to vector<16xf32>
      %select_n3A_354 = arith.select %eq3A_350, %broadcast_in_dim3A_352, %broadcast_in_dim3A_353 : vector<16xi1>, vector<16xf32>
      %add3A_355 = arith.addf %add3A_233, %select_n3A_354 : vector<16xf32>
      scf.yield %add3A_303, %add3A_311, %add3A_319, %add3A_327, %add3A_334, %add3A_341, %add3A_348, %add3A_355 : vector<16xf32>, vector<16xf32>, vector<16xf32>, vector<16xf32>, vector<16xf32>, vector<16xf32>, vector<16xf32>, vector<16xf32>
    }
    %scan3A_91 = arith.constant 128 : i32
    %swap3A = arith.constant 0 : index
    %swap3A_92 = tpu.vector_load %arg9[%swap3A] {strides = array<i32>} : memref<64xf32, #tpu.memory_space<vmem>>, vector<16xf32>,
    tpu.vector_store %arg9[%swap3A], %scan3A_90#0 {strides = array<i32>} : memref<64xf32, #tpu.memory_space<vmem>>, vector<16xf32>,
    %swap3A_93 = arith.constant 0 : index
    %swap3A_94 = tpu.vector_load %arg10[%swap3A_93] {strides = array<i32>} : memref<64xf32, #tpu.memory_space<vmem>>, vector<16xf32>,
    tpu.vector_store %arg10[%swap3A_93], %scan3A_90#4 {strides = array<i32>} : memref<64xf32, #tpu.memory_space<vmem>>, vector<16xf32>,
    %swap3A_95 = arith.constant 16 : index
    %swap3A_96 = tpu.vector_load %arg9[%swap3A_95] {strides = array<i32>} : memref<64xf32, #tpu.memory_space<vmem>>, vector<16xf32>,
    tpu.vector_store %arg9[%swap3A_95], %scan3A_90#1 {strides = array<i32>} : memref<64xf32, #tpu.memory_space<vmem>>, vector<16xf32>,
    %swap3A_97 = arith.constant 16 : index
    %swap3A_98 = tpu.vector_load %arg10[%swap3A_97] {strides = array<i32>} : memref<64xf32, #tpu.memory_space<vmem>>, vector<16xf32>,
    tpu.vector_store %arg10[%swap3A_97], %scan3A_90#5 {strides = array<i32>} : memref<64xf32, #tpu.memory_space<vmem>>, vector<16xf32>,
    %swap3A_99 = arith.constant 32 : index
    %swap3A_100 = tpu.vector_load %arg9[%swap3A_99] {strides = array<i32>} : memref<64xf32, #tpu.memory_space<vmem>>, vector<16xf32>,
    tpu.vector_store %arg9[%swap3A_99], %scan3A_90#2 {strides = array<i32>} : memref<64xf32, #tpu.memory_space<vmem>>, vector<16xf32>,
    %swap3A_101 = arith.constant 32 : index
    %swap3A_102 = tpu.vector_load %arg10[%swap3A_101] {strides = array<i32>} : memref<64xf32, #tpu.memory_space<vmem>>, vector<16xf32>,
    tpu.vector_store %arg10[%swap3A_101], %scan3A_90#6 {strides = array<i32>} : memref<64xf32, #tpu.memory_space<vmem>>, vector<16xf32>,
    %swap3A_103 = arith.constant 48 : index
    %swap3A_104 = tpu.vector_load %arg9[%swap3A_103] {strides = array<i32>} : memref<64xf32, #tpu.memory_space<vmem>>, vector<16xf32>,
    tpu.vector_store %arg9[%swap3A_103], %scan3A_90#3 {strides = array<i32>} : memref<64xf32, #tpu.memory_space<vmem>>, vector<16xf32>,
    %swap3A_105 = arith.constant 48 : index
    %swap3A_106 = tpu.vector_load %arg10[%swap3A_105] {strides = array<i32>} : memref<64xf32, #tpu.memory_space<vmem>>, vector<16xf32>,
    tpu.vector_store %arg10[%swap3A_105], %scan3A_90#7 {strides = array<i32>} : memref<64xf32, #tpu.memory_space<vmem>>, vector<16xf32>,
    "tpu.region"() ({
      %run_scoped3A = tpu.sem_alloc : memref<!tpu.dma_semaphore, #tpu.memory_space<semaphore_mem>>
      %dma_start3A_107 = arith.constant 0 : i32
      %dma_start3A_108 = tpu.memref_slice %arg4[%add3A, %dma_start3A_107] : memref<32x64xf32, #tpu.memory_space<hbm>> -> memref<1x64xf32, #tpu.memory_space<hbm>>
      %dma_start3A_109 = tpu.memref_squeeze %dma_start3A_108 : memref<1x64xf32, #tpu.memory_space<hbm>> -> memref<64xf32, #tpu.memory_space<hbm>>
      %dma_start3A_110 = arith.constant 0 : i32
      %dma_start3A_111 = tpu.memref_slice %arg4[%add3A, %dma_start3A_110] : memref<32x64xf32, #tpu.memory_space<hbm>> -> memref<1x64xf32, #tpu.memory_space<hbm>>
      %dma_start3A_112 = tpu.memref_squeeze %dma_start3A_111 : memref<1x64xf32, #tpu.memory_space<hbm>> -> memref<64xf32, #tpu.memory_space<hbm>>
      tpu.enqueue_dma source(%arg9 : memref<64xf32, #tpu.memory_space<vmem>>) target(%dma_start3A_112 : memref<64xf32, #tpu.memory_space<hbm>>) target_semaphore(%run_scoped3A : memref<!tpu.dma_semaphore, #tpu.memory_space<semaphore_mem>>)
      %dma_wait3A_113 = arith.constant 0 : i32
      %dma_wait3A_114 = tpu.memref_slice %arg4[%add3A, %dma_wait3A_113] : memref<32x64xf32, #tpu.memory_space<hbm>> -> memref<1x64xf32, #tpu.memory_space<hbm>>
      %dma_wait3A_115 = tpu.memref_squeeze %dma_wait3A_114 : memref<1x64xf32, #tpu.memory_space<hbm>> -> memref<64xf32, #tpu.memory_space<hbm>>
      %dma_wait3A_116 = arith.constant 0 : i32
      %dma_wait3A_117 = tpu.memref_slice %arg4[%add3A, %dma_wait3A_116] : memref<32x64xf32, #tpu.memory_space<hbm>> -> memref<1x64xf32, #tpu.memory_space<hbm>>
      %dma_wait3A_118 = tpu.memref_squeeze %dma_wait3A_117 : memref<1x64xf32, #tpu.memory_space<hbm>> -> memref<64xf32, #tpu.memory_space<hbm>>
      tpu.wait_dma2 semaphore(%run_scoped3A : memref<!tpu.dma_semaphore, #tpu.memory_space<semaphore_mem>>) src(%arg9 : memref<64xf32, #tpu.memory_space<vmem>>) dst(%dma_wait3A_118 : memref<64xf32, #tpu.memory_space<hbm>>)
      tpu.yield
    }) : () -> ()
    "tpu.region"() ({
      %run_scoped3A = tpu.sem_alloc : memref<!tpu.dma_semaphore, #tpu.memory_space<semaphore_mem>>
      %dma_start3A_107 = arith.constant 0 : i32
      %dma_start3A_108 = tpu.memref_slice %arg5[%add3A, %dma_start3A_107] : memref<32x64xf32, #tpu.memory_space<hbm>> -> memref<1x64xf32, #tpu.memory_space<hbm>>
      %dma_start3A_109 = tpu.memref_squeeze %dma_start3A_108 : memref<1x64xf32, #tpu.memory_space<hbm>> -> memref<64xf32, #tpu.memory_space<hbm>>
      %dma_start3A_110 = arith.constant 0 : i32
      %dma_start3A_111 = tpu.memref_slice %arg5[%add3A, %dma_start3A_110] : memref<32x64xf32, #tpu.memory_space<hbm>> -> memref<1x64xf32, #tpu.memory_space<hbm>>
      %dma_start3A_112 = tpu.memref_squeeze %dma_start3A_111 : memref<1x64xf32, #tpu.memory_space<hbm>> -> memref<64xf32, #tpu.memory_space<hbm>>
      tpu.enqueue_dma source(%arg10 : memref<64xf32, #tpu.memory_space<vmem>>) target(%dma_start3A_112 : memref<64xf32, #tpu.memory_space<hbm>>) target_semaphore(%run_scoped3A : memref<!tpu.dma_semaphore, #tpu.memory_space<semaphore_mem>>)
      %dma_wait3A_113 = arith.constant 0 : i32
      %dma_wait3A_114 = tpu.memref_slice %arg5[%add3A, %dma_wait3A_113] : memref<32x64xf32, #tpu.memory_space<hbm>> -> memref<1x64xf32, #tpu.memory_space<hbm>>
      %dma_wait3A_115 = tpu.memref_squeeze %dma_wait3A_114 : memref<1x64xf32, #tpu.memory_space<hbm>> -> memref<64xf32, #tpu.memory_space<hbm>>
      %dma_wait3A_116 = arith.constant 0 : i32
      %dma_wait3A_117 = tpu.memref_slice %arg5[%add3A, %dma_wait3A_116] : memref<32x64xf32, #tpu.memory_space<hbm>> -> memref<1x64xf32, #tpu.memory_space<hbm>>
      %dma_wait3A_118 = tpu.memref_squeeze %dma_wait3A_117 : memref<1x64xf32, #tpu.memory_space<hbm>> -> memref<64xf32, #tpu.memory_space<hbm>>
      tpu.wait_dma2 semaphore(%run_scoped3A : memref<!tpu.dma_semaphore, #tpu.memory_space<semaphore_mem>>) src(%arg10 : memref<64xf32, #tpu.memory_space<vmem>>) dst(%dma_wait3A_118 : memref<64xf32, #tpu.memory_space<hbm>>)
      tpu.yield
    }) : () -> ()
    return
  }
}

module attributes {stable_mosaic.version = 14 : i64} {
  func.func @_combine_body(%arg0: memref<32x64xf32, #tpu.memory_space<vmem>>, %arg1: memref<32x64xf32, #tpu.memory_space<vmem>>, %arg2: memref<1x1xf32, #tpu.memory_space<vmem>>) attributes {dimension_semantics = [], scalar_prefetch = 0 : i64, scratch_operands = 0 : i64, tpu.core_type = #tpu.core_type<tc>} {
    %get3A = arith.constant 0 : index
    %get3A_0 = arith.constant 0 : index
    %get3A_1 = vector.load %arg0[%get3A, %get3A_0] : memref<32x64xf32, #tpu.memory_space<vmem>>, vector<32x64xf32>
    %reduce_sum3A = arith.constant dense<0.000000e+00> : vector<64xf32>
    %reduce_sum3A_2 = vector.multi_reduction <add>, %get3A_1, %reduce_sum3A [0] : vector<32x64xf32> to vector<64xf32>
    %broadcast_in_dim3A = vector.shape_cast %reduce_sum3A_2 : vector<64xf32> to vector<1x64xf32>
    %get3A_3 = arith.constant 0 : index
    %get3A_4 = arith.constant 0 : index
    %get3A_5 = vector.load %arg1[%get3A_3, %get3A_4] : memref<32x64xf32, #tpu.memory_space<vmem>>, vector<32x64xf32>
    %reduce_sum3A_6 = arith.constant dense<0.000000e+00> : vector<64xf32>
    %reduce_sum3A_7 = vector.multi_reduction <add>, %get3A_5, %reduce_sum3A_6 [0] : vector<32x64xf32> to vector<64xf32>
    %broadcast_in_dim3A_8 = vector.shape_cast %reduce_sum3A_7 : vector<64xf32> to vector<1x64xf32>
    %reduce_sum3A_9 = vector.shape_cast %broadcast_in_dim3A : vector<1x64xf32> to vector<1x1x64xf32>
    %reduce_sum3A_10 = arith.constant dense<0.000000e+00> : vector<1xf32>
    %reduce_sum3A_11 = vector.multi_reduction <add>, %reduce_sum3A_9, %reduce_sum3A_10 [1, 2] : vector<1x1x64xf32> to vector<1xf32>
    %reduce_sum3A_12 = vector.shape_cast %reduce_sum3A_11 : vector<1xf32> to vector<1x1x1xf32>
    %reduce_sum3A_13 = vector.extract %reduce_sum3A_12[0, 0, 0] : f32 from vector<1x1x1xf32>
    %mul3A = arith.mulf %broadcast_in_dim3A, %broadcast_in_dim3A_8 : vector<1x64xf32>
    %reduce_sum3A_14 = vector.shape_cast %mul3A : vector<1x64xf32> to vector<1x1x64xf32>
    %reduce_sum3A_15 = arith.constant dense<0.000000e+00> : vector<1xf32>
    %reduce_sum3A_16 = vector.multi_reduction <add>, %reduce_sum3A_14, %reduce_sum3A_15 [1, 2] : vector<1x1x64xf32> to vector<1xf32>
    %reduce_sum3A_17 = vector.shape_cast %reduce_sum3A_16 : vector<1xf32> to vector<1x1x1xf32>
    %reduce_sum3A_18 = vector.extract %reduce_sum3A_17[0, 0, 0] : f32 from vector<1x1x1xf32>
    %mul3A_19 = arith.constant 6.400000e+01 : f32
    %mul3A_20 = arith.mulf %mul3A_19, %reduce_sum3A_18 : f32
    %mul3A_21 = arith.mulf %reduce_sum3A_13, %reduce_sum3A_13 : f32
    %mul3A_22 = arith.mulf %mul3A_21, %reduce_sum3A_13 : f32
    %div3A = arith.divf %mul3A_20, %mul3A_22 : f32
    %broadcast_in_dim3A_23 = vector.broadcast %div3A : f32 to vector<1x1xf32>
    %swap3A = arith.constant 0 : index
    %swap3A_24 = arith.constant 0 : index
    %swap3A_25 = vector.load %arg2[%swap3A, %swap3A_24] : memref<1x1xf32, #tpu.memory_space<vmem>>, vector<1x1xf32>
    tpu.vector_store %arg2[%swap3A, %swap3A_24], %broadcast_in_dim3A_23 {strides = array<i32>} : memref<1x1xf32, #tpu.memory_space<vmem>>, vector<1x1xf32>,
    return
  }
}

</mosaic_0001>

<sc_bundles>
// kernel: kernel.4.cloned.1.call-start
scs
__scs_entry_jumppad:
0x0: {  	(pc) =	sbr.rel $0x88, $3  }
0x1: {  	(tag) =	ssettag $0x0;
	lr =	simm.s32 $0x1  }
0x2: {  	[smem:$0x3F9F] =	sst lr;
	_ =	strace $0xD0000000  }
0x3: {  	_ = 	snop  }
0x4: {  	_ = 	snop  }
0x5: {  	_ = 	snop  }
0x6: {  	_ = 	snop  }
0x7: {  	_ = 	snop  }
__scs_overlays_trampoline_lowered:
0x8: {  	[smem:$0x3FAE] =	sst s0  }
0x9: {  	[smem:$0x3FAF] =	sst s1  }
0xa: {  	[smem:$0x3FB0] =	sst s2  }
0xb: {  	[smem:$0x3FB1] =	sst s3  }
0xc: {  	[smem:$0x3FB2] =	sst s4  }
0xd: {  	[smem:$0x3FB3] =	sst s5  }
0xe: {  	[smem:$0x3FB4] =	sst s6  }
0xf: {  	[smem:$0x3FB5] =	sst s7  }
0x10: {  	[smem:$0x3FB6] =	sst s8  }
0x11: {  	[smem:$0x3FB7] =	sst s9;
	s0 =	simm.s32 @!p0 $0x0  }
0x12: {  	s1 =	sld [smem:$0x3F9D];
	s0 =	simm.s32 @p0 $0x1  }
0x13: {  	[smem:$0x3FB8] =	sst s0;
	s0 =	simm.s32 @!p1 $0x0  }
0x14: {  	s2 =	sld [smem:$0x3F9C];
	s0 =	simm.s32 @p1 $0x1  }
0x15: {  	[smem:$0x3FB9] =	sst s0;
	s0 =	simm.s32 @!p2 $0x0  }
0x16: {  	s3 =	sld [smem:$0x3FDB];
	s0 =	simm.s32 @p2 $0x1  }
0x17: {  	s4 =	simm.s32 $0x1BF5;
	[smem:$0x3FBB] =	sst s0  }
0x18: {  	s0 =	sld [smem:$0x3F9E];
	_ =	swait.ge [sflag:s4], $0x0  }
0x19: {  	s7 =	sld [smem:$0x3F9F]  }
0x1a: {  	s8 =	sadd.s32 $0xFFFFE003, lr  }
0x1b: {  	s9 =	sadd.s32 $0xFFFFFEF7, lr;
	s5 =	simm.s32 $0xFFFFFFFF;
	p2 =	slt.u32 s8, $0xFFFFF086  }
0x1c: {  	p1 =	slt.u32 s9, $0xF7A;
	s5 =	simm.s32 @!p2 $0x0  }
0x1d: {  	s5 =	simm.s32 @p1 $0x1;
	p0 =	seq.s32 s7, s2  }
0x1e: {  	s7 =	smul.u32 @!p0 $0xF7A, s2;
	p2 =	seq.s32 @!p0 s5, $0x0  }
0x1f: {  	s9 =	smul.u32 $0xF7A, s1;
	s8 =	simm.s32 @!p0 $0x1BF5;
	p2 =	por !p2, p0  }
0x20: {  	[sflag:s8] =	ssyncset.s32 @!p0 $0xFFFFF086;
	s6 =	sadd.s32 @!p0 s3, s7;
	s7 =	simm.s32 @!p0 $0x108  }
0x21: {  	s3 =	sadd.s32 s3, s9;
	s6 =	sadd.s32 @!p0 $0x88, s6;
	s7 =	simm.s32 @p2 $0x1082  }
0x22: {  	[simem:s7], [sflag:s8] =	dma.local @!p0 [hbm:s6], $0xF7A  }
0x23: {  	s9 =	sor.u32 $0xD0000000, s2;
	s6 =	simm.s32 $0x108;
	_ =	swait.ge @!p0 [sflag:s8], $0x0  }
0x24: {  	s3 =	sadd.s32 $0x88, s3;
	s6 =	simm.s32 @!p1 $0x1082;
	[sflag:s4] =	ssyncset.s32 $0xFFFFF086  }
0x25: {  	[simem:s6], [sflag:s4] =	dma.local [hbm:s3], $0xF7A  }
0x26: {  	[smem:$0x3F9F] =	sst s1;
	(tag) =	ssettag s2;
	_ =	strace s9  }
0x27: {  	s1 =	sld [smem:$0x3FAF]  }
0x28: {  	s2 =	sld [smem:$0x3FB0]  }
0x29: {  	s4 =	sld [smem:$0x3FB2]  }
0x2a: {  	p0 =	seq.s32 s5, $0x0;
	s5 =	sld [smem:$0x3FB3]  }
0x2b: {  	s6 =	sld [smem:$0x3FB4]  }
0x2c: {  	s7 =	sld [smem:$0x3FB5]  }
0x2d: {  	s3 =	simm.s32 $0x108;
	s8 =	sld [smem:$0x3FB6]  }
0x2e: {  	s3 =	simm.s32 @!p0 $0x1082;
	s9 =	sld [smem:$0x3FB7]  }
0x2f: {  	lr =	sadd.s32 s0, s3;
	s0 =	sld [smem:$0x3FAE]  }
0x30: {  	s3 =	sld [smem:$0x3FB1]  }
0x31: {  	[smem:$0x3FBA] =	sst s10  }
0x32: {  	s10 =	sld [smem:$0x3FB8];
	_ =	sdelay $0x3  }
0x33: {  	p0 =	seq.s32 s10, $0x1;
	s10 =	sld [smem:$0x3FBA];
	_ =	sdelay $0x3  }
0x34: {  	[smem:$0x3FBA] =	sst s10  }
0x35: {  	s10 =	sld [smem:$0x3FB9];
	_ =	sdelay $0x3  }
0x36: {  	p1 =	seq.s32 s10, $0x1;
	s10 =	sld [smem:$0x3FBA];
	_ =	sdelay $0x3  }
0x37: {  	[smem:$0x3FBA] =	sst s10  }
0x38: {  	s10 =	sld [smem:$0x3FBB]  }
0x39: {  	_ = 	snop;
	(pc) =	sbr.ind lr, $3  }
0x3a: {  	_ = 	snop  }
0x3b: {  	_ = 	snop  }
0x3c: {  	p2 =	seq.s32 s10, $0x1;
	s10 =	sld [smem:$0x3FBA]  }
0x3d: {  	_ =	shalt  }
0x3e: {  	_ =	shalt  }
0x3f: {  	_ =	shalt  }
0x40: {  	_ =	shalt  }
0x41: {  	_ =	shalt  }
0x42: {  	_ =	shalt  }
0x43: {  	_ =	shalt  }
0x44: {  	_ =	shalt  }
0x45: {  	_ =	shalt  }
0x46: {  	_ =	shalt  }
0x47: {  	_ =	shalt  }
0x48: {  	_ =	shalt  }
0x49: {  	_ =	shalt  }
0x4a: {  	_ =	shalt  }
0x4b: {  	_ =	shalt  }
0x4c: {  	_ =	shalt  }
0x4d: {  	_ =	shalt  }
0x4e: {  	_ =	shalt  }
0x4f: {  	_ =	shalt  }
0x50: {  	_ =	shalt  }
0x51: {  	_ =	shalt  }
0x52: {  	_ =	shalt  }
0x53: {  	_ =	shalt  }
0x54: {  	_ =	shalt  }
0x55: {  	_ =	shalt  }
0x56: {  	_ =	shalt  }
0x57: {  	_ =	shalt  }
0x58: {  	_ =	shalt  }
0x59: {  	_ =	shalt  }
0x5a: {  	_ =	shalt  }
0x5b: {  	_ =	shalt  }
0x5c: {  	_ =	shalt  }
0x5d: {  	_ =	shalt  }
0x5e: {  	_ =	shalt  }
0x5f: {  	_ =	shalt  }
0x60: {  	_ =	shalt  }
0x61: {  	_ =	shalt  }
0x62: {  	_ =	shalt  }
0x63: {  	_ =	shalt  }
0x64: {  	_ =	shalt  }
0x65: {  	_ =	shalt  }
0x66: {  	_ =	shalt  }
0x67: {  	_ =	shalt  }
0x68: {  	_ =	shalt  }
0x69: {  	_ =	shalt  }
0x6a: {  	_ =	shalt  }
0x6b: {  	_ =	shalt  }
0x6c: {  	_ =	shalt  }
0x6d: {  	_ =	shalt  }
0x6e: {  	_ =	shalt  }
0x6f: {  	_ =	shalt  }
0x70: {  	_ =	shalt  }
0x71: {  	_ =	shalt  }
0x72: {  	_ =	shalt  }
0x73: {  	_ =	shalt  }
0x74: {  	_ =	shalt  }
0x75: {  	_ =	shalt  }
0x76: {  	_ =	shalt  }
0x77: {  	_ =	shalt  }
0x78: {  	_ =	shalt  }
0x79: {  	_ =	shalt  }
0x7a: {  	_ =	shalt  }
0x7b: {  	_ =	shalt  }
0x7c: {  	_ =	shalt  }
0x7d: {  	_ =	shalt  }
0x7e: {  	_ =	shalt  }
0x7f: {  	_ =	shalt  }
0x80: {  	_ =	shalt  }
0x81: {  	_ =	shalt  }
0x82: {  	_ =	shalt  }
0x83: {  	_ =	shalt  }
0x84: {  	_ =	shalt  }
0x85: {  	_ =	shalt  }
0x86: {  	_ =	shalt  }
0x87: {  	_ =	shalt  }
.Lfunc_end0:
.L_simem_size_0:
called_computation_lowered:
.L_overlay_start_0:
0x88: {  	s2 =	sld [smem:$0x3FD9]  }
0x89: {  	s3 =	sld [smem:$0x3FFE];
	_ =	sdelay $0x1  }
0x8a: {  	s1 =	srdreg.scid  }
0x8b: {  	s0 =	sand.u32 $0x1, s1  }
0x8c: {  	s16 =	sshll.u32 s0, $0xA;
	s2 =	sadd.s32 s3, s2  }
0x8d: {  	s2 =	sadd.s32 s2, s16  }
0x8e: {  	[smem:$0x3FC6] =	sst s2  }
0x8f: {  	_ = 	snop  }
0x90: {  	(tm) =	ssettm $0x1  }
0x91: {  	s17 =	sld [smem:$0x3FFB];
	_ =	sdelay $0x3  }
0x92: {  	_ =	strace s17  }
0x93: {  	s2 =	sld [smem:$0x3FFC];
	_ =	sdelay $0x3  }
0x94: {  	_ =	strace s2  }
0x95: {  	s2 =	sld [smem:$0x3FFD];
	_ =	sdelay $0x3  }
0x96: {  	_ =	strace s2  }
0x97: {  	_ =	strace $0x8FFFFFFF  }
0x98: {  	s18 =	sld [smem:$0x3FDB];
	_ =	sdelay $0x1  }
0x99: {  	s19 =	simm.s32 $_scs_section_size  }
0x9a: {  	s4 =	simm.s32 $_size__tile_overlayer_lowered;
	s5 =	simm.s32 $_tile_overlayer_lowered  }
0x9b: {  	s22 =	simm.s32 $0x1BFF;
	s21 =	sshll.u32 s5, $0x1;
	s2 =	sadd.s32 s19, s18  }
0x9c: {  	s6 =	simm.s32 $0x0;
	s20 =	sshll.u32 s4, $0x1;
	s4 =	sadd.s32 s21, s2  }
0x9d: {  	[timem:s6], [sflag:s22] =	dma.local [hbm:s4], s20  }
0x9e: {  	_ =	swait.ge [sflag:s22], s20  }
0x9f: {  	s3 =	ssub.s32 $0x0, s20;
	[sflag:s22] =	ssyncset.done $0x0  }
0xa0: {  	[sflag:s22] =	ssyncadd.s32 s3;
	_ =	sdelay $0x1  }
0xa1: {  	s23 =	simm.s32 $0x1B8B  }
0xa2: {  	_ =	swait.ge [sflag:s23], $0x1  }
0xa3: {  	[sflag:s23] =	ssyncset.done $0x0  }
0xa4: {  	s25 =	simm.s32 $0x1B8E;
	s24 =	sld [smem:$0x3FFE];
	[sflag:s23] =	ssyncadd.s32 $0xFFFFFFFF  }
0xa5: {  	s26 =	simm.s32 $execute0_lowered;
	[smem:$0x3FD2] =	sst s25  }
0xa6: {  	s4 =	sshll.u32 s26, $0x1;
	_ =	strace $0x80000046;
	[dreg:$0x1] =	wrdreg $0xFFFFFFFF  }
0xa7: {  	s28 =	simm.s32 $_size_execute0_lowered;
	s2 =	sadd.s32 s2, s4;
	[dreg:$0x0] =	wrdreg $0x0  }
0xa8: {  	s4 =	sshll.u32 s28, $0x1;
	[dreg:$0x2] =	wrdreg s2  }
0xa9: {  	[dreg:$0x3] =	wrdreg s4  }
0xaa: {  	[dreg:$0x4] =	wrdreg $0xC0  }
0xab: {  	_ =	task [dreg:s6], $0x5FFFF  }
0xac: {  	[dreg:$0x1] =	wrdreg $0xFFFFFFFF  }
0xad: {  	[dreg:$0x0] =	wrdreg $0x60  }
0xae: {  	[dreg:$0x2] =	wrdreg s24  }
0xaf: {  	[dreg:$0x3] =	wrdreg $0x9  }
0xb0: {  	_ =	task.clear_ibuf [dreg:s6], $0x4FFFF;
	_ =	strace $0x90000046  }
0xb1: {  	s29 =	simm.s32 $0x9;
	_ =	strace $0x80000048  }
0xb2: {  	_ =	swait.ge [sflag:s29], $0x1  }
0xb3: {  	[sflag:s29] =	ssyncadd.s32 $0xFFFFFFFF  }
0xb4: {  	_ =	strace $0x90000048  }
0xb5: {  	_ =	sfence  }
0xb6: {  	s30 =	sld [smem:$0x0];
	_ =	sdelay $0x2  }
0xb7: {  	s31 =	sshll.u32 s1, $0xD;
	s1 =	sshrl.u32 s1, $0x2  }
0xb8: {  	s3 =	sand.u32 $0x4000, s31;
	s1 =	sadd.s32 s1, s30  }
0xb9: {  	s0 =	sor.u32 s3, s0;
	s1 =	sshll.u32 s1, $0x11  }
0xba: {  	s0 =	sor.u32 s1, s0  }
0xbb: {  	s0 =	sadd.s32 $0x8F2B, s0  }
0xbc: {  	[sflag:s0] =	ssyncadd.remote.s32 $0x1  }
0xbd: {  	_ =	sfence.sel $0xFFFF  }
0xbe: {  	[dreg:$0x0] =	wrdreg $0xFFFFFFFF;
	(pc) =	sbr.abs _section_cstart, $3  }
0xbf: {  	[dreg:$0x1] =	wrdreg $0xFFFFFFFF  }
0xc0: {  	_ =	task.clear_ibuf [dreg:s6], $0x2FFFF;
	_ =	strace $0x9FFFFFFF  }
0xc1: {  	(tm) =	ssettm $0x7FFFFFFF  }
tec
execute0_lowered:
.L_overlay_start_1:
0x0: {  	(tag) =	ssettag $0x1  }
0x1: {  	s3 =	rddreg [dreg:$0x0]  }
0x2: {  	s0 =	rddreg [dreg:$0x1]  }
0x3: {  	s4 =	srdreg.scid;
	s1 =	stileid.u32;
	s2 =	simm.s32 $0x0  }
0x4: {  	s11 =	simm.s32 $0x10000;
	s12 =	simm.s32 $0x3;
	s13 =	simm.s32 $0x1  }
0x5: {  	s14 =	simm.s32 $0x8000;
	s15 =	simm.s32 $0x2;
	s16 =	simm.s32 $0x10480  }
0x6: {  	s17 =	simm.s32 $0x10500;
	s4 =	sand.u32 $0x1, s4;
	s5 =	sshll.u32 s1, $0x1  }
0x7: {  	s18 =	simm.s32 $0x0;
	[smem:$0x7FF] =	sst s2;
	s5 =	sor.u32 s4, s5  }
0x8: {  	_ =	strace $0x80000047;
	s4 =	ssub.s32 $0x2, s4;
	s6 =	sshll.u32 s5, $0xE  }
0x9: {  	v0 =	vlaneseq.u32;
	s31 =	sshll.u32 s5, $0x7;
	s5 =	sshll.u32 s5, $0x4;
	s8 =	sshrl.u32 s4, $0x1  }
0xa: {  	v1 =	vor.u32 $0x80000030, v0;
	s7 =	sadd.s32 s6, s3;
	s6 =	sadd.s32 s31, s3;
	s9 =	sadd.s32 s5, s3  }
0xb: {  	v2 =	vor.u32 $0x80000020, v0;
	v3 =	vor.u32 $0x80000010, v0;
	s10 =	ssub.s32 s4, s8;
	s3 =	sadd.s32 $0xC00, s6;
	s4 =	sadd.s32 $0x1C00, s7  }
0xc: {  	v5 =	vimm.f32 $0.0e+00;
	v4 =	vor.u32 $0x80000000, v0;
	s5 =	sadd.s32 $0x2C00, s7;
	s6 =	sadd.s32 $0x3C00, s7;
	s7 =	sadd.s32 $0x4C00, s7  }
0xd: {  	v6 =	vor.u32 $0x10, v0;
	v7 =	vor.u32 $0x20, v0;
	v8 =	vor.u32 $0x30, v0;
	s8 =	sadd.s32 $0x81C00, s9;
	s9 =	sadd.s32 $0x81E00, s9;
	s10 =	smax.u32 s10, $0x1  }
.LBB2_1:
0xe: {  	[tilespmem:s11], [sflag:$0x3] =	stream.linear.gather [hbm4b:s3+s2], $0x400, $0x38;
	[tilespmem:$0x10580] =	vst v63  }
0xf: {  	_ =	swait.ge [sflag:s12], $0x400  }
0x10: {  	[sflag:s12] =	ssyncset.done $0x0  }
0x11: {  	[sflag:s12] =	ssyncadd.s32 $0xFFFFFC00  }
0x12: {  	[tilespmem:s2], [sflag:$0x1] =	stream.linear.gather [hbm4b:s4+s2], $0x8000, $0x38;
	[tilespmem:$0x10580] =	vst v63  }
0x13: {  	_ =	swait.ge [sflag:s13], $0x8000  }
0x14: {  	[sflag:s13] =	ssyncset.done $0x0  }
0x15: {  	s19 =	simm.s32 $0x80;
	[sflag:s13] =	ssyncadd.s32 $0xFFFF8000  }
0x16: {  	[tilespmem:s14], [sflag:$0x2] =	stream.linear.gather [hbm4b:s5+s2], $0x8000, $0x38;
	[tilespmem:$0x10580] =	vst v63  }
0x17: {  	v9 =	vld [tilespmem:s19+$0xFFFFFFB0]  }
0x18: {  	v12 =	vld [tilespmem:s19+$0x0]  }
0x19: {  	v13 =	vld [tilespmem:s19+$0x10]  }
0x1a: {  	v14 =	vld [tilespmem:s19+$0x30]  }
0x1b: {  	v15 =	vld [tilespmem:s19+$0x20]  }
0x1c: {  	v16 =	vld [tilespmem:s19+$0xFFFFFF80]  }
0x1d: {  	v17 =	vld [tilespmem:s19+$0xFFFFFFA0]  }
0x1e: {  	v18 =	vld [tilespmem:s19+$0xFFFFFF90];
	_ =	sdelay $0x3  }
0x1f: {  	v10 =	vmax.f32 v12, v13;
	v11 =	vmax.f32 v15, v14  }
0x20: {  	v19 =	vmax.f32 v17, v9;
	v20 =	vmax.f32 v16, v18;
	v10 =	vmax.f32 v10, v11  }
0x21: {  	v11 =	vmax.f32 v20, v19;
	(xrf0) =	vmax.scan.msk.f32 $0xffff, v10  }
0x22: {  	(xrf0) =	vmax.scan.msk.f32 $0xffff, v11;
	_ =	sdelay $0x2  }
0x23: {  	s23 =	simm.s32 $0x0  }
0x24: {  	v20 =	vld [tilespmem:s23+$0x10001]  }
0x25: {  	s24 =	simm.s32 $0x180;
	v10, _, _ =	vpop (xrf0)  }
0x26: {  	s20 =	simm.s32 $0x2;
	v21 =	vld [tilespmem:s24+$0xFFFFFFB0];
	v11, _, _ =	vpop (xrf0)  }
0x27: {  	v22 =	vld [tilespmem:s20+$0x10000];
	v11 =	vbroadcast v11, $0xF  }
0x28: {  	v23 =	vld [tilespmem:s24+$0xFFFFFFA0]  }
0x29: {  	v19 =	vld [tilespmem:s23+$0x10000];
	(v2sf) =	vpush v20, $0x0;
	v10 =	vbroadcast v10, $0xF;
	vm0 =	veq.f32 v9, v11  }
0x2a: {  	v20 =	vld [tilespmem:s24+$0xFFFFFF90];
	vm1 =	veq.f32 v16, v11;
	vm2 =	veq.f32 v17, v11;
	v16 =	vnsel vm0, $0x80000040, v1  }
0x2b: {  	v9 =	vld [tilespmem:s20+$0x10001];
	vm0 =	veq.f32 v18, v11;
	v16 =	vsel vm2, v2, v16  }
0x2c: {  	v17 =	vld [tilespmem:s24+$0x0];
	vm2 =	veq.f32 v14, v10;
	v14 =	vsel vm0, v3, v16  }
0x2d: {  	v18 =	vld [tilespmem:s24+$0x10];
	vm0 =	veq.f32 v15, v10;
	v15 =	vnsel vm2, $0x80000040, v1;
	v14 =	vsel vm1, v4, v14  }
0x2e: {  	v16 =	vld [tilespmem:s24+$0x30];
	vm1 =	veq.f32 v13, v10;
	v13 =	vsel vm0, v2, v15;
	(xrf0) =	vmin.scan.msk.u32 $0xffff, v14  }
0x2f: {  	v15 =	vld [tilespmem:s24+$0x20];
	vm0 =	veq.f32 v12, v10;
	v12 =	vsel vm1, v3, v13  }
0x30: {  	v13 =	vld [tilespmem:s24+$0xFFFFFF80];
	v12 =	vsel vm0, v4, v12  }
0x31: {  	(xrf0) =	vmin.scan.msk.u32 $0xffff, v12  }
0x32: {  	(v2sf) =	vpush v19, $0x0  }
0x33: {  	v19 =	vmax.f32 v23, v21;
	(v2sf) =	vpush v9, $0x0  }
0x34: {  	(v2sf) =	vpush v22, $0x0;
	v9 =	vmax.f32 v17, v18;
	v12 =	vmax.f32 v15, v16;
	v14, _, _ =	vpop (xrf0)  }
0x35: {  	v9 =	vmax.f32 v9, v12;
	(v2sf) =	vpush v14, $0xF;
	v14 =	vmax.f32 v13, v20  }
0x36: {  	(xrf0) =	vmax.scan.msk.f32 $0xffff, v9;
	v14 =	vmax.f32 v14, v19  }
0x37: {  	v12, _, _ =	vpop (xrf0);
	(xrf0) =	vmax.scan.msk.f32 $0xffff, v14  }
0x38: {  	(v2sf) =	vpush v12, $0xF;
	_ =	sdelay $0x3  }
0x39: {  	v9, _, _ =	vpop (xrf0)  }
0x3a: {  	v12, _, _ =	vpop (xrf0)  }
0x3b: {  	s25 =	simm.s32 $0x4;
	v14 =	vbroadcast v12, $0xF  }
0x3c: {  	s21 =	simm.s32 $0x280;
	v22 =	vld [tilespmem:s25+$0x10000]  }
0x3d: {  	s22 =	spop (v2sf);
	v19 =	vld [tilespmem:s21+$0xFFFFFFB0];
	v12 =	vbroadcast v9, $0xF;
	vm0 =	veq.f32 v21, v14  }
0x3e: {  	s23 =	spop (v2sf);
	v9 =	vld [tilespmem:s25+$0x10001];
	vm1 =	veq.f32 v13, v14;
	vm2 =	veq.f32 v23, v14;
	v13 =	vnsel vm0, $0x80000040, v1  }
0x3f: {  	s19 =	spop (v2sf);
	v21 =	vld [tilespmem:s21+$0x0];
	vm0 =	veq.f32 v20, v14;
	v13 =	vsel vm2, v2, v13  }
0x40: {  	s26 =	spop (v2sf);
	v23 =	vld [tilespmem:s21+$0xFFFFFF90];
	vm2 =	veq.f32 v16, v12;
	v13 =	vsel vm0, v3, v13  }
0x41: {  	v16 =	vld [tilespmem:s21+$0x10];
	vm0 =	veq.f32 v15, v12;
	v15 =	vnsel vm2, $0x80000040, v1;
	s24 =	spop (v2sf);
	v13 =	vsel vm1, v4, v13  }
0x42: {  	p0 =	seq.s32 s23, $0x1;
	v20 =	vld [tilespmem:s21+$0x30];
	vm1 =	veq.f32 v18, v12;
	v15 =	vsel vm0, v2, v15;
	s24 =	sxor.u32 $0x80000000, s24;
	(xrf0) =	vmin.scan.msk.u32 $0xffff, v13  }
0x43: {  	v18 =	vld [tilespmem:s21+$0x20];
	vm0 =	veq.f32 v17, v12;
	v15 =	vsel vm1, v3, v15;
	s24 =	simm.s32 @!p0 $0x40  }
0x44: {  	(v2sf) =	vpush v9, $0x0;
	v17 =	vld [tilespmem:s21+$0xFFFFFF80];
	s28 =	spop (v2sf);
	v13 =	vsel vm0, v4, v15;
	v9 =	vmov s24  }
0x45: {  	(v2sf) =	vpush v22, $0x0;
	v15 =	vld [tilespmem:s21+$0xFFFFFFA0];
	p0 =	seq.s32 s22, $0x1;
	s23 =	sxor.u32 $0x80000000, s28;
	(xrf0) =	vmin.scan.msk.u32 $0xffff, v13;
	vm3 =	veq.s32 v9, v0;
	vm2 =	veq.s32 v9, v6  }
0x46: {  	s23 =	simm.s32 @!p0 $0x40;
	vm4 =	veq.s32 v9, v7;
	vm0 =	veq.s32 v9, v8;
	v9 =	vmax.f32 v21, v16  }
0x47: {  	v13 =	vmov s23;
	v22 =	vsel vm2, $0x3F800000, v5;
	v24 =	vsel vm4, $0x3F800000, v5  }
0x48: {  	v25 =	vmax.f32 v18, v20;
	v29 =	vnsel vm3, $0x0, v11;
	vm1 =	veq.s32 v13, v6;
	v26, _, _ =	vpop (xrf0)  }
0x49: {  	v9 =	vmax.f32 v9, v25;
	vm5 =	veq.s32 v13, v8;
	(v2sf) =	vpush v26, $0xF  }
0x4a: {  	vm9 =	veq.s32 v13, v7;
	v27 =	vmax.f32 v15, v19;
	v26 =	vmax.f32 v17, v23  }
0x4b: {  	v22 =	vadd.f32 v22, v5;
	v24 =	vadd.f32 v24, v5;
	(xrf0) =	vmax.scan.msk.f32 $0xffff, v9;
	v28, _, _ =	vpop (xrf0);
	v26 =	vmax.f32 v26, v27  }
0x4c: {  	v27 =	vnsel vm4, $0x0, v11;
	(v2sf) =	vpush v28, $0xF;
	(xrf0) =	vmax.scan.msk.f32 $0xffff, v26;
	v26 =	vnsel vm0, $0x0, v11  }
0x4d: {  	v25 =	vsel vm1, $0x3F800000, v5;
	v27 =	vadd.f32 v27, v5;
	v26 =	vadd.f32 v26, v5  }
0x4e: {  	v22 =	vadd.f32 v25, v22;
	v25 =	vsel vm9, $0x3F800000, v5;
	v28 =	vnsel vm5, $0x0, v10  }
0x4f: {  	v24 =	vadd.f32 v25, v24;
	v26 =	vadd.f32 v28, v26;
	v28 =	vsel vm3, $0x3F800000, v5  }
0x50: {  	v25 =	vnsel vm9, $0x0, v10;
	vm3 =	veq.s32 v13, v0;
	v28 =	vadd.f32 v28, v5  }
0x51: {  	s29 =	simm.s32 $0x380;
	v30 =	vnsel vm2, $0x0, v11;
	v25 =	vadd.f32 v25, v27;
	v27, _, _ =	vpop (xrf0);
	v31 =	vsel vm3, $0x3F800000, v5  }
0x52: {  	s30 =	simm.s32 $0x6;
	v29 =	vadd.f32 v29, v5;
	v11 =	vbroadcast v27, $0xF;
	v13, _, _ =	vpop (xrf0);
	v27 =	vadd.f32 v31, v28;
	v28 =	vld [tilespmem:s29+$0xFFFFFFB0]  }
0x53: {  	v30 =	vadd.f32 v30, v5;
	v9 =	vsel vm5, $0x3F800000, v5;
	v31 =	vld [tilespmem:s30+$0x10000];
	v13 =	vbroadcast v13, $0xF  }
0x54: {  	v32 =	vnsel vm3, $0x0, v10;
	v10 =	vnsel vm1, $0x0, v10;
	vm1 =	veq.f32 v21, v11;
	v21 =	vld [tilespmem:s29+$0xFFFFFFA0]  }
0x55: {  	vm0 =	vmmov vm0;
	vm2 =	veq.f32 v19, v13;
	vm10 =	veq.f32 v15, v13;
	v15 =	vld [tilespmem:s30+$0x10001]  }
0x56: {  	s21 =	spop (v2sf);
	vm11 =	veq.f32 v20, v11;
	v20 =	vld [tilespmem:s29+$0x10];
	vm3 =	veq.f32 v17, v13;
	v17 =	vnsel vm2, $0x80000040, v1  }
0x57: {  	v29 =	vadd.f32 v32, v29;
	s31 =	spop (v2sf);
	v19 =	vld [tilespmem:s29+$0x0];
	vm2 =	veq.f32 v23, v13;
	v17 =	vsel vm10, v2, v17  }
0x58: {  	v17 =	vsel vm2, v3, v17;
	vm2 =	veq.f32 v18, v11;
	v18 =	vnsel vm11, $0x80000040, v1;
	s25 =	spop (v2sf)  }
0x59: {  	p0 =	seq.s32 s26, $0x1;
	v23 =	vld [tilespmem:s29+$0x30];
	v17 =	vsel vm3, v4, v17;
	vm3 =	veq.f32 v16, v11;
	v16 =	vsel vm2, v2, v18;
	s24 =	sxor.u32 $0x80000000, s25  }
0x5a: {  	v44 =	vmax.f32 v21, v28;
	v18 =	vld [tilespmem:s29+$0x20];
	v16 =	vsel vm3, v3, v16;
	(xrf0) =	vmin.scan.msk.u32 $0xffff, v17;
	(v2sf) =	vpush v15, $0x0;
	s24 =	simm.s32 @!p0 $0x40  }
0x5b: {  	v17 =	vld [tilespmem:s29+$0xFFFFFF80];
	s26 =	spop (v2sf);
	v15 =	vsel vm1, v4, v16;
	v16 =	vadd.f32 v10, v30;
	v10 =	vmov s24  }
0x5c: {  	v33 =	vmax.f32 v19, v20;
	p0 =	seq.s32 s19, $0x1;
	(v2sf) =	vpush v31, $0x0;
	v30 =	vld [tilespmem:s29+$0xFFFFFF90];
	s20 =	sxor.u32 $0x80000000, s26;
	vm12 =	veq.s32 v10, v0  }
0x5d: {  	(xrf0) =	vmin.scan.msk.u32 $0xffff, v15;
	vm3 =	veq.s32 v10, v6;
	s20 =	simm.s32 @!p0 $0x40;
	vm13 =	veq.s32 v10, v7;
	vm1 =	veq.s32 v10, v8  }
0x5e: {  	v15 =	vmov s20;
	v31 =	vsel vm3, $0x3F800000, v5;
	v43 =	vsel vm13, $0x3F800000, v5  }
0x5f: {  	v35 =	vmax.f32 v18, v23;
	v37 =	vnsel vm13, $0x0, v14;
	v46 =	vnsel vm1, $0x0, v14  }
0x60: {  	v48 =	vsel vm12, $0x3F800000, v5;
	v49 =	vnsel vm12, $0x0, v14;
	vm2 =	veq.s32 v15, v6;
	v36, _, _ =	vpop (xrf0)  }
0x61: {  	v33 =	vmax.f32 v33, v35;
	v38 =	vmax.f32 v17, v30;
	(v2sf) =	vpush v36, $0xF  }
0x62: {  	vm6 =	veq.s32 v15, v8;
	v22 =	vadd.f32 v31, v22;
	(xrf0) =	vmax.scan.msk.f32 $0xffff, v33;
	v36 =	vmax.f32 v38, v44  }
0x63: {  	vm14 =	veq.s32 v15, v7;
	v24 =	vadd.f32 v43, v24;
	v26 =	vadd.f32 v46, v26;
	v45, _, _ =	vpop (xrf0);
	(xrf0) =	vmax.scan.msk.f32 $0xffff, v36  }
0x64: {  	v25 =	vadd.f32 v37, v25;
	vm15 =	veq.s32 v15, v0;
	(v2sf) =	vpush v45, $0xF  }
0x65: {  	v34 =	vsel vm2, $0x3F800000, v5;
	v10 =	vsel vm6, $0x3F800000, v5;
	v31 =	vsel vm14, $0x3F800000, v5  }
0x66: {  	v47 =	vnsel vm6, $0x0, v12;
	v24 =	vadd.f32 v31, v24;
	v31 =	vnsel vm14, $0x0, v12  }
0x67: {  	s29 =	simm.s32 $0x8;
	v50 =	vsel vm15, $0x3F800000, v5;
	v31 =	vadd.f32 v31, v25;
	v25 =	vadd.f32 v48, v27  }
0x68: {  	v52 =	vld [tilespmem:s29+$0x10000];
	v51 =	vnsel vm15, $0x0, v12;
	v27 =	vadd.f32 v49, v29;
	v29 =	vnsel vm3, $0x0, v14;
	v15, _, _ =	vpop (xrf0)  }
0x69: {  	s28 =	simm.s32 $0x480;
	v32 =	vadd.f32 v50, v25;
	v25 =	vadd.f32 v29, v16;
	v29 =	vld [tilespmem:s29+$0x10001];
	v14 =	vbroadcast v15, $0xF;
	v15, _, _ =	vpop (xrf0)  }
0x6a: {  	v12 =	vnsel vm2, $0x0, v12;
	v33 =	vadd.f32 v51, v27;
	v27 =	vld [tilespmem:s28+$0x10];
	v15 =	vbroadcast v15, $0xF  }
0x6b: {  	v22 =	vadd.f32 v34, v22;
	vm2 =	vmmov vm0;
	v53 =	vadd.f32 v12, v25;
	v25 =	vld [tilespmem:s28+$0x20]  }
0x6c: {  	vm0 =	vmmov vm1;
	vm1 =	veq.f32 v17, v15;
	vm3 =	veq.f32 v28, v15;
	v17 =	vld [tilespmem:s28+$0x0]  }
0x6d: {  	v26 =	vadd.f32 v47, v26;
	vm8 =	veq.f32 v21, v15;
	v28 =	vld [tilespmem:s28+$0xFFFFFF80];
	v21 =	vnsel vm3, $0x80000040, v1  }
0x6e: {  	s19 =	spop (v2sf);
	vm9 =	veq.f32 v30, v15;
	vm3 =	veq.f32 v23, v14;
	v12 =	vsel vm8, v2, v21;
	v21 =	vld [tilespmem:s28+$0x30]  }
0x6f: {  	vm10 =	veq.f32 v18, v14;
	s20 =	spop (v2sf);
	v30 =	vld [tilespmem:s28+$0xFFFFFF90];
	v18 =	vnsel vm3, $0x80000040, v1;
	v12 =	vsel vm9, v3, v12  }
0x70: {  	v18 =	vsel vm10, v2, v18;
	v12 =	vsel vm1, v4, v12;
	vm1 =	veq.f32 v20, v14;
	s30 =	spop (v2sf)  }
0x71: {  	p0 =	seq.s32 s31, $0x1;
	v54 =	vsel vm2, $0x3F800000, v5;
	v16 =	vld [tilespmem:s28+$0xFFFFFFB0];
	vm2 =	veq.f32 v19, v14;
	v18 =	vsel vm1, v3, v18;
	(xrf0) =	vmin.scan.msk.u32 $0xffff, v12;
	s24 =	sxor.u32 $0x80000000, s30  }
0x72: {  	(v2sf) =	vpush v29, $0x0;
	v29 =	vld [tilespmem:s28+$0xFFFFFFA0];
	v23 =	vmax.f32 v17, v27;
	v12 =	vsel vm2, v4, v18;
	s24 =	simm.s32 @!p0 $0x40  }
0x73: {  	s31 =	spop (v2sf);
	(v2sf) =	vpush v52, $0x0;
	(xrf0) =	vmin.scan.msk.u32 $0xffff, v12;
	v56 =	vmax.f32 v25, v21;
	v18 =	vmov s24  }
0x74: {  	v58 =	vmax.f32 v28, v30;
	p0 =	seq.s32 s21, $0x1;
	s22 =	sxor.u32 $0x80000000, s31;
	v23 =	vmax.f32 v23, v56;
	vm11 =	veq.s32 v18, v0  }
0x75: {  	vm3 =	veq.s32 v18, v6;
	s22 =	simm.s32 @!p0 $0x40;
	vm12 =	veq.s32 v18, v7;
	vm1 =	veq.s32 v18, v8  }
0x76: {  	v19 =	vmov s22;
	v18 =	vsel vm3, $0x3F800000, v5;
	v20 =	vsel vm12, $0x3F800000, v5  }
0x77: {  	v39 =	vnsel vm12, $0x0, v13;
	v40 =	vmax.f32 v29, v16;
	v41 =	vnsel vm1, $0x0, v13;
	v57, _, _ =	vpop (xrf0)  }
0x78: {  	v60 =	vnsel vm11, $0x0, v13;
	v61 =	vnsel vm3, $0x0, v13;
	(v2sf) =	vpush v57, $0xF  }
0x79: {  	vm2 =	veq.s32 v19, v6;
	vm13 =	veq.s32 v19, v8;
	v18 =	vadd.f32 v18, v22;
	v59, _, _ =	vpop (xrf0)  }
0x7a: {  	v38 =	vmax.f32 v58, v40;
	(xrf0) =	vmax.scan.msk.f32 $0xffff, v23;
	v20 =	vadd.f32 v20, v24;
	(v2sf) =	vpush v59, $0xF  }
0x7b: {  	vm14 =	veq.s32 v19, v7;
	v22 =	vadd.f32 v41, v26;
	v24 =	vadd.f32 v39, v31;
	(xrf0) =	vmax.scan.msk.f32 $0xffff, v38  }
0x7c: {  	v31 =	vsel vm11, $0x3F800000, v5;
	vm15 =	veq.s32 v19, v0;
	v55 =	vsel vm2, $0x3F800000, v5  }
0x7d: {  	v12 =	vsel vm13, $0x3F800000, v5;
	v23 =	vnsel vm13, $0x0, v11;
	v26 =	vsel vm14, $0x3F800000, v5  }
0x7e: {  	v18 =	vadd.f32 v55, v18;
	v20 =	vadd.f32 v26, v20;
	v26 =	vnsel vm14, $0x0, v11  }
0x7f: {  	v13 =	vsel vm15, $0x3F800000, v5;
	v22 =	vadd.f32 v23, v22;
	v23 =	vadd.f32 v26, v24  }
0x80: {  	v62 =	vnsel vm15, $0x0, v11;
	v24 =	vadd.f32 v31, v32;
	v26 =	vadd.f32 v60, v33;
	v19, _, _ =	vpop (xrf0)  }
0x81: {  	v31 =	vadd.f32 v54, v5;
	v32 =	vadd.f32 v61, v53;
	v19 =	vbroadcast v19, $0xF;
	v63, _, _ =	vpop (xrf0);
	s21 =	spop (v2sf)  }
0x82: {  	s24 =	simm.s32 $0x580;
	s22 =	simm.s32 $0x28;
	v24 =	vadd.f32 v13, v24;
	v26 =	vadd.f32 v62, v26;
	v13 =	vbroadcast v63, $0xF;
	s23 =	spop (v2sf)  }
.LBB2_2:
0x83: {  	v33 =	vld [tilespmem:s24+$0xFFFFFFB0];
	s25 =	sshra.s32 s22, $0x2;
	p0 =	sne.s32 s22, $0x3F8;
	s22 =	sadd.s32 $0x8, s22;
	v34 =	vnsel vm2, $0x0, v11;
	v11 =	vmovc v14;
	v14 =	vmovc v19;
	vm2 =	vmmov vm0;
	vm0 =	vmmov vm1  }
0x84: {  	v19 =	vld [tilespmem:s25+$0x10000];
	vm1 =	veq.f32 v28, v13;
	vm3 =	veq.f32 v29, v13;
	vm4 =	veq.f32 v16, v13  }
0x85: {  	vm5 =	veq.f32 v30, v13;
	v32 =	vadd.f32 v34, v32;
	v29 =	vld [tilespmem:s25+$0x10001];
	v16 =	vnsel vm4, $0x80000040, v1  }
0x86: {  	v34 =	vsel vm2, $0x3F800000, v5;
	v30 =	vld [tilespmem:s24+$0x0];
	v37 =	vsel vm3, v2, v16;
	vm3 =	veq.f32 v21, v14  }
0x87: {  	vm2 =	veq.f32 v25, v14;
	v35 =	vld [tilespmem:s24+$0x10];
	v36 =	vsel vm5, v3, v37;
	v25 =	vnsel vm3, $0x80000040, v1;
	s25 =	spop (v2sf)  }
0x88: {  	p1 =	seq.s32 s20, $0x1;
	s20 =	smov.u32 s23;
	v21 =	vld [tilespmem:s24+$0x30];
	v28 =	vsel vm1, v4, v36;
	vm1 =	veq.f32 v27, v14;
	v27 =	vsel vm2, v2, v25;
	s25 =	sxor.u32 $0x80000000, s25;
	v16 =	vmovc v33  }
0x89: {  	v31 =	vadd.f32 v9, v31;
	vm2 =	veq.f32 v17, v14;
	v25 =	vld [tilespmem:s24+$0x20];
	v27 =	vsel vm1, v3, v27;
	(xrf0) =	vmin.scan.msk.u32 $0xffff, v28;
	s25 =	simm.s32 @!p1 $0x40;
	s23 =	spop (v2sf)  }
0x8a: {  	v9 =	vmovc v10;
	v10 =	vmovc v12;
	p1 =	seq.s32 s19, $0x1;
	s19 =	smov.u32 s21;
	v28 =	vld [tilespmem:s24+$0xFFFFFF80];
	(v2sf) =	vpush v29, $0x0;
	v33 =	vsel vm2, v4, v27;
	v36 =	vmov s25;
	s23 =	sxor.u32 $0x80000000, s23  }
0x8b: {  	v29 =	vld [tilespmem:s24+$0xFFFFFFA0];
	(v2sf) =	vpush v19, $0x0;
	(xrf0) =	vmin.scan.msk.u32 $0xffff, v33;
	vm4 =	veq.s32 v36, v0;
	vm3 =	veq.s32 v36, v6;
	s23 =	simm.s32 @!p1 $0x40;
	v17 =	vmovc v30  }
0x8c: {  	vm5 =	veq.s32 v36, v7;
	vm1 =	veq.s32 v36, v8;
	v30 =	vld [tilespmem:s24+$0xFFFFFF90];
	v19 =	vmov s23;
	v27 =	vmovc v35  }
0x8d: {  	v33 =	vsel vm3, $0x3F800000, v5;
	v35 =	vsel vm5, $0x3F800000, v5;
	vm2 =	veq.s32 v19, v6  }
0x8e: {  	v36 =	vmax.f32 v17, v27;
	vm6 =	veq.s32 v19, v8;
	v37 =	vsel vm2, $0x3F800000, v5  }
0x8f: {  	v40 =	vnsel vm5, $0x0, v15;
	v42 =	vmax.f32 v25, v21;
	v12 =	vsel vm6, $0x3F800000, v5;
	v39, _, _ =	vpop (xrf0)  }
0x90: {  	vm5 =	veq.s32 v19, v7;
	v41 =	vmax.f32 v29, v16;
	(v2sf) =	vpush v39, $0xF  }
0x91: {  	v36 =	vmax.f32 v36, v42;
	v42 =	vnsel vm1, $0x0, v15;
	v39 =	vmax.f32 v28, v30;
	v38, _, _ =	vpop (xrf0)  }
0x92: {  	v18 =	vadd.f32 v33, v18;
	v39 =	vmax.f32 v39, v41;
	(xrf0) =	vmax.scan.msk.f32 $0xffff, v36;
	(v2sf) =	vpush v38, $0xF  }
0x93: {  	v20 =	vadd.f32 v35, v20;
	v33 =	vnsel vm6, $0x0, v11;
	v22 =	vadd.f32 v42, v22;
	(xrf0) =	vmax.scan.msk.f32 $0xffff, v39  }
0x94: {  	v23 =	vadd.f32 v40, v23;
	v35 =	vsel vm5, $0x3F800000, v5;
	v18 =	vadd.f32 v37, v18  }
0x95: {  	v20 =	vadd.f32 v35, v20;
	v35 =	vnsel vm5, $0x0, v11;
	v22 =	vadd.f32 v33, v22  }
.Ltmp0:
0x96: {  	v23 =	vadd.f32 v35, v23;
	v33 =	vsel vm4, $0x3F800000, v5;
	v36 =	vnsel vm4, $0x0, v15;
	(pc) =	sbr.rel @p0 .LBB2_2-.Ltmp0, $4  }
0x97: {  	vm4 =	veq.s32 v19, v0;
	v24 =	vadd.f32 v33, v24;
	v26 =	vadd.f32 v36, v26  }
0x98: {  	v37 =	vnsel vm3, $0x0, v15;
	v33 =	vsel vm4, $0x3F800000, v5;
	v35 =	vnsel vm4, $0x0, v11;
	v19, _, _ =	vpop (xrf0)  }
0x99: {  	v31 =	vadd.f32 v34, v31;
	v24 =	vadd.f32 v33, v24;
	v19 =	vbroadcast v19, $0xF;
	v36, _, _ =	vpop (xrf0);
	s21 =	spop (v2sf)  }
0x9a: {  	s24 =	sadd.s32 $0x100, s24;
	v32 =	vadd.f32 v37, v32;
	v15 =	vmovc v13;
	v26 =	vadd.f32 v35, v26;
	s23 =	spop (v2sf);
	v13 =	vbroadcast v36, $0xF  }
0x9b: {  	_ = 	snop  }
0x9c: {  	vm9 =	veq.f32 v21, v19;
	vm10 =	veq.f32 v25, v19;
	vm5 =	veq.f32 v16, v13  }
0x9d: {  	vm11 =	veq.f32 v27, v19;
	vm4 =	veq.f32 v29, v13;
	v16 =	vnsel vm5, $0x80000040, v1  }
0x9e: {  	vm6 =	veq.f32 v30, v13;
	v21 =	vnsel vm9, $0x80000040, v1;
	v16 =	vsel vm4, v2, v16  }
0x9f: {  	vm3 =	veq.f32 v28, v13;
	v21 =	vsel vm10, v2, v21;
	v16 =	vsel vm6, v3, v16  }
0xa0: {  	v16 =	vsel vm3, v4, v16;
	vm3 =	veq.f32 v17, v19;
	v17 =	vsel vm11, v3, v21  }
0xa1: {  	(xrf0) =	vmin.scan.msk.u32 $0xffff, v16;
	v16 =	vsel vm3, v4, v17  }
0xa2: {  	(xrf0) =	vmin.scan.msk.u32 $0xffff, v16;
	_ =	sdelay $0x4  }
0xa3: {  	v16, _, _ =	vpop (xrf0)  }
0xa4: {  	(v2sf) =	vpush v16, $0xF;
	v16, _, _ =	vpop (xrf0)  }
0xa5: {  	(v2sf) =	vpush v16, $0xF;
	_ =	sdelay $0xb  }
0xa6: {  	s24 =	spop (v2sf)  }
0xa7: {  	p0 =	seq.s32 s20, $0x1;
	s24 =	sxor.u32 $0x80000000, s24;
	s25 =	spop (v2sf)  }
0xa8: {  	v11 =	vnsel vm2, $0x0, v11;
	s24 =	simm.s32 @!p0 $0x40;
	s22 =	spop (v2sf)  }
0xa9: {  	vm0 =	vmmov vm0;
	vm1 =	vmmov vm1;
	p0 =	seq.s32 s19, $0x1;
	s25 =	sxor.u32 $0x80000000, s25;
	v17 =	vmov s24;
	s31 =	spop (v2sf)  }
0xaa: {  	v9 =	vadd.f32 v9, v31;
	v11 =	vadd.f32 v11, v32;
	s25 =	simm.s32 @!p0 $0x40;
	vm12 =	veq.s32 v17, v0;
	_ =	swait.ge [sflag:s15], $0x8000  }
0xab: {  	vm13 =	veq.s32 v17, v6;
	vm14 =	veq.s32 v17, v7;
	v21 =	vmov s25;
	[sflag:s15] =	ssyncset.done $0x0  }
0xac: {  	s26 =	simm.s32 $0x0;
	s28 =	simm.s32 $0x8080;
	v25 =	vsel vm13, $0x3F800000, v5;
	v27 =	vsel vm14, $0x3F800000, v5;
	v30 =	vnsel vm14, $0x0, v15;
	[sflag:s15] =	ssyncadd.s32 $0xFFFF8000  }
0xad: {  	vm2 =	veq.s32 v21, v6;
	vm3 =	veq.s32 v21, v8;
	vm15 =	veq.s32 v21, v7;
	[tilespmem:s26], [sflag:$0x1] =	stream.linear.gather [hbm4b:s6+s26], $0x8000, $0x38;
	[tilespmem:$0x10580] =	vst v63  }
0xae: {  	v18 =	vadd.f32 v25, v18;
	v16 =	vsel vm0, $0x3F800000, v5;
	vm0 =	veq.s32 v17, v8;
	v17 =	vld [tilespmem:s28+$0xFFFFFFB0]  }
0xaf: {  	v20 =	vadd.f32 v27, v20;
	v23 =	vadd.f32 v30, v23;
	vm9 =	veq.s32 v21, v0;
	v29 =	vld [tilespmem:s28+$0xFFFFFF80]  }
0xb0: {  	v28 =	vsel vm2, $0x3F800000, v5;
	v25 =	vsel vm15, $0x3F800000, v5;
	v61 =	vnsel vm0, $0x0, v15;
	v31 =	vld [tilespmem:s28+$0xFFFFFF90]  }
0xb1: {  	v27 =	vnsel vm3, $0x0, v14;
	v18 =	vadd.f32 v28, v18;
	v22 =	vadd.f32 v61, v22;
	v33 =	vld [tilespmem:s28+$0xFFFFFFA0]  }
0xb2: {  	v28 =	vadd.f32 v25, v20;
	v20 =	vnsel vm15, $0x0, v14;
	v25 =	vsel vm12, $0x3F800000, v5;
	v30 =	vld [tilespmem:s28+$0x20]  }
0xb3: {  	v22 =	vadd.f32 v27, v22;
	v27 =	vnsel vm12, $0x0, v15;
	v15 =	vnsel vm13, $0x0, v15;
	v62 =	vld [tilespmem:s28+$0x30]  }
0xb4: {  	vm15 =	vmmov vm1;
	v34 =	vadd.f32 v20, v23;
	v11 =	vadd.f32 v15, v11;
	v35 =	vld [tilespmem:s28+$0x0]  }
0xb5: {  	s29 =	simm.s32 $0x8180;
	p0 =	seq.s32 s23, $0x1;
	v20 =	vadd.f32 v25, v24;
	v9 =	vadd.f32 v16, v9;
	v16 =	vnsel vm2, $0x0, v14;
	s22 =	sxor.u32 $0x80000000, s22;
	v36 =	vld [tilespmem:s28+$0x10]  }
0xb6: {  	vm0 =	vmmov vm0;
	v23 =	vadd.f32 v27, v26;
	v37 =	vadd.f32 v16, v11;
	s22 =	simm.s32 @!p0 $0x40;
	v40 =	vld [tilespmem:s29+$0xFFFFFFA0]  }
0xb7: {  	s19 =	sand.u32 $0xFE, s26;
	s20 =	sxor.u32 $0x80000000, s31;
	p0 =	seq.s32 s21, $0x1;
	v16 =	vmov s22;
	v27 =	vld [tilespmem:s29+$0x0];
	v24 =	vmax.f32 v29, v31;
	v25 =	vmax.f32 v33, v17  }
0xb8: {  	v10 =	vadd.f32 v10, v9;
	s20 =	simm.s32 @!p0 $0x40;
	vm4 =	veq.s32 v16, v0;
	v48 =	vld [tilespmem:s19+$0x10100];
	v21 =	vmax.f32 v24, v25  }
0xb9: {  	s30 =	simm.s32 $0x10101;
	s31 =	simm.s32 $0x2;
	vm10 =	veq.s32 v16, v7;
	vm2 =	veq.s32 v16, v8;
	v39 =	vmov s20;
	v26 =	vld [tilespmem:s29+$0x10];
	(xrf0) =	vmax.scan.msk.f32 $0xffff, v21  }
0xba: {  	s20 =	sand.u32 $0xFE, s31;
	v41 =	vnsel vm10, $0x0, v13;
	vm11 =	veq.s32 v39, v7;
	v49 =	vld [tilespmem:s30+$0x0];
	v24 =	vsel vm9, $0x3F800000, v5  }
0xbb: {  	v42 =	vnsel vm2, $0x0, v13;
	v43 =	vld [tilespmem:s20+$0x10100];
	v25 =	vnsel vm9, $0x0, v14;
	v15 =	vadd.f32 v24, v20  }
0xbc: {  	v20 =	vld [tilespmem:s29+$0xFFFFFFB0];
	v21 =	vadd.f32 v25, v23;
	v23 =	vmax.f32 v30, v62;
	v25 =	vmax.f32 v35, v36  }
0xbd: {  	v22 =	vadd.f32 v42, v22;
	(v2sf) =	vpush v48, $0x0;
	v24 =	vld [tilespmem:s29+$0x20];
	v9 =	vmax.f32 v25, v23  }
0xbe: {  	v14 =	vsel vm3, $0x3F800000, v5;
	vm3 =	veq.s32 v16, v6;
	v16 =	vsel vm10, $0x3F800000, v5;
	v25 =	vld [tilespmem:s29+$0x30];
	(xrf0) =	vmax.scan.msk.f32 $0xffff, v9  }
0xbf: {  	v63 =	vnsel vm11, $0x0, v19;
	(v2sf) =	vpush v49, $0x0;
	v16 =	vadd.f32 v16, v28;
	v23, _, _ =	vpop (xrf0)  }
0xc0: {  	v11 =	vld [tilespmem:s29+$0xFFFFFF80];
	v28 =	vadd.f32 v41, v34;
	v9 =	vsel vm3, $0x3F800000, v5;
	v23 =	vbroadcast v23, $0xF  }
0xc1: {  	v38 =	vld [tilespmem:s29+$0xFFFFFF90];
	v47 =	vmax.f32 v27, v26;
	(v2sf) =	vpush v43, $0x0;
	v18 =	vadd.f32 v9, v18  }
0xc2: {  	v46 =	vmax.f32 v40, v20;
	vm12 =	veq.f32 v17, v23;
	v17 =	vsel vm11, $0x3F800000, v5  }
0xc3: {  	vm13 =	veq.f32 v33, v23;
	vm14 =	veq.f32 v29, v23;
	v29 =	vmax.f32 v24, v25  }
0xc4: {  	vm7 =	veq.f32 v31, v23;
	v31, _, _ =	vpop (xrf0);
	v9 =	vnsel vm12, $0x80000040, v1;
	v29 =	vmax.f32 v47, v29  }
0xc5: {  	vm1 =	vmmov vm14;
	v45 =	vsel vm13, v2, v9;
	v9 =	vbroadcast v31, $0xF  }
0xc6: {  	s21 =	simm.s32 $0x10103;
	v31 =	vmax.f32 v11, v38;
	vm1 =	vmmov vm1;
	vm13 =	veq.s32 v39, v8  }
0xc7: {  	s22 =	simm.s32 $0x8280;
	v50 =	vld [tilespmem:s21+$0x0];
	v31 =	vmax.f32 v31, v46;
	v34 =	vsel vm7, v3, v45;
	vm9 =	veq.f32 v62, v9  }
0xc8: {  	v51 =	vld [tilespmem:s22+$0xFFFFFFB0];
	vm10 =	veq.f32 v30, v9;
	(xrf0) =	vmax.scan.msk.f32 $0xffff, v31;
	v30 =	vsel vm1, v4, v34;
	v32 =	vnsel vm9, $0x80000040, v1  }
0xc9: {  	v52 =	vld [tilespmem:s22+$0xFFFFFF80];
	vm11 =	veq.f32 v36, v9;
	vm1 =	veq.s32 v39, v6;
	(xrf0) =	vmax.scan.msk.f32 $0xffff, v29;
	v31 =	vsel vm10, v2, v32  }
0xca: {  	v44 =	vld [tilespmem:s22+$0xFFFFFF90];
	vm12 =	veq.f32 v35, v9;
	(xrf0) =	vmin.scan.msk.u32 $0xffff, v30;
	v29 =	vsel vm11, v3, v31;
	v31 =	vsel vm1, $0x3F800000, v5  }
0xcb: {  	v30 =	vadd.f32 v31, v18;
	v18 =	vnsel vm13, $0x0, v19;
	v31 =	vadd.f32 v17, v16;
	v17 =	vld [tilespmem:s22+$0x0]  }
0xcc: {  	v35 =	vsel vm12, v4, v29;
	v16 =	vsel vm4, $0x3F800000, v5;
	v29 =	vadd.f32 v18, v22;
	v22 =	vld [tilespmem:s22+$0xFFFFFFA0]  }
0xcd: {  	(v2sf) =	vpush v50, $0x0;
	v53 =	vadd.f32 v16, v15;
	v15 =	vsel vm15, $0x3F800000, v5;
	v18 =	vld [tilespmem:s22+$0x10]  }
0xce: {  	vm0 =	vmmov vm0;
	v16 =	vnsel vm4, $0x0, v13;
	v10 =	vadd.f32 v15, v10;
	v54, _, _ =	vpop (xrf0);
	v15 =	vld [tilespmem:s22+$0x20]  }
0xcf: {  	v59 =	vsel vm0, $0x3F800000, v5;
	vm0 =	vmmov vm2;
	(xrf0) =	vmin.scan.msk.u32 $0xffff, v35;
	v21 =	vadd.f32 v16, v21;
	v16 =	vld [tilespmem:s22+$0x30];
	v55, _, _ =	vpop (xrf0)  }
0xd0: {  	vm0 =	vmmov vm0;
	v56 =	vmax.f32 v52, v44;
	v10 =	vadd.f32 v12, v10;
	v12, _, _ =	vpop (xrf0)  }
0xd1: {  	v28 =	vadd.f32 v63, v28;
	(v2sf) =	vpush v12, $0xF;
	v12 =	vmax.f32 v22, v51  }
0xd2: {  	v13 =	vnsel vm3, $0x0, v13;
	v10 =	vadd.f32 v59, v10;
	v12 =	vmax.f32 v56, v12  }
0xd3: {  	vm3 =	veq.s32 v39, v0;
	v13 =	vadd.f32 v13, v37;
	v62 =	vmax.f32 v17, v18;
	(xrf0) =	vmax.scan.msk.f32 $0xffff, v12  }
0xd4: {  	v61 =	vmax.f32 v15, v16;
	v12 =	vnsel vm3, $0x0, v19;
	v10 =	vadd.f32 v14, v10  }
0xd5: {  	s23 =	simm.s32 $0x4;
	v60, _, _ =	vpop (xrf0);
	v14 =	vbroadcast v54, $0xF;
	v34 =	vmax.f32 v62, v61;
	v19 =	vnsel vm1, $0x0, v19  }
0xd6: {  	s19 =	sand.u32 $0xFE, s23;
	(v2sf) =	vpush v60, $0xF;
	v12 =	vadd.f32 v12, v21;
	v21 =	vsel vm0, $0x3F800000, v5  }
0xd7: {  	s24 =	simm.s32 $0x10105;
	(xrf0) =	vmax.scan.msk.f32 $0xffff, v34;
	v34 =	vadd.f32 v19, v13;
	v13 =	vadd.f32 v21, v10;
	vm0 =	veq.f32 v20, v14;
	v20 =	vld [tilespmem:s19+$0x10100]  }
0xd8: {  	v47 =	vld [tilespmem:s24+$0x0];
	v57 =	vsel vm13, $0x3F800000, v5;
	v58 =	vsel vm3, $0x3F800000, v5;
	vm1 =	veq.f32 v40, v14  }
0xd9: {  	s25 =	spop (v2sf);
	v19 =	vnsel vm0, $0x80000040, v1;
	vm0 =	veq.f32 v38, v14;
	v63 =	vadd.f32 v57, v13;
	v10, _, _ =	vpop (xrf0)  }
0xda: {  	s28 =	simm.s32 $0x8380;
	s26 =	spop (v2sf);
	v19 =	vsel vm1, v2, v19;
	v13 =	vbroadcast v55, $0xF;
	v10 =	vbroadcast v10, $0xF  }
0xdb: {  	v48 =	vld [tilespmem:s28+$0xFFFFFFA0];
	s20 =	spop (v2sf);
	v33 =	vadd.f32 v58, v53;
	vm1 =	veq.f32 v11, v14;
	v46 =	vsel vm0, v3, v19  }
0xdc: {  	s19 =	spop (v2sf);
	v38 =	vld [tilespmem:s28+$0xFFFFFFB0];
	vm3 =	veq.f32 v27, v13;
	(v2sf) =	vpush v20, $0x0;
	vm0 =	veq.f32 v51, v10  }
0xdd: {  	v20 =	vld [tilespmem:s28+$0x30];
	(v2sf) =	vpush v47, $0x0;
	vm2 =	veq.f32 v22, v10;
	v11 =	vnsel vm0, $0x80000040, v1  }
0xde: {  	v19, _, _ =	vpop (xrf0);
	v22 =	vld [tilespmem:s28+$0x20];
	vm0 =	vmmov vm1;
	vm1 =	veq.f32 v44, v10;
	v21 =	vsel vm2, v2, v11  }
0xdf: {  	v11 =	vbroadcast v19, $0xF;
	v19 =	vsel vm1, v3, v21;
	vm1 =	veq.f32 v52, v10  }
0xe0: {  	v27 =	vld [tilespmem:s28+$0xFFFFFF90];
	vm2 =	vmmov vm0;
	s29 =	spop (v2sf);
	vm0 =	vmmov vm1;
	vm1 =	veq.f32 v25, v13  }
0xe1: {  	p0 =	seq.s32 s25, $0x1;
	v21 =	vld [tilespmem:s28+$0xFFFFFF80];
	s24 =	sxor.u32 $0x80000000, s29;
	v25 =	vsel vm2, v4, v46;
	vm2 =	veq.f32 v24, v13;
	v24 =	vnsel vm1, $0x80000040, v1  }
0xe2: {  	v54 =	vmax.f32 v48, v38;
	s24 =	simm.s32 @!p0 $0x40;
	vm1 =	veq.f32 v26, v13;
	(xrf0) =	vmin.scan.msk.u32 $0xffff, v25;
	v24 =	vsel vm2, v2, v24  }
0xe3: {  	v50 =	vmax.f32 v22, v20;
	v25 =	vmov s24;
	v24 =	vsel vm1, v3, v24  }
0xe4: {  	vm2 =	veq.s32 v25, v0;
	vm1 =	veq.s32 v25, v6;
	v26 =	vsel vm3, v4, v24  }
0xe5: {  	s30 =	spop (v2sf);
	vm14 =	veq.s32 v25, v7;
	v49 =	vsel vm2, $0x3F800000, v5;
	vm3 =	veq.s32 v25, v8;
	v24 =	vld [tilespmem:s28+$0x0];
	(xrf0) =	vmin.scan.msk.u32 $0xffff, v26  }
0xe6: {  	p0 =	seq.s32 s26, $0x1;
	s21 =	sxor.u32 $0x80000000, s30;
	v25 =	vmax.f32 v21, v27;
	v52 =	vsel vm14, $0x3F800000, v5;
	v55 =	vsel vm1, $0x3F800000, v5;
	v26 =	vld [tilespmem:s28+$0x10]  }
0xe7: {  	v57 =	vnsel vm14, $0x0, v23;
	v58 =	vnsel vm2, $0x0, v23;
	s21 =	simm.s32 @!p0 $0x40;
	v51 =	vadd.f32 v49, v33  }
0xe8: {  	v56 =	vadd.f32 v52, v31;
	v25 =	vmax.f32 v25, v54;
	v53 =	vmov s21;
	v31, _, _ =	vpop (xrf0)  }
0xe9: {  	v30 =	vadd.f32 v55, v30;
	(xrf0) =	vmax.scan.msk.f32 $0xffff, v25;
	vm2 =	veq.s32 v53, v8;
	(v2sf) =	vpush v31, $0xF  }
0xea: {  	v25 =	vsel vm3, $0x3F800000, v5;
	v31 =	vnsel vm3, $0x0, v23;
	v61 =	vsel vm2, $0x3F800000, v5  }
0xeb: {  	v23 =	vnsel vm1, $0x0, v23;
	v59 =	vadd.f32 v31, v29;
	v31 =	vmax.f32 v24, v26;
	v60, _, _ =	vpop (xrf0)  }
0xec: {  	v29 =	vadd.f32 v57, v28;
	v28 =	vmax.f32 v31, v50;
	(v2sf) =	vpush v60, $0xF  }
0xed: {  	v62 =	vadd.f32 v25, v63;
	vm1 =	veq.s32 v53, v0;
	vm3 =	veq.s32 v53, v6;
	(xrf0) =	vmax.scan.msk.f32 $0xffff, v28  }
0xee: {  	v35 =	vsel vm3, $0x3F800000, v5;
	v31 =	vadd.f32 v23, v34;
	v23 =	vnsel vm2, $0x0, v9  }
0xef: {  	vm2 =	veq.s32 v53, v7;
	v34 =	vnsel vm3, $0x0, v9;
	v28 =	vadd.f32 v58, v12;
	v12, _, _ =	vpop (xrf0)  }
0xf0: {  	s31 =	simm.s32 $0x6;
	v25 =	vadd.f32 v23, v59;
	v23 =	vnsel vm1, $0x0, v9;
	v12 =	vbroadcast v12, $0xF  }
0xf1: {  	s21 =	sand.u32 $0xFE, s31;
	v33 =	vnsel vm2, $0x0, v9;
	v63 =	vsel vm2, $0x3F800000, v5;
	v23 =	vadd.f32 v23, v28  }
0xf2: {  	s23 =	simm.s32 $0x10107;
	v28 =	vadd.f32 v35, v30;
	v35 =	vld [tilespmem:s21+$0x10100];
	vm2 =	veq.f32 v48, v12;
	vm3 =	veq.f32 v38, v12  }
0xf3: {  	v37 =	vld [tilespmem:s23+$0x0];
	vm15 =	veq.f32 v27, v12;
	v27 =	vadd.f32 v61, v62;
	v9 =	vnsel vm3, $0x80000040, v1;
	v30, _, _ =	vpop (xrf0)  }
0xf4: {  	s22 =	spop (v2sf);
	v32 =	vsel vm2, v2, v9;
	v9 =	vbroadcast v30, $0xF;
	v30 =	vsel vm1, $0x3F800000, v5  }
0xf5: {  	s25 =	simm.s32 $0x8480;
	s24 =	simm.s32 $0x8;
	s21 =	spop (v2sf);
	v36 =	vsel vm15, v3, v32;
	v32 =	vadd.f32 v30, v51;
	v30 =	vadd.f32 v63, v56  }
.LBB2_4:
0xf6: {  	v38 =	vld [tilespmem:s25+$0xFFFFFFB0];
	s26 =	sand.u32 $0xFE, s24;
	p0 =	sne.s32 s24, $0xFE;
	s24 =	sadd.s32 $0x2, s24;
	vm1 =	veq.f32 v21, v12;
	v31 =	vadd.f32 v34, v31;
	v29 =	vadd.f32 v33, v29  }
0xf7: {  	vm2 =	vmmov vm0;
	v21 =	vld [tilespmem:s25+$0xFFFFFF80];
	(v2sf) =	vpush v35, $0x0;
	vm0 =	vmmov vm1  }
0xf8: {  	v33 =	vld [tilespmem:s25+$0x20];
	(v2sf) =	vpush v37, $0x0;
	s28 =	spop (v2sf)  }
0xf9: {  	vm3 =	veq.f32 v17, v11;
	p1 =	seq.s32 s20, $0x1;
	v17 =	vmovc v24;
	s20 =	smov.u32 s22;
	vm1 =	veq.f32 v16, v11;
	v16 =	vmov v20;
	s28 =	sxor.u32 $0x80000000, s28;
	v20 =	vld [tilespmem:s25+$0x30]  }
0xfa: {  	v24 =	vsel vm2, v4, v19;
	vm2 =	veq.f32 v15, v11;
	v15 =	vmovc v22;
	v19 =	vmovc v36;
	v34 =	vnsel vm1, $0x80000040, v1;
	v37 =	vld [tilespmem:s25+$0xFFFFFF90];
	s28 =	simm.s32 @!p1 $0x40  }
0xfb: {  	vm1 =	veq.f32 v18, v11;
	v18 =	vmovc v26;
	v40 =	vsel vm2, v2, v34;
	v35 =	vld [tilespmem:s25+$0xFFFFFFA0];
	(xrf0) =	vmin.scan.msk.u32 $0xffff, v24;
	v34 =	vmov s28;
	s22 =	spop (v2sf)  }
0xfc: {  	v39 =	vsel vm1, v3, v40;
	p1 =	seq.s32 s19, $0x1;
	s19 =	smov.u32 s21;
	v24 =	vld [tilespmem:s25+$0x0];
	vm2 =	veq.s32 v34, v0;
	vm1 =	veq.s32 v34, v6;
	s22 =	sxor.u32 $0x80000000, s22  }
0xfd: {  	v26 =	vsel vm3, v4, v39;
	vm3 =	veq.s32 v34, v8;
	v36 =	vsel vm2, $0x3F800000, v5;
	s22 =	simm.s32 @!p1 $0x40;
	v22 =	vmovc v33  }
0xfe: {  	vm4 =	veq.s32 v34, v7;
	v33 =	vmax.f32 v22, v20;
	(xrf0) =	vmin.scan.msk.u32 $0xffff, v26;
	v32 =	vadd.f32 v36, v32  }
0xff: {  	v42 =	vsel vm4, $0x3F800000, v5;
	v39 =	vmov s22;
	v34 =	vmax.f32 v21, v37;
	v26 =	vld [tilespmem:s25+$0x10]  }
0x100: {  	v41 =	vsel vm1, $0x3F800000, v5;
	v30 =	vadd.f32 v42, v30;
	v40 =	vmax.f32 v35, v38  }
0x101: {  	v28 =	vadd.f32 v41, v28;
	v34 =	vmax.f32 v34, v40;
	v36, _, _ =	vpop (xrf0);
	v40 =	vnsel vm4, $0x0, v14  }
0x102: {  	(xrf0) =	vmax.scan.msk.f32 $0xffff, v34;
	(v2sf) =	vpush v36, $0xF;
	v34 =	vsel vm3, $0x3F800000, v5;
	v36 =	vnsel vm3, $0x0, v14  }
0x103: {  	v41 =	vnsel vm2, $0x0, v14;
	vm2 =	veq.s32 v39, v8;
	v25 =	vadd.f32 v36, v25  }
0x104: {  	v29 =	vadd.f32 v40, v29;
	v40 =	vsel vm2, $0x3F800000, v5;
	v36 =	vmax.f32 v24, v26;
	v42, _, _ =	vpop (xrf0)  }
0x105: {  	v33 =	vmax.f32 v36, v33;
	(v2sf) =	vpush v42, $0xF;
	v36 =	vnsel vm1, $0x0, v14;
	v14 =	vmovc v10;
	v10 =	vmovc v12  }
0x106: {  	v27 =	vadd.f32 v34, v27;
	v12 =	vnsel vm2, $0x0, v13;
	(xrf0) =	vmax.scan.msk.f32 $0xffff, v33;
	s22 =	spop (v2sf);
	v31 =	vadd.f32 v36, v31  }
0x107: {  	v23 =	vadd.f32 v41, v23;
	vm1 =	veq.s32 v39, v0;
	vm2 =	veq.s32 v39, v7;
	s21 =	spop (v2sf)  }
0x108: {  	vm3 =	veq.s32 v39, v6;
	v33 =	vnsel vm2, $0x0, v13;
	v25 =	vadd.f32 v12, v25;
	v34, _, _ =	vpop (xrf0)  }
0x109: {  	v39 =	vsel vm2, $0x3F800000, v5;
	v12 =	vbroadcast v34, $0xF;
	v34 =	vnsel vm1, $0x0, v13  }
.Ltmp1:
0x10a: {  	v41 =	vsel vm3, $0x3F800000, v5;
	v23 =	vadd.f32 v34, v23;
	v34 =	vnsel vm3, $0x0, v13;
	v13 =	vmovc v11;
	v11 =	vmovc v9;
	(pc) =	sbr.rel @p0 .LBB2_4-.Ltmp1, $4  }
0x10b: {  	s23 =	sadd.s32 $0x2, s23;
	v28 =	vadd.f32 v41, v28;
	vm2 =	veq.f32 v35, v12;
	vm3 =	veq.f32 v38, v12;
	v35 =	vld [tilespmem:s26+$0x10100]  }
0x10c: {  	v27 =	vadd.f32 v40, v27;
	vm4 =	veq.f32 v37, v12;
	v9 =	vnsel vm3, $0x80000040, v1;
	v37 =	vld [tilespmem:s23+$0x0];
	v36, _, _ =	vpop (xrf0)  }
0x10d: {  	v40 =	vsel vm1, $0x3F800000, v5;
	v38 =	vsel vm2, v2, v9;
	v9 =	vbroadcast v36, $0xF  }
0x10e: {  	s25 =	sadd.s32 $0x100, s25;
	v32 =	vadd.f32 v40, v32;
	v30 =	vadd.f32 v39, v30;
	v36 =	vsel vm4, v3, v38  }
0x10f: {  	vm1 =	veq.f32 v21, v12;
	vm0 =	vmmov vm0;
	vm2 =	veq.f32 v16, v11  }
0x110: {  	vm3 =	veq.f32 v15, v11;
	vm4 =	veq.f32 v18, v11;
	v15 =	vnsel vm2, $0x80000040, v1  }
0x111: {  	vm1 =	vmmov vm1;
	vm2 =	veq.f32 v17, v11;
	v15 =	vsel vm3, v2, v15  }
0x112: {  	v16 =	vsel vm0, v4, v19;
	vm0 =	veq.f32 v20, v9;
	v15 =	vsel vm4, v3, v15  }
0x113: {  	v17 =	vnsel vm0, $0x80000040, v1;
	v15 =	vsel vm2, v4, v15;
	vm2 =	veq.f32 v22, v9  }
0x114: {  	(xrf0) =	vmin.scan.msk.u32 $0xffff, v16;
	vm0 =	vmmov vm1;
	vm1 =	veq.f32 v26, v9;
	v16 =	vsel vm2, v2, v17  }
0x115: {  	(xrf0) =	vmin.scan.msk.u32 $0xffff, v15;
	vm2 =	veq.f32 v24, v9;
	v15 =	vsel vm0, v4, v36;
	v16 =	vsel vm1, v3, v16  }
0x116: {  	(xrf0) =	vmin.scan.msk.u32 $0xffff, v15;
	v15 =	vsel vm2, v4, v16  }
0x117: {  	(xrf0) =	vmin.scan.msk.u32 $0xffff, v15;
	_ =	sdelay $0x1  }
0x118: {  	(v2sf) =	vpush v35, $0x0  }
0x119: {  	(v2sf) =	vpush v37, $0x0;
	v15, _, _ =	vpop (xrf0)  }
0x11a: {  	(v2sf) =	vpush v15, $0xF;
	v15, _, _ =	vpop (xrf0)  }
0x11b: {  	(v2sf) =	vpush v15, $0xF;
	v15, _, _ =	vpop (xrf0)  }
0x11c: {  	(v2sf) =	vpush v15, $0xF;
	v15, _, _ =	vpop (xrf0)  }
0x11d: {  	(v2sf) =	vpush v15, $0xF;
	_ =	sdelay $0x1  }
0x11e: {  	s23 =	spop (v2sf)  }
0x11f: {  	p0 =	seq.s32 s20, $0x1;
	s23 =	sxor.u32 $0x80000000, s23  }
0x120: {  	s23 =	simm.s32 @!p0 $0x40;
	s28 =	spop (v2sf)  }
0x121: {  	p0 =	seq.s32 s19, $0x1;
	v17 =	vadd.f32 v33, v29;
	s20 =	sxor.u32 $0x80000000, s28;
	v16 =	vmov s23  }
0x122: {  	s20 =	simm.s32 @!p0 $0x40;
	vm0 =	veq.s32 v16, v0;
	vm1 =	veq.s32 v16, v6;
	vm2 =	veq.s32 v16, v8  }
0x123: {  	vm3 =	veq.s32 v16, v7;
	v20 =	vmov s20;
	v18 =	vsel vm0, $0x3F800000, v5  }
0x124: {  	v19 =	vsel vm1, $0x3F800000, v5;
	v21 =	vnsel vm3, $0x0, v14;
	v22 =	vsel vm2, $0x3F800000, v5  }
0x125: {  	v24 =	vnsel vm2, $0x0, v14;
	v26 =	vnsel vm0, $0x0, v14;
	vm0 =	veq.s32 v20, v8  }
0x126: {  	v14 =	vnsel vm1, $0x0, v14;
	vm1 =	veq.s32 v20, v7;
	v16 =	vadd.f32 v18, v32;
	s23 =	spop (v2sf)  }
0x127: {  	vm2 =	veq.s32 v20, v6;
	v19 =	vadd.f32 v19, v28;
	v24 =	vadd.f32 v24, v25;
	s19 =	spop (v2sf)  }
0x128: {  	v18 =	vsel vm3, $0x3F800000, v5;
	v17 =	vadd.f32 v21, v17;
	v15 =	vadd.f32 v34, v31;
	s29 =	spop (v2sf)  }
0x129: {  	v21 =	vsel vm0, $0x3F800000, v5;
	v23 =	vadd.f32 v26, v23;
	v26 =	vsel vm2, $0x3F800000, v5;
	s26 =	spop (v2sf)  }
0x12a: {  	v18 =	vadd.f32 v18, v30;
	v14 =	vadd.f32 v14, v15;
	v15 =	vnsel vm0, $0x0, v13;
	s25 =	spop (v2sf)  }
0x12b: {  	vm0 =	veq.s32 v20, v0;
	v20 =	vnsel vm1, $0x0, v13;
	v15 =	vadd.f32 v15, v24;
	s24 =	spop (v2sf)  }
0x12c: {  	p0 =	seq.s32 s22, $0x1;
	v24 =	vsel vm1, $0x3F800000, v5;
	v25 =	vnsel vm0, $0x0, v13;
	v13 =	vnsel vm2, $0x0, v13;
	s28 =	sxor.u32 $0x80000000, s29;
	_ =	swait.ge [sflag:s13], $0x8000  }
0x12d: {  	v17 =	vadd.f32 v20, v17;
	v23 =	vadd.f32 v25, v23;
	v25 =	vsel vm0, $0x3F800000, v5;
	s28 =	simm.s32 @!p0 $0x40;
	[sflag:s13] =	ssyncset.done $0x0  }
0x12e: {  	s30 =	simm.s32 $0x0;
	s31 =	simm.s32 $0x80;
	v18 =	vadd.f32 v24, v18;
	v13 =	vadd.f32 v13, v14;
	v14 =	vmov s28;
	[sflag:s13] =	ssyncadd.s32 $0xFFFF8000  }
0x12f: {  	v16 =	vadd.f32 v25, v16;
	vm0 =	veq.s32 v14, v0;
	vm1 =	veq.s32 v14, v6;
	[tilespmem:s14], [sflag:$0x2] =	stream.linear.gather [hbm4b:s7+s30], $0x8000, $0x38;
	[tilespmem:$0x10580] =	vst v63  }
0x130: {  	vm2 =	veq.s32 v14, v8;
	vm3 =	veq.s32 v14, v7;
	v20 =	vsel vm0, $0x3F800000, v5;
	v14 =	vld [tilespmem:s31+$0xFFFFFFB0]  }
0x131: {  	v22 =	vadd.f32 v22, v27;
	v16 =	vadd.f32 v20, v16;
	v20 =	vsel vm3, $0x3F800000, v5;
	v29 =	vld [tilespmem:s31+$0xFFFFFF80]  }
0x132: {  	s26 =	sxor.u32 $0x80000000, s26;
	p0 =	seq.s32 s21, $0x1;
	v18 =	vadd.f32 v20, v18;
	v20 =	vld [tilespmem:s31+$0xFFFFFF90]  }
0x133: {  	v19 =	vadd.f32 v26, v19;
	v21 =	vadd.f32 v21, v22;
	s26 =	simm.s32 @!p0 $0x40;
	v27 =	vld [tilespmem:s31+$0xFFFFFFA0]  }
0x134: {  	v24 =	vmov s26;
	v22 =	vsel vm1, $0x3F800000, v5;
	v25 =	vsel vm2, $0x3F800000, v5;
	v30 =	vld [tilespmem:s31+$0x20]  }
0x135: {  	v26 =	vnsel vm2, $0x0, v10;
	v28 =	vnsel vm0, $0x0, v10;
	vm0 =	veq.s32 v24, v8;
	v31 =	vld [tilespmem:s31+$0x30]  }
0x136: {  	vm2 =	veq.s32 v24, v6;
	v19 =	vadd.f32 v22, v19;
	v22 =	vnsel vm3, $0x0, v10;
	v46 =	vld [tilespmem:s31+$0x0]  }
0x137: {  	v15 =	vadd.f32 v26, v15;
	v10 =	vnsel vm1, $0x0, v10;
	v21 =	vadd.f32 v25, v21;
	v47 =	vld [tilespmem:s31+$0x10]  }
0x138: {  	v23 =	vadd.f32 v28, v23;
	vm1 =	veq.s32 v24, v7;
	v28 =	vsel vm2, $0x3F800000, v5  }
0x139: {  	v17 =	vadd.f32 v22, v17;
	v13 =	vadd.f32 v10, v13;
	v10 =	vnsel vm0, $0x0, v11  }
0x13a: {  	v22 =	vsel vm0, $0x3F800000, v5;
	vm0 =	veq.s32 v24, v0;
	v15 =	vadd.f32 v10, v15  }
0x13b: {  	s28 =	simm.s32 $0x180;
	v19 =	vadd.f32 v28, v19;
	v24 =	vmax.f32 v29, v20;
	v25 =	vmax.f32 v27, v14  }
0x13c: {  	v35 =	vld [tilespmem:s28+$0xFFFFFFA0];
	v28 =	vmax.f32 v30, v31;
	v49 =	vmax.f32 v46, v47;
	v10 =	vmax.f32 v24, v25  }
0x13d: {  	v26 =	vnsel vm1, $0x0, v11;
	v21 =	vadd.f32 v22, v21;
	v22 =	vmax.f32 v49, v28;
	v28 =	vld [tilespmem:s28+$0x0];
	(xrf0) =	vmax.scan.msk.f32 $0xffff, v10  }
0x13e: {  	s22 =	sxor.u32 $0x80000000, s25;
	p0 =	seq.s32 s23, $0x1;
	v17 =	vadd.f32 v26, v17;
	v25 =	vsel vm1, $0x3F800000, v5;
	v24 =	vnsel vm0, $0x0, v11;
	v10 =	vld [tilespmem:s28+$0xFFFFFFB0]  }
0x13f: {  	s22 =	simm.s32 @!p0 $0x40;
	v48 =	vadd.f32 v24, v23;
	v23 =	vnsel vm2, $0x0, v11;
	v24 =	vsel vm0, $0x3F800000, v5;
	v11 =	vld [tilespmem:s28+$0xFFFFFF80]  }
0x140: {  	v18 =	vadd.f32 v25, v18;
	v25 =	vld [tilespmem:s28+$0x30];
	v13 =	vadd.f32 v23, v13;
	v23 =	vmov s22;
	(xrf0) =	vmax.scan.msk.f32 $0xffff, v22  }
0x141: {  	p0 =	seq.s32 s19, $0x1;
	v16 =	vadd.f32 v24, v16;
	v24 =	vld [tilespmem:s28+$0x20];
	s22 =	sxor.u32 $0x80000000, s24;
	vm1 =	veq.s32 v23, v0;
	vm0 =	veq.s32 v23, v6  }
0x142: {  	v22 =	vld [tilespmem:s28+$0xFFFFFF90];
	vm2 =	veq.s32 v23, v8;
	vm3 =	veq.s32 v23, v7;
	s22 =	simm.s32 @!p0 $0x40;
	v26 =	vsel vm1, $0x3F800000, v5  }
0x143: {  	v50 =	vmov s22;
	v38 =	vsel vm0, $0x3F800000, v5;
	v36 =	vadd.f32 v26, v16;
	v26 =	vld [tilespmem:s28+$0x10];
	v23, _, _ =	vpop (xrf0)  }
0x144: {  	v54 =	vsel vm2, $0x3F800000, v5;
	v16 =	vsel vm3, $0x3F800000, v5;
	v23 =	vbroadcast v23, $0xF  }
0x145: {  	v19 =	vadd.f32 v38, v19;
	v39 =	vadd.f32 v16, v18;
	v16 =	vnsel vm3, $0x0, v12  }
0x146: {  	s22 =	simm.s32 $0x280;
	v51 =	vmax.f32 v35, v10;
	v40 =	vmax.f32 v24, v25;
	v18, _, _ =	vpop (xrf0);
	vm3 =	veq.f32 v14, v23  }
0x147: {  	v42 =	vld [tilespmem:s22+$0xFFFFFF80];
	vm11 =	veq.f32 v27, v23;
	v27 =	vbroadcast v18, $0xF;
	vm12 =	veq.f32 v29, v23  }
0x148: {  	s21 =	simm.s32 $0x10203;
	s31 =	simm.s32 $0x2;
	v55 =	vld [tilespmem:s22+$0xFFFFFF90];
	v29 =	vmax.f32 v11, v22;
	v52 =	vmax.f32 v28, v26;
	v14 =	vnsel vm3, $0x80000040, v1  }
0x149: {  	v53 =	vld [tilespmem:s21+$0x0];
	s20 =	sand.u32 $0xFE, s31;
	vm3 =	veq.f32 v20, v23;
	vm4 =	vmmov vm12;
	v29 =	vmax.f32 v29, v51  }
0x14a: {  	s29 =	sand.u32 $0xFE, s30;
	v41 =	vld [tilespmem:s20+$0x10200];
	v14 =	vsel vm11, v2, v14;
	(xrf0) =	vmax.scan.msk.f32 $0xffff, v29;
	v29 =	vmax.f32 v52, v40;
	vm13 =	veq.f32 v31, v27  }
0x14b: {  	s30 =	simm.s32 $0x10201;
	v20 =	vld [tilespmem:s29+$0x10200];
	v31 =	vnsel vm2, $0x0, v12;
	v14 =	vsel vm3, v3, v14;
	vm3 =	vmmov vm4  }
0x14c: {  	v18 =	vld [tilespmem:s30+$0x0];
	vm2 =	veq.f32 v30, v27;
	(xrf0) =	vmax.scan.msk.f32 $0xffff, v29;
	v30 =	vnsel vm13, $0x80000040, v1;
	v14 =	vsel vm3, v4, v14  }
0x14d: {  	v56 =	vld [tilespmem:s22+$0xFFFFFFA0];
	v59 =	vmax.f32 v42, v55;
	v31 =	vadd.f32 v31, v15;
	v30 =	vsel vm2, v2, v30;
	(xrf0) =	vmin.scan.msk.u32 $0xffff, v14  }
0x14e: {  	v29 =	vld [tilespmem:s22+$0xFFFFFFB0];
	vm2 =	veq.f32 v46, v27;
	v14 =	vnsel vm1, $0x0, v12;
	vm1 =	veq.f32 v47, v27  }
0x14f: {  	v12 =	vnsel vm0, $0x0, v12;
	v15 =	vsel vm1, v3, v30;
	v30 =	vadd.f32 v16, v17  }
0x150: {  	vm0 =	veq.s32 v50, v8;
	(v2sf) =	vpush v20, $0x0;
	v20 =	vadd.f32 v54, v21;
	v17 =	vld [tilespmem:s22+$0x0]  }
0x151: {  	v12 =	vadd.f32 v12, v13;
	v16 =	vsel vm2, v4, v15;
	(v2sf) =	vpush v18, $0x0;
	v15 =	vld [tilespmem:s22+$0x20];
	v21, _, _ =	vpop (xrf0)  }
0x152: {  	v13 =	vsel vm0, $0x3F800000, v5;
	v14 =	vadd.f32 v14, v48;
	v18 =	vld [tilespmem:s22+$0x10];
	(xrf0) =	vmin.scan.msk.u32 $0xffff, v16;
	(v2sf) =	vpush v41, $0x0;
	v57, _, _ =	vpop (xrf0)  }
0x153: {  	v61 =	vnsel vm0, $0x0, v9;
	v16 =	vld [tilespmem:s22+$0x30];
	v60 =	vmax.f32 v56, v29;
	(v2sf) =	vpush v53, $0x0;
	v58, _, _ =	vpop (xrf0)  }
0x154: {  	vm0 =	veq.s32 v50, v7;
	v38 =	vmax.f32 v59, v60;
	(v2sf) =	vpush v58, $0xF  }
0x155: {  	vm1 =	veq.s32 v50, v0;
	vm2 =	veq.s32 v50, v6;
	v62 =	vnsel vm0, $0x0, v9;
	(xrf0) =	vmax.scan.msk.f32 $0xffff, v38  }
0x156: {  	v31 =	vadd.f32 v61, v31;
	v63 =	vsel vm0, $0x3F800000, v5;
	v48 =	vnsel vm1, $0x0, v9  }
0x157: {  	v43 =	vsel vm1, $0x3F800000, v5;
	v38 =	vadd.f32 v48, v14;
	v14 =	vsel vm2, $0x3F800000, v5  }
0x158: {  	v50 =	vadd.f32 v14, v19;
	v19 =	vmax.f32 v17, v18;
	v14 =	vmax.f32 v15, v16;
	v49, _, _ =	vpop (xrf0)  }
0x159: {  	v19 =	vmax.f32 v19, v14;
	v14 =	vbroadcast v21, $0xF;
	(v2sf) =	vpush v49, $0xF  }
0x15a: {  	v9 =	vnsel vm2, $0x0, v9;
	v44 =	vadd.f32 v13, v20;
	v36 =	vadd.f32 v43, v36;
	(xrf0) =	vmax.scan.msk.f32 $0xffff, v19  }
0x15b: {  	s23 =	simm.s32 $0x4;
	v9 =	vadd.f32 v9, v12;
	v13 =	vbroadcast v57, $0xF;
	vm0 =	veq.f32 v10, v14;
	v10, _, _ =	vpop (xrf0)  }
0x15c: {  	s19 =	sand.u32 $0xFE, s23;
	vm1 =	veq.f32 v35, v14;
	v12 =	vnsel vm0, $0x80000040, v1;
	v10 =	vbroadcast v10, $0xF  }
0x15d: {  	s28 =	simm.s32 $0x380;
	v20 =	vld [tilespmem:s19+$0x10200];
	vm3 =	veq.f32 v28, v13;
	vm0 =	veq.f32 v22, v14;
	v12 =	vsel vm1, v2, v12  }
0x15e: {  	v51 =	vld [tilespmem:s28+$0xFFFFFFB0];
	vm1 =	veq.f32 v11, v14;
	v12 =	vsel vm0, v3, v12;
	vm0 =	veq.f32 v29, v10  }
0x15f: {  	s24 =	simm.s32 $0x10205;
	v28 =	vld [tilespmem:s28+$0xFFFFFFA0];
	vm2 =	veq.f32 v56, v10;
	v11 =	vnsel vm0, $0x80000040, v1;
	vm0 =	vmmov vm1;
	s25 =	spop (v2sf)  }
0x160: {  	v29 =	vld [tilespmem:s24+$0x0];
	vm1 =	veq.f32 v55, v10;
	v19, _, _ =	vpop (xrf0);
	v21 =	vsel vm2, v2, v11;
	vm2 =	vmmov vm0;
	s26 =	spop (v2sf)  }
0x161: {  	v22 =	vld [tilespmem:s28+$0x20];
	v11 =	vbroadcast v19, $0xF;
	v19 =	vsel vm1, v3, v21;
	vm1 =	veq.f32 v42, v10;
	s20 =	spop (v2sf)  }
0x162: {  	vm0 =	vmmov vm1;
	vm1 =	veq.f32 v25, v13;
	s19 =	spop (v2sf);
	(v2sf) =	vpush v20, $0x0;
	v20 =	vld [tilespmem:s28+$0x30]  }
0x163: {  	v52 =	vld [tilespmem:s28+$0xFFFFFF90];
	v12 =	vsel vm2, v4, v12;
	vm2 =	veq.f32 v24, v13;
	v24 =	vnsel vm1, $0x80000040, v1;
	s29 =	spop (v2sf)  }
0x164: {  	v34 =	vadd.f32 v63, v39;
	v21 =	vld [tilespmem:s28+$0xFFFFFF80];
	p0 =	seq.s32 s25, $0x1;
	vm1 =	veq.f32 v26, v13;
	v24 =	vsel vm2, v2, v24;
	s24 =	sxor.u32 $0x80000000, s29  }
0x165: {  	v30 =	vadd.f32 v62, v30;
	(xrf0) =	vmin.scan.msk.u32 $0xffff, v12;
	(v2sf) =	vpush v29, $0x0;
	v24 =	vsel vm1, v3, v24;
	s24 =	simm.s32 @!p0 $0x40  }
0x166: {  	v29 =	vmax.f32 v28, v51;
	v25 =	vsel vm3, v4, v24;
	v12 =	vmov s24  }
0x167: {  	v53 =	vmax.f32 v22, v20;
	vm2 =	veq.s32 v12, v0;
	vm14 =	veq.s32 v12, v7  }
0x168: {  	(xrf0) =	vmin.scan.msk.u32 $0xffff, v25;
	s30 =	spop (v2sf);
	vm1 =	veq.s32 v12, v6;
	vm3 =	veq.s32 v12, v8;
	v25 =	vsel vm14, $0x3F800000, v5  }
0x169: {  	v24 =	vld [tilespmem:s28+$0x0];
	p0 =	seq.s32 s26, $0x1;
	s21 =	sxor.u32 $0x80000000, s30;
	v12 =	vmax.f32 v21, v52;
	v26 =	vsel vm2, $0x3F800000, v5;
	v56 =	vsel vm1, $0x3F800000, v5  }
0x16a: {  	s21 =	simm.s32 @!p0 $0x40;
	v12 =	vmax.f32 v12, v29;
	v29 =	vnsel vm14, $0x0, v23;
	v54 =	vadd.f32 v26, v36;
	v26 =	vld [tilespmem:s28+$0x10]  }
0x16b: {  	v58 =	vnsel vm2, $0x0, v23;
	v55 =	vmov s21;
	v57 =	vadd.f32 v25, v34;
	v25, _, _ =	vpop (xrf0)  }
0x16c: {  	v37 =	vadd.f32 v56, v50;
	vm2 =	veq.s32 v55, v8;
	(xrf0) =	vmax.scan.msk.f32 $0xffff, v12;
	(v2sf) =	vpush v25, $0xF  }
0x16d: {  	v29 =	vadd.f32 v29, v30;
	v12 =	vsel vm3, $0x3F800000, v5;
	v30 =	vsel vm2, $0x3F800000, v5  }
0x16e: {  	v25 =	vnsel vm3, $0x0, v23;
	v59, _, _ =	vpop (xrf0);
	v23 =	vnsel vm1, $0x0, v23;
	v60 =	vadd.f32 v12, v44  }
0x16f: {  	v25 =	vadd.f32 v25, v31;
	(v2sf) =	vpush v59, $0xF;
	v31 =	vmax.f32 v24, v26  }
0x170: {  	vm1 =	veq.s32 v55, v0;
	vm3 =	veq.s32 v55, v6;
	v31 =	vmax.f32 v31, v53  }
0x171: {  	v36 =	vsel vm3, $0x3F800000, v5;
	v34 =	vnsel vm3, $0x0, v27;
	v63 =	vsel vm1, $0x3F800000, v5;
	(xrf0) =	vmax.scan.msk.f32 $0xffff, v31  }
0x172: {  	v32 =	vadd.f32 v63, v54;
	v31 =	vadd.f32 v23, v9;
	v9 =	vnsel vm2, $0x0, v27;
	v12, _, _ =	vpop (xrf0)  }
0x173: {  	s31 =	simm.s32 $0x6;
	v23 =	vadd.f32 v58, v38;
	vm2 =	veq.s32 v55, v7;
	v12 =	vbroadcast v12, $0xF  }
0x174: {  	s21 =	sand.u32 $0xFE, s31;
	v33 =	vnsel vm2, $0x0, v27;
	v25 =	vadd.f32 v9, v25;
	v9 =	vnsel vm1, $0x0, v27  }
0x175: {  	s23 =	simm.s32 $0x10207;
	v35 =	vld [tilespmem:s21+$0x10200];
	v61 =	vsel vm2, $0x3F800000, v5;
	v23 =	vadd.f32 v9, v23;
	vm3 =	veq.f32 v51, v12  }
0x176: {  	vm2 =	veq.f32 v28, v12;
	v28 =	vadd.f32 v36, v37;
	v37 =	vld [tilespmem:s23+$0x0];
	v9 =	vnsel vm3, $0x80000040, v1  }
0x177: {  	s22 =	spop (v2sf);
	v27 =	vadd.f32 v30, v60;
	vm15 =	veq.f32 v52, v12;
	v62, _, _ =	vpop (xrf0);
	v30 =	vsel vm2, v2, v9  }
0x178: {  	s25 =	simm.s32 $0x480;
	s24 =	simm.s32 $0x8;
	s21 =	spop (v2sf);
	v9 =	vbroadcast v62, $0xF;
	v36 =	vsel vm15, v3, v30;
	v30 =	vadd.f32 v61, v57  }
.LBB2_6:
0x179: {  	v38 =	vld [tilespmem:s25+$0xFFFFFFB0];
	s26 =	sand.u32 $0xFE, s24;
	p0 =	sne.s32 s24, $0xFE;
	s24 =	sadd.s32 $0x2, s24;
	vm1 =	veq.f32 v21, v12;
	v31 =	vadd.f32 v34, v31;
	v29 =	vadd.f32 v33, v29  }
0x17a: {  	vm2 =	vmmov vm0;
	v21 =	vld [tilespmem:s25+$0xFFFFFF80];
	(v2sf) =	vpush v35, $0x0;
	vm0 =	vmmov vm1  }
0x17b: {  	v33 =	vld [tilespmem:s25+$0x20];
	(v2sf) =	vpush v37, $0x0;
	s28 =	spop (v2sf)  }
0x17c: {  	vm3 =	veq.f32 v17, v11;
	p1 =	seq.s32 s20, $0x1;
	v17 =	vmovc v24;
	s20 =	smov.u32 s22;
	vm1 =	veq.f32 v16, v11;
	v16 =	vmov v20;
	s28 =	sxor.u32 $0x80000000, s28;
	v20 =	vld [tilespmem:s25+$0x30]  }
0x17d: {  	v24 =	vsel vm2, v4, v19;
	vm2 =	veq.f32 v15, v11;
	v15 =	vmovc v22;
	v19 =	vmovc v36;
	v34 =	vnsel vm1, $0x80000040, v1;
	v37 =	vld [tilespmem:s25+$0xFFFFFF90];
	s28 =	simm.s32 @!p1 $0x40  }
0x17e: {  	vm1 =	veq.f32 v18, v11;
	v18 =	vmovc v26;
	v40 =	vsel vm2, v2, v34;
	v35 =	vld [tilespmem:s25+$0xFFFFFFA0];
	(xrf0) =	vmin.scan.msk.u32 $0xffff, v24;
	v34 =	vmov s28;
	s22 =	spop (v2sf)  }
0x17f: {  	v39 =	vsel vm1, v3, v40;
	p1 =	seq.s32 s19, $0x1;
	s19 =	smov.u32 s21;
	v24 =	vld [tilespmem:s25+$0x0];
	vm2 =	veq.s32 v34, v0;
	vm1 =	veq.s32 v34, v6;
	s22 =	sxor.u32 $0x80000000, s22  }
0x180: {  	v26 =	vsel vm3, v4, v39;
	vm3 =	veq.s32 v34, v8;
	v36 =	vsel vm2, $0x3F800000, v5;
	s22 =	simm.s32 @!p1 $0x40;
	v22 =	vmovc v33  }
0x181: {  	vm4 =	veq.s32 v34, v7;
	v33 =	vmax.f32 v22, v20;
	(xrf0) =	vmin.scan.msk.u32 $0xffff, v26;
	v32 =	vadd.f32 v36, v32  }
0x182: {  	v42 =	vsel vm4, $0x3F800000, v5;
	v39 =	vmov s22;
	v34 =	vmax.f32 v21, v37;
	v26 =	vld [tilespmem:s25+$0x10]  }
0x183: {  	v41 =	vsel vm1, $0x3F800000, v5;
	v30 =	vadd.f32 v42, v30;
	v40 =	vmax.f32 v35, v38  }
0x184: {  	v28 =	vadd.f32 v41, v28;
	v34 =	vmax.f32 v34, v40;
	v36, _, _ =	vpop (xrf0);
	v40 =	vnsel vm4, $0x0, v14  }
0x185: {  	(xrf0) =	vmax.scan.msk.f32 $0xffff, v34;
	(v2sf) =	vpush v36, $0xF;
	v34 =	vsel vm3, $0x3F800000, v5;
	v36 =	vnsel vm3, $0x0, v14  }
0x186: {  	v41 =	vnsel vm2, $0x0, v14;
	vm2 =	veq.s32 v39, v8;
	v25 =	vadd.f32 v36, v25  }
0x187: {  	v29 =	vadd.f32 v40, v29;
	v40 =	vsel vm2, $0x3F800000, v5;
	v36 =	vmax.f32 v24, v26;
	v42, _, _ =	vpop (xrf0)  }
0x188: {  	v33 =	vmax.f32 v36, v33;
	(v2sf) =	vpush v42, $0xF;
	v36 =	vnsel vm1, $0x0, v14;
	v14 =	vmovc v10;
	v10 =	vmovc v12  }
0x189: {  	v27 =	vadd.f32 v34, v27;
	v12 =	vnsel vm2, $0x0, v13;
	(xrf0) =	vmax.scan.msk.f32 $0xffff, v33;
	s22 =	spop (v2sf);
	v31 =	vadd.f32 v36, v31  }
0x18a: {  	v23 =	vadd.f32 v41, v23;
	vm1 =	veq.s32 v39, v0;
	vm2 =	veq.s32 v39, v7;
	s21 =	spop (v2sf)  }
0x18b: {  	vm3 =	veq.s32 v39, v6;
	v33 =	vnsel vm2, $0x0, v13;
	v25 =	vadd.f32 v12, v25;
	v34, _, _ =	vpop (xrf0)  }
0x18c: {  	v39 =	vsel vm2, $0x3F800000, v5;
	v12 =	vbroadcast v34, $0xF;
	v34 =	vnsel vm1, $0x0, v13  }
.Ltmp2:
0x18d: {  	v41 =	vsel vm3, $0x3F800000, v5;
	v23 =	vadd.f32 v34, v23;
	v34 =	vnsel vm3, $0x0, v13;
	v13 =	vmovc v11;
	v11 =	vmovc v9;
	(pc) =	sbr.rel @p0 .LBB2_6-.Ltmp2, $4  }
0x18e: {  	s23 =	sadd.s32 $0x2, s23;
	v28 =	vadd.f32 v41, v28;
	vm2 =	veq.f32 v35, v12;
	vm3 =	veq.f32 v38, v12;
	v35 =	vld [tilespmem:s26+$0x10200]  }
0x18f: {  	v27 =	vadd.f32 v40, v27;
	vm4 =	veq.f32 v37, v12;
	v9 =	vnsel vm3, $0x80000040, v1;
	v37 =	vld [tilespmem:s23+$0x0];
	v36, _, _ =	vpop (xrf0)  }
0x190: {  	v40 =	vsel vm1, $0x3F800000, v5;
	v38 =	vsel vm2, v2, v9;
	v9 =	vbroadcast v36, $0xF  }
0x191: {  	s25 =	sadd.s32 $0x100, s25;
	v32 =	vadd.f32 v40, v32;
	v30 =	vadd.f32 v39, v30;
	v36 =	vsel vm4, v3, v38  }
0x192: {  	vm1 =	veq.f32 v21, v12;
	vm0 =	vmmov vm0;
	vm2 =	veq.f32 v16, v11  }
0x193: {  	vm3 =	veq.f32 v15, v11;
	vm4 =	veq.f32 v18, v11;
	v15 =	vnsel vm2, $0x80000040, v1  }
0x194: {  	vm1 =	vmmov vm1;
	vm2 =	veq.f32 v17, v11;
	v15 =	vsel vm3, v2, v15  }
0x195: {  	v16 =	vsel vm0, v4, v19;
	vm0 =	veq.f32 v20, v9;
	v15 =	vsel vm4, v3, v15  }
0x196: {  	v17 =	vnsel vm0, $0x80000040, v1;
	v15 =	vsel vm2, v4, v15;
	vm2 =	veq.f32 v22, v9  }
0x197: {  	(xrf0) =	vmin.scan.msk.u32 $0xffff, v16;
	vm0 =	vmmov vm1;
	vm1 =	veq.f32 v26, v9;
	v16 =	vsel vm2, v2, v17  }
0x198: {  	(xrf0) =	vmin.scan.msk.u32 $0xffff, v15;
	vm2 =	veq.f32 v24, v9;
	v15 =	vsel vm0, v4, v36;
	v16 =	vsel vm1, v3, v16  }
0x199: {  	(xrf0) =	vmin.scan.msk.u32 $0xffff, v15;
	v15 =	vsel vm2, v4, v16  }
0x19a: {  	(xrf0) =	vmin.scan.msk.u32 $0xffff, v15;
	_ =	sdelay $0x1  }
0x19b: {  	(v2sf) =	vpush v35, $0x0  }
0x19c: {  	(v2sf) =	vpush v37, $0x0;
	v15, _, _ =	vpop (xrf0)  }
0x19d: {  	(v2sf) =	vpush v15, $0xF;
	v15, _, _ =	vpop (xrf0)  }
0x19e: {  	(v2sf) =	vpush v15, $0xF;
	v15, _, _ =	vpop (xrf0)  }
0x19f: {  	s23 =	spop (v2sf);
	(v2sf) =	vpush v15, $0xF;
	v15, _, _ =	vpop (xrf0)  }
0x1a0: {  	p0 =	seq.s32 s20, $0x1;
	s23 =	sxor.u32 $0x80000000, s23;
	(v2sf) =	vpush v15, $0xF  }
0x1a1: {  	s23 =	simm.s32 @!p0 $0x40  }
0x1a2: {  	s31 =	spop (v2sf);
	v16 =	vmov s23  }
0x1a3: {  	p0 =	seq.s32 s19, $0x1;
	v17 =	vadd.f32 v33, v29;
	s20 =	sxor.u32 $0x80000000, s31;
	vm0 =	veq.s32 v16, v0  }
0x1a4: {  	s20 =	simm.s32 @!p0 $0x40;
	vm1 =	veq.s32 v16, v6;
	vm2 =	veq.s32 v16, v8;
	vm3 =	veq.s32 v16, v7  }
0x1a5: {  	v20 =	vmov s20;
	v18 =	vsel vm0, $0x3F800000, v5;
	v19 =	vsel vm1, $0x3F800000, v5  }
0x1a6: {  	v21 =	vnsel vm3, $0x0, v14;
	v22 =	vsel vm2, $0x3F800000, v5;
	v24 =	vnsel vm2, $0x0, v14  }
0x1a7: {  	v26 =	vnsel vm0, $0x0, v14;
	vm0 =	veq.s32 v20, v8;
	v14 =	vnsel vm1, $0x0, v14  }
0x1a8: {  	vm2 =	veq.s32 v20, v6;
	v16 =	vadd.f32 v18, v32;
	v19 =	vadd.f32 v19, v28  }
0x1a9: {  	v18 =	vsel vm3, $0x3F800000, v5;
	v24 =	vadd.f32 v24, v25;
	v17 =	vadd.f32 v21, v17  }
0x1aa: {  	v21 =	vsel vm0, $0x3F800000, v5;
	v22 =	vadd.f32 v22, v27;
	v23 =	vadd.f32 v26, v23;
	s19 =	spop (v2sf)  }
0x1ab: {  	v26 =	vsel vm2, $0x3F800000, v5;
	v18 =	vadd.f32 v18, v30;
	v15 =	vadd.f32 v34, v31;
	s29 =	spop (v2sf)  }
0x1ac: {  	vm1 =	veq.s32 v20, v7;
	v19 =	vadd.f32 v26, v19;
	v21 =	vadd.f32 v21, v22;
	s24 =	spop (v2sf)  }
0x1ad: {  	v14 =	vadd.f32 v14, v15;
	v15 =	vnsel vm0, $0x0, v13;
	vm0 =	veq.s32 v20, v0;
	s25 =	spop (v2sf)  }
0x1ae: {  	v20 =	vnsel vm1, $0x0, v13;
	v15 =	vadd.f32 v15, v24;
	v24 =	vsel vm1, $0x3F800000, v5;
	s30 =	spop (v2sf)  }
0x1af: {  	p0 =	seq.s32 s22, $0x1;
	v25 =	vnsel vm0, $0x0, v13;
	v13 =	vnsel vm2, $0x0, v13;
	v17 =	vadd.f32 v20, v17;
	s24 =	sxor.u32 $0x80000000, s24;
	s31 =	spop (v2sf)  }
0x1b0: {  	v23 =	vadd.f32 v25, v23;
	v25 =	vsel vm0, $0x3F800000, v5;
	v18 =	vadd.f32 v24, v18;
	s24 =	simm.s32 @!p0 $0x40;
	_ =	swait.ge [sflag:s15], $0x8000  }
0x1b1: {  	v13 =	vadd.f32 v13, v14;
	v16 =	vadd.f32 v25, v16;
	s25 =	sxor.u32 $0x80000000, s25;
	p0 =	seq.s32 s21, $0x1;
	v14 =	vmov s24;
	[sflag:s15] =	ssyncset.done $0x0  }
0x1b2: {  	s26 =	simm.s32 $0x8080;
	s25 =	simm.s32 @!p0 $0x40;
	vm0 =	veq.s32 v14, v0;
	vm1 =	veq.s32 v14, v6;
	vm2 =	veq.s32 v14, v8;
	[sflag:s15] =	ssyncadd.s32 $0xFFFF8000  }
0x1b3: {  	vm3 =	veq.s32 v14, v7;
	v22 =	vmov s25;
	v20 =	vsel vm0, $0x3F800000, v5;
	v26 =	vld [tilespmem:s26+$0xFFFFFFB0]  }
0x1b4: {  	v14 =	vadd.f32 v20, v16;
	v16 =	vsel vm3, $0x3F800000, v5;
	v20 =	vsel vm1, $0x3F800000, v5;
	v28 =	vld [tilespmem:s26+$0xFFFFFF80]  }
0x1b5: {  	v24 =	vsel vm2, $0x3F800000, v5;
	v16 =	vadd.f32 v16, v18;
	v18 =	vadd.f32 v20, v19;
	v19 =	vld [tilespmem:s26+$0xFFFFFF90]  }
0x1b6: {  	v25 =	vnsel vm2, $0x0, v10;
	v29 =	vnsel vm0, $0x0, v10;
	vm0 =	veq.s32 v22, v8;
	v27 =	vld [tilespmem:s26+$0xFFFFFFA0]  }
0x1b7: {  	vm2 =	veq.s32 v22, v6;
	v15 =	vadd.f32 v25, v15;
	v21 =	vadd.f32 v24, v21;
	v30 =	vld [tilespmem:s26+$0x20]  }
0x1b8: {  	v23 =	vadd.f32 v29, v23;
	v50 =	vsel vm2, $0x3F800000, v5;
	v20 =	vnsel vm3, $0x0, v10;
	v31 =	vld [tilespmem:s26+$0x30]  }
0x1b9: {  	v10 =	vnsel vm1, $0x0, v10;
	vm1 =	veq.s32 v22, v7;
	v17 =	vadd.f32 v20, v17;
	v49 =	vld [tilespmem:s26+$0x0]  }
0x1ba: {  	v20 =	vsel vm0, $0x3F800000, v5;
	v13 =	vadd.f32 v10, v13;
	v10 =	vnsel vm0, $0x0, v11;
	v29 =	vld [tilespmem:s26+$0x10]  }
0x1bb: {  	s23 =	sxor.u32 $0x80000000, s30;
	p0 =	seq.s32 s19, $0x1;
	vm0 =	veq.s32 v22, v0;
	v25 =	vnsel vm1, $0x0, v11;
	v15 =	vadd.f32 v10, v15  }
0x1bc: {  	s23 =	simm.s32 @!p0 $0x40;
	p0 =	seq.s32 s29, $0x1;
	s20 =	sxor.u32 $0x80000000, s31;
	v18 =	vadd.f32 v50, v18;
	v22 =	vmax.f32 v28, v19;
	v24 =	vmax.f32 v27, v26  }
0x1bd: {  	s28 =	simm.s32 $0x8180;
	s20 =	simm.s32 @!p0 $0x40;
	v51 =	vsel vm0, $0x3F800000, v5;
	v20 =	vadd.f32 v20, v21;
	v10 =	vmax.f32 v22, v24  }
0x1be: {  	v58 =	vmov s20;
	v56 =	vld [tilespmem:s28+$0xFFFFFF90];
	v21 =	vadd.f32 v51, v14;
	v17 =	vadd.f32 v25, v17;
	(xrf0) =	vmax.scan.msk.f32 $0xffff, v10  }
0x1bf: {  	v57 =	vld [tilespmem:s28+$0xFFFFFFA0];
	v52 =	vmax.f32 v30, v31;
	v53 =	vmax.f32 v49, v29;
	v24 =	vnsel vm0, $0x0, v11  }
0x1c0: {  	v14 =	vld [tilespmem:s28+$0x20];
	v22 =	vsel vm1, $0x3F800000, v5;
	v23 =	vadd.f32 v24, v23;
	v24 =	vnsel vm2, $0x0, v11  }
0x1c1: {  	v54 =	vmax.f32 v53, v52;
	v11 =	vld [tilespmem:s28+$0xFFFFFFB0];
	v55 =	vadd.f32 v24, v13;
	v13 =	vmov s23  }
0x1c2: {  	v16 =	vadd.f32 v22, v16;
	v22 =	vld [tilespmem:s28+$0x30];
	vm1 =	veq.s32 v13, v0;
	vm0 =	veq.s32 v13, v6  }
0x1c3: {  	v10 =	vld [tilespmem:s28+$0xFFFFFF80];
	(xrf0) =	vmax.scan.msk.f32 $0xffff, v54;
	vm2 =	veq.s32 v13, v8;
	vm3 =	veq.s32 v13, v7;
	v24 =	vsel vm1, $0x3F800000, v5  }
0x1c4: {  	v25 =	vld [tilespmem:s28+$0x0];
	v59 =	vsel vm0, $0x3F800000, v5;
	v21 =	vadd.f32 v24, v21;
	v24 =	vsel vm3, $0x3F800000, v5;
	v13, _, _ =	vpop (xrf0)  }
0x1c5: {  	v62 =	vsel vm2, $0x3F800000, v5;
	v38 =	vadd.f32 v24, v16;
	v24 =	vld [tilespmem:s28+$0x10];
	v13 =	vbroadcast v13, $0xF  }
0x1c6: {  	v37 =	vadd.f32 v59, v18;
	v16 =	vnsel vm3, $0x0, v12;
	v39 =	vmax.f32 v57, v11  }
0x1c7: {  	s31 =	simm.s32 $0x2;
	v40 =	vmax.f32 v14, v22;
	vm3 =	veq.f32 v26, v13;
	vm11 =	veq.f32 v27, v13  }
0x1c8: {  	s29 =	simm.s32 $0x0;
	s20 =	sand.u32 $0xFE, s31;
	vm12 =	veq.f32 v28, v13;
	v28 =	vmax.f32 v10, v56;
	v18 =	vnsel vm3, $0x80000040, v1  }
0x1c9: {  	s19 =	sand.u32 $0xFE, s29;
	v41 =	vld [tilespmem:s20+$0x10300];
	vm3 =	veq.f32 v19, v13;
	v19, _, _ =	vpop (xrf0);
	vm4 =	vmmov vm12;
	v28 =	vmax.f32 v28, v39  }
0x1ca: {  	s21 =	simm.s32 $0x10303;
	v26 =	vld [tilespmem:s19+$0x10300];
	v60 =	vmax.f32 v25, v24;
	v18 =	vsel vm11, v2, v18;
	v27 =	vbroadcast v19, $0xF  }
0x1cb: {  	s30 =	simm.s32 $0x10301;
	v61 =	vld [tilespmem:s21+$0x0];
	(xrf0) =	vmax.scan.msk.f32 $0xffff, v28;
	v28 =	vmax.f32 v60, v40;
	v18 =	vsel vm3, v3, v18;
	vm3 =	vmmov vm4  }
0x1cc: {  	s22 =	simm.s32 $0x8280;
	v20 =	vadd.f32 v62, v20;
	v19 =	vld [tilespmem:s30+$0x0];
	(xrf0) =	vmax.scan.msk.f32 $0xffff, v28;
	v18 =	vsel vm3, v4, v18  }
0x1cd: {  	v42 =	vld [tilespmem:s22+$0xFFFFFF80];
	vm13 =	veq.f32 v31, v27;
	v31 =	vnsel vm2, $0x0, v12;
	vm2 =	veq.f32 v30, v27;
	(xrf0) =	vmin.scan.msk.u32 $0xffff, v18  }
0x1ce: {  	v63 =	vld [tilespmem:s22+$0xFFFFFFA0];
	v30 =	vnsel vm13, $0x80000040, v1;
	v18 =	vnsel vm1, $0x0, v12;
	vm1 =	veq.f32 v29, v27  }
0x1cf: {  	v28 =	vld [tilespmem:s22+$0xFFFFFFB0];
	v31 =	vadd.f32 v31, v15;
	(v2sf) =	vpush v26, $0x0;
	v12 =	vnsel vm0, $0x0, v12  }
0x1d0: {  	v29 =	vld [tilespmem:s22+$0xFFFFFF90];
	vm0 =	veq.s32 v58, v8;
	v30 =	vsel vm2, v2, v30;
	v34 =	vadd.f32 v12, v55  }
0x1d1: {  	vm2 =	veq.f32 v49, v27;
	v12 =	vadd.f32 v18, v23;
	v18 =	vld [tilespmem:s22+$0x10];
	(v2sf) =	vpush v19, $0x0;
	v19, _, _ =	vpop (xrf0)  }
0x1d2: {  	v15 =	vsel vm1, v3, v30;
	v30 =	vadd.f32 v16, v17;
	v17 =	vld [tilespmem:s22+$0x30];
	(v2sf) =	vpush v41, $0x0;
	v26, _, _ =	vpop (xrf0)  }
0x1d3: {  	v45 =	vsel vm0, $0x3F800000, v5;
	v16 =	vsel vm2, v4, v15;
	v15 =	vld [tilespmem:s22+$0x20];
	(v2sf) =	vpush v61, $0x0;
	v23, _, _ =	vpop (xrf0)  }
0x1d4: {  	vm1 =	veq.s32 v58, v0;
	v40 =	vadd.f32 v45, v20;
	(xrf0) =	vmin.scan.msk.u32 $0xffff, v16;
	v16 =	vld [tilespmem:s22+$0x0];
	(v2sf) =	vpush v23, $0xF  }
0x1d5: {  	v47 =	vmax.f32 v63, v28;
	vm2 =	veq.s32 v58, v6;
	v46 =	vmax.f32 v42, v29  }
0x1d6: {  	v49 =	vnsel vm1, $0x0, v9;
	v43 =	vsel vm1, $0x3F800000, v5;
	v39 =	vmax.f32 v46, v47  }
0x1d7: {  	v43 =	vadd.f32 v43, v21;
	v23 =	vnsel vm0, $0x0, v9;
	vm0 =	veq.s32 v58, v7;
	(xrf0) =	vmax.scan.msk.f32 $0xffff, v39  }
0x1d8: {  	v39 =	vadd.f32 v49, v12;
	v12 =	vsel vm2, $0x3F800000, v5;
	v48 =	vnsel vm0, $0x0, v9  }
0x1d9: {  	v37 =	vadd.f32 v12, v37;
	v12 =	vmax.f32 v15, v17;
	v51 =	vmax.f32 v16, v18  }
0x1da: {  	v9 =	vnsel vm2, $0x0, v9;
	v50, _, _ =	vpop (xrf0);
	v41 =	vmax.f32 v51, v12;
	v12 =	vbroadcast v19, $0xF  }
0x1db: {  	v31 =	vadd.f32 v23, v31;
	v23 =	vsel vm0, $0x3F800000, v5;
	(v2sf) =	vpush v50, $0xF;
	(xrf0) =	vmax.scan.msk.f32 $0xffff, v41  }
0x1dc: {  	s23 =	simm.s32 $0x4;
	v38 =	vadd.f32 v23, v38;
	v34 =	vadd.f32 v9, v34;
	vm0 =	veq.f32 v11, v12  }
0x1dd: {  	s19 =	sand.u32 $0xFE, s23;
	vm1 =	veq.f32 v57, v12;
	v9, _, _ =	vpop (xrf0);
	v11 =	vnsel vm0, $0x80000040, v1;
	vm0 =	veq.f32 v56, v12  }
0x1de: {  	s24 =	simm.s32 $0x10305;
	v20 =	vld [tilespmem:s19+$0x10300];
	v9 =	vbroadcast v9, $0xF;
	v19 =	vsel vm1, v2, v11;
	v11 =	vbroadcast v26, $0xF  }
0x1df: {  	s28 =	simm.s32 $0x8380;
	v30 =	vadd.f32 v48, v30;
	vm1 =	veq.f32 v10, v12;
	s25 =	spop (v2sf);
	v26 =	vsel vm0, v3, v19;
	v19 =	vld [tilespmem:s24+$0x0]  }
0x1e0: {  	v52 =	vld [tilespmem:s28+$0xFFFFFF90];
	vm0 =	veq.f32 v28, v9;
	vm2 =	veq.f32 v63, v9;
	vm3 =	veq.f32 v25, v11;
	s26 =	spop (v2sf)  }
0x1e1: {  	v53 =	vld [tilespmem:s28+$0xFFFFFFA0];
	v10 =	vnsel vm0, $0x80000040, v1;
	vm0 =	vmmov vm1;
	vm1 =	veq.f32 v29, v9;
	v21, _, _ =	vpop (xrf0);
	s20 =	spop (v2sf)  }
0x1e2: {  	v28 =	vld [tilespmem:s28+$0xFFFFFFB0];
	v23 =	vsel vm2, v2, v10;
	v10 =	vbroadcast v21, $0xF;
	vm2 =	vmmov vm0;
	s19 =	spop (v2sf)  }
0x1e3: {  	v23 =	vsel vm1, v3, v23;
	vm1 =	veq.f32 v42, v9;
	(v2sf) =	vpush v20, $0x0;
	v20 =	vld [tilespmem:s28+$0x20];
	s29 =	spop (v2sf)  }
0x1e4: {  	p0 =	seq.s32 s25, $0x1;
	vm0 =	vmmov vm1;
	(v2sf) =	vpush v19, $0x0;
	v19 =	vld [tilespmem:s28+$0x30];
	vm1 =	veq.f32 v22, v11;
	s24 =	sxor.u32 $0x80000000, s29  }
0x1e5: {  	v21 =	vld [tilespmem:s28+$0xFFFFFF80];
	v22 =	vsel vm2, v4, v26;
	vm2 =	veq.f32 v14, v11;
	v14 =	vnsel vm1, $0x80000040, v1;
	s24 =	simm.s32 @!p0 $0x40  }
0x1e6: {  	vm1 =	veq.f32 v24, v11;
	(xrf0) =	vmin.scan.msk.u32 $0xffff, v22;
	v14 =	vsel vm2, v2, v14;
	v24 =	vmov s24  }
0x1e7: {  	v29 =	vmax.f32 v53, v28;
	v14 =	vsel vm1, v3, v14;
	vm2 =	veq.s32 v24, v0  }
0x1e8: {  	v14 =	vsel vm3, v4, v14;
	vm14 =	veq.s32 v24, v7;
	v25 =	vsel vm2, $0x3F800000, v5  }
0x1e9: {  	v26 =	vmax.f32 v20, v19;
	(xrf0) =	vmin.scan.msk.u32 $0xffff, v14;
	v54 =	vadd.f32 v25, v43;
	v25 =	vsel vm14, $0x3F800000, v5  }
0x1ea: {  	v22 =	vld [tilespmem:s28+$0x0];
	v14 =	vmax.f32 v21, v52;
	s30 =	spop (v2sf);
	vm1 =	veq.s32 v24, v6;
	vm3 =	veq.s32 v24, v8  }
0x1eb: {  	p0 =	seq.s32 s26, $0x1;
	v24 =	vld [tilespmem:s28+$0x10];
	v14 =	vmax.f32 v14, v29;
	s21 =	sxor.u32 $0x80000000, s30;
	v56 =	vsel vm1, $0x3F800000, v5;
	v29 =	vnsel vm14, $0x0, v13  }
0x1ec: {  	v57 =	vnsel vm2, $0x0, v13;
	s21 =	simm.s32 @!p0 $0x40;
	v37 =	vadd.f32 v56, v37;
	v38 =	vadd.f32 v25, v38;
	v25, _, _ =	vpop (xrf0)  }
0x1ed: {  	v29 =	vadd.f32 v29, v30;
	v55 =	vmov s21;
	(xrf0) =	vmax.scan.msk.f32 $0xffff, v14;
	(v2sf) =	vpush v25, $0xF  }
0x1ee: {  	v59 =	vadd.f32 v57, v39;
	vm2 =	veq.s32 v55, v8;
	v14 =	vsel vm3, $0x3F800000, v5  }
0x1ef: {  	v30 =	vsel vm2, $0x3F800000, v5;
	v25 =	vnsel vm3, $0x0, v13;
	v58, _, _ =	vpop (xrf0);
	v13 =	vnsel vm1, $0x0, v13  }
0x1f0: {  	v25 =	vadd.f32 v25, v31;
	v31 =	vmax.f32 v22, v24;
	(v2sf) =	vpush v58, $0xF  }
0x1f1: {  	v40 =	vadd.f32 v14, v40;
	vm3 =	veq.s32 v55, v6;
	v26 =	vmax.f32 v31, v26  }
0x1f2: {  	vm1 =	veq.s32 v55, v0;
	v61 =	vsel vm3, $0x3F800000, v5;
	v35 =	vnsel vm3, $0x0, v27;
	(xrf0) =	vmax.scan.msk.f32 $0xffff, v26  }
0x1f3: {  	v63 =	vsel vm1, $0x3F800000, v5;
	v31 =	vadd.f32 v13, v34;
	v13 =	vnsel vm2, $0x0, v27;
	v14, _, _ =	vpop (xrf0)  }
0x1f4: {  	s31 =	simm.s32 $0x6;
	vm2 =	veq.s32 v55, v7;
	v32 =	vadd.f32 v63, v54;
	v14 =	vbroadcast v14, $0xF  }
0x1f5: {  	s21 =	sand.u32 $0xFE, s31;
	v33 =	vnsel vm2, $0x0, v27;
	v26 =	vadd.f32 v13, v25;
	v13 =	vnsel vm1, $0x0, v27  }
0x1f6: {  	s23 =	simm.s32 $0x10307;
	v36 =	vld [tilespmem:s21+$0x10300];
	v60 =	vsel vm2, $0x3F800000, v5;
	v25 =	vadd.f32 v13, v59;
	vm3 =	veq.f32 v28, v14  }
0x1f7: {  	vm2 =	veq.f32 v53, v14;
	v28 =	vadd.f32 v61, v37;
	v37 =	vld [tilespmem:s23+$0x0];
	v13 =	vnsel vm3, $0x80000040, v1  }
0x1f8: {  	s22 =	spop (v2sf);
	v27 =	vadd.f32 v30, v40;
	vm15 =	veq.f32 v52, v14;
	v62, _, _ =	vpop (xrf0);
	v30 =	vsel vm2, v2, v13  }
0x1f9: {  	s25 =	simm.s32 $0x8480;
	s24 =	simm.s32 $0x8;
	s21 =	spop (v2sf);
	v13 =	vbroadcast v62, $0xF;
	v34 =	vsel vm15, v3, v30;
	v30 =	vadd.f32 v60, v38  }
.LBB2_8:
0x1fa: {  	v38 =	vld [tilespmem:s25+$0xFFFFFFB0];
	s26 =	sand.u32 $0xFE, s24;
	p0 =	sne.s32 s24, $0xFE;
	s24 =	sadd.s32 $0x2, s24;
	vm1 =	veq.f32 v21, v14;
	v31 =	vadd.f32 v35, v31;
	v29 =	vadd.f32 v33, v29  }
0x1fb: {  	vm2 =	vmmov vm0;
	v21 =	vld [tilespmem:s25+$0xFFFFFF80];
	(v2sf) =	vpush v36, $0x0;
	vm0 =	vmmov vm1  }
0x1fc: {  	v33 =	vld [tilespmem:s25+$0x20];
	(v2sf) =	vpush v37, $0x0;
	s28 =	spop (v2sf)  }
0x1fd: {  	vm3 =	veq.f32 v16, v10;
	p1 =	seq.s32 s20, $0x1;
	v16 =	vmovc v22;
	s20 =	smov.u32 s22;
	vm1 =	veq.f32 v17, v10;
	v17 =	vmov v19;
	s28 =	sxor.u32 $0x80000000, s28;
	v19 =	vld [tilespmem:s25+$0x30]  }
0x1fe: {  	v22 =	vsel vm2, v4, v23;
	vm2 =	veq.f32 v15, v10;
	v15 =	vmovc v20;
	v23 =	vmovc v34;
	v35 =	vnsel vm1, $0x80000040, v1;
	v37 =	vld [tilespmem:s25+$0xFFFFFF90];
	s28 =	simm.s32 @!p1 $0x40  }
0x1ff: {  	vm1 =	veq.f32 v18, v10;
	v18 =	vmovc v24;
	v40 =	vsel vm2, v2, v35;
	v34 =	vld [tilespmem:s25+$0xFFFFFFA0];
	(xrf0) =	vmin.scan.msk.u32 $0xffff, v22;
	v35 =	vmov s28;
	s22 =	spop (v2sf)  }
0x200: {  	v39 =	vsel vm1, v3, v40;
	p1 =	seq.s32 s19, $0x1;
	s19 =	smov.u32 s21;
	v22 =	vld [tilespmem:s25+$0x0];
	vm2 =	veq.s32 v35, v0;
	vm1 =	veq.s32 v35, v6;
	s22 =	sxor.u32 $0x80000000, s22  }
0x201: {  	v24 =	vsel vm3, v4, v39;
	vm3 =	veq.s32 v35, v8;
	v36 =	vsel vm2, $0x3F800000, v5;
	s22 =	simm.s32 @!p1 $0x40;
	v20 =	vmovc v33  }
0x202: {  	vm4 =	veq.s32 v35, v7;
	v33 =	vmax.f32 v20, v19;
	(xrf0) =	vmin.scan.msk.u32 $0xffff, v24;
	v32 =	vadd.f32 v36, v32  }
0x203: {  	v42 =	vsel vm4, $0x3F800000, v5;
	v39 =	vmov s22;
	v35 =	vmax.f32 v21, v37;
	v24 =	vld [tilespmem:s25+$0x10]  }
0x204: {  	v41 =	vsel vm1, $0x3F800000, v5;
	v30 =	vadd.f32 v42, v30;
	v40 =	vmax.f32 v34, v38  }
0x205: {  	v28 =	vadd.f32 v41, v28;
	v35 =	vmax.f32 v35, v40;
	v36, _, _ =	vpop (xrf0);
	v40 =	vnsel vm4, $0x0, v12  }
0x206: {  	(xrf0) =	vmax.scan.msk.f32 $0xffff, v35;
	(v2sf) =	vpush v36, $0xF;
	v35 =	vsel vm3, $0x3F800000, v5;
	v36 =	vnsel vm3, $0x0, v12  }
0x207: {  	v41 =	vnsel vm2, $0x0, v12;
	vm2 =	veq.s32 v39, v8;
	v26 =	vadd.f32 v36, v26  }
0x208: {  	v29 =	vadd.f32 v40, v29;
	v40 =	vsel vm2, $0x3F800000, v5;
	v36 =	vmax.f32 v22, v24;
	v42, _, _ =	vpop (xrf0)  }
0x209: {  	v33 =	vmax.f32 v36, v33;
	(v2sf) =	vpush v42, $0xF;
	v36 =	vnsel vm1, $0x0, v12;
	v12 =	vmovc v9;
	v9 =	vmovc v14  }
0x20a: {  	v27 =	vadd.f32 v35, v27;
	v14 =	vnsel vm2, $0x0, v11;
	(xrf0) =	vmax.scan.msk.f32 $0xffff, v33;
	s22 =	spop (v2sf);
	v31 =	vadd.f32 v36, v31  }
0x20b: {  	v25 =	vadd.f32 v41, v25;
	vm1 =	veq.s32 v39, v0;
	vm2 =	veq.s32 v39, v7;
	s21 =	spop (v2sf)  }
0x20c: {  	vm3 =	veq.s32 v39, v6;
	v33 =	vnsel vm2, $0x0, v11;
	v26 =	vadd.f32 v14, v26;
	v35, _, _ =	vpop (xrf0)  }
0x20d: {  	v39 =	vsel vm2, $0x3F800000, v5;
	v14 =	vbroadcast v35, $0xF;
	v35 =	vnsel vm1, $0x0, v11  }
.Ltmp3:
0x20e: {  	v41 =	vsel vm3, $0x3F800000, v5;
	v25 =	vadd.f32 v35, v25;
	v35 =	vnsel vm3, $0x0, v11;
	v11 =	vmovc v10;
	v10 =	vmovc v13;
	(pc) =	sbr.rel @p0 .LBB2_8-.Ltmp3, $4  }
0x20f: {  	s23 =	sadd.s32 $0x2, s23;
	v28 =	vadd.f32 v41, v28;
	vm2 =	veq.f32 v34, v14;
	vm3 =	veq.f32 v38, v14;
	v36 =	vld [tilespmem:s26+$0x10300]  }
0x210: {  	v27 =	vadd.f32 v40, v27;
	vm4 =	veq.f32 v37, v14;
	v13 =	vnsel vm3, $0x80000040, v1;
	v37 =	vld [tilespmem:s23+$0x0];
	v34, _, _ =	vpop (xrf0)  }
0x211: {  	v40 =	vsel vm1, $0x3F800000, v5;
	v38 =	vsel vm2, v2, v13;
	v13 =	vbroadcast v34, $0xF  }
0x212: {  	s25 =	sadd.s32 $0x100, s25;
	v32 =	vadd.f32 v40, v32;
	v30 =	vadd.f32 v39, v30;
	v34 =	vsel vm4, v3, v38  }
0x213: {  	vm0 =	vmmov vm0  }
0x214: {  	v63 =	vsel vm0, v4, v23  }
0x215: {  	(xrf0) =	vmin.scan.msk.u32 $0xffff, v63;
	_ =	sdelay $0x1  }
0x216: {  	vm1 =	veq.f32 v17, v10  }
0x217: {  	vm10 =	veq.f32 v15, v10;
	vm11 =	veq.f32 v18, v10;
	v23 =	vnsel vm1, $0x80000040, v1  }
0x218: {  	vm12 =	veq.f32 v16, v10;
	v35 =	vadd.f32 v35, v31;
	v15 =	vsel vm10, v2, v23  }
0x219: {  	vm13 =	veq.f32 v21, v14;
	s23 =	spop (v2sf);
	(v2sf) =	vpush v36, $0x0;
	v15 =	vsel vm11, v3, v15  }
0x21a: {  	v38 =	vadd.f32 v33, v29;
	(v2sf) =	vpush v37, $0x0;
	v15 =	vsel vm12, v4, v15;
	v17, _, _ =	vpop (xrf0)  }
0x21b: {  	vm15 =	veq.f32 v19, v13;
	vm5 =	veq.f32 v20, v13;
	(xrf0) =	vmin.scan.msk.u32 $0xffff, v15;
	(v2sf) =	vpush v17, $0xF  }
0x21c: {  	p0 =	seq.s32 s20, $0x1;
	vm6 =	veq.f32 v24, v13;
	vm0 =	vmmov vm13;
	v50 =	vnsel vm15, $0x80000040, v1;
	s23 =	sxor.u32 $0x80000000, s23  }
0x21d: {  	vm8 =	veq.f32 v22, v13;
	vm0 =	vmmov vm0;
	v20 =	vsel vm5, v2, v50;
	s23 =	simm.s32 @!p0 $0x40  }
0x21e: {  	v48 =	vsel vm0, v4, v34;
	v20 =	vsel vm6, v3, v20;
	v39 =	vmov s23  }
0x21f: {  	v20 =	vsel vm8, v4, v20;
	vm14 =	veq.s32 v39, v0;
	vm2 =	veq.s32 v39, v6  }
0x220: {  	vm3 =	veq.s32 v39, v7;
	vm4 =	veq.s32 v39, v8;
	v40 =	vsel vm14, $0x3F800000, v5  }
0x221: {  	v41 =	vsel vm3, $0x3F800000, v5;
	v42 =	vsel vm2, $0x3F800000, v5;
	v45 =	vnsel vm3, $0x0, v12;
	v43, _, _ =	vpop (xrf0)  }
0x222: {  	s24 =	spop (v2sf);
	v46 =	vsel vm4, $0x3F800000, v5;
	v47 =	vnsel vm4, $0x0, v12;
	(xrf0) =	vmin.scan.msk.u32 $0xffff, v48;
	(v2sf) =	vpush v43, $0xF  }
0x223: {  	p0 =	seq.s32 s19, $0x1;
	s20 =	sxor.u32 $0x80000000, s24;
	v49 =	vnsel vm14, $0x0, v12;
	v18 =	vadd.f32 v41, v30;
	v21 =	vadd.f32 v42, v28  }
0x224: {  	s20 =	simm.s32 @!p0 $0x40;
	v52 =	vnsel vm2, $0x0, v12;
	v51 =	vadd.f32 v47, v26;
	v16 =	vadd.f32 v45, v38;
	(xrf0) =	vmin.scan.msk.u32 $0xffff, v20  }
0x225: {  	v44 =	vmov s20;
	v54 =	vadd.f32 v46, v27;
	v12 =	vadd.f32 v52, v35  }
0x226: {  	v56 =	vadd.f32 v49, v25;
	v17 =	vadd.f32 v40, v32;
	vm7 =	veq.s32 v44, v8  }
0x227: {  	vm9 =	veq.s32 v44, v7;
	vm10 =	veq.s32 v44, v0;
	vm11 =	veq.s32 v44, v6  }
0x228: {  	v53 =	vsel vm7, $0x3F800000, v5;
	v55 =	vnsel vm7, $0x0, v11;
	v57 =	vnsel vm9, $0x0, v11;
	v58, _, _ =	vpop (xrf0);
	s25 =	spop (v2sf)  }
0x229: {  	v59 =	vnsel vm10, $0x0, v11;
	v60 =	vsel vm9, $0x3F800000, v5;
	(v2sf) =	vpush v58, $0xF;
	s26 =	spop (v2sf)  }
0x22a: {  	v61 =	vsel vm11, $0x3F800000, v5;
	v15 =	vadd.f32 v55, v51;
	v19 =	vadd.f32 v59, v56;
	v27, _, _ =	vpop (xrf0);
	s28 =	spop (v2sf)  }
0x22b: {  	p0 =	seq.s32 s22, $0x1;
	v26 =	vsel vm10, $0x3F800000, v5;
	v62 =	vadd.f32 v61, v21;
	(v2sf) =	vpush v27, $0xF;
	s23 =	sxor.u32 $0x80000000, s28  }
0x22c: {  	v11 =	vnsel vm11, $0x0, v11;
	v63 =	vadd.f32 v53, v54;
	v17 =	vadd.f32 v26, v17;
	s23 =	simm.s32 @!p0 $0x40  }
0x22d: {  	v18 =	vadd.f32 v60, v18;
	v11 =	vadd.f32 v11, v12;
	v28 =	vmov s23  }
0x22e: {  	v16 =	vadd.f32 v57, v16;
	vm12 =	veq.s32 v28, v0;
	vm13 =	veq.s32 v28, v6  }
0x22f: {  	vm14 =	veq.s32 v28, v8;
	vm15 =	veq.s32 v28, v7;
	v29 =	vsel vm12, $0x3F800000, v5  }
0x230: {  	v31 =	vsel vm15, $0x3F800000, v5;
	v32 =	vsel vm13, $0x3F800000, v5;
	v35 =	vnsel vm15, $0x0, v9  }
0x231: {  	s29 =	spop (v2sf);
	v36 =	vsel vm14, $0x3F800000, v5;
	v37 =	vnsel vm14, $0x0, v9;
	v30 =	vadd.f32 v29, v17  }
0x232: {  	p0 =	seq.s32 s21, $0x1;
	s22 =	sxor.u32 $0x80000000, s29;
	v38 =	vnsel vm12, $0x0, v9;
	v17 =	vadd.f32 v31, v18;
	v34 =	vadd.f32 v32, v62  }
0x233: {  	s22 =	simm.s32 @!p0 $0x40;
	v9 =	vnsel vm13, $0x0, v9;
	v15 =	vadd.f32 v37, v15;
	v16 =	vadd.f32 v35, v16  }
0x234: {  	v33 =	vmov s22;
	v21 =	vadd.f32 v36, v63;
	v9 =	vadd.f32 v9, v11  }
0x235: {  	v19 =	vadd.f32 v38, v19;
	vm4 =	veq.s32 v33, v8;
	vm5 =	veq.s32 v33, v0  }
0x236: {  	vm6 =	veq.s32 v33, v7;
	vm7 =	veq.s32 v33, v6;
	v39 =	vsel vm4, $0x3F800000, v5  }
0x237: {  	v11 =	vnsel vm4, $0x0, v10;
	v40 =	vnsel vm6, $0x0, v10;
	v41 =	vsel vm6, $0x3F800000, v5  }
0x238: {  	v42 =	vnsel vm5, $0x0, v10;
	v43 =	vsel vm7, $0x3F800000, v5;
	s30 =	spop (v2sf);
	v11 =	vadd.f32 v11, v15  }
0x239: {  	p0 =	seq.s32 s25, $0x1;
	v44 =	vsel vm5, $0x3F800000, v5;
	v19 =	vadd.f32 v42, v19;
	v18 =	vadd.f32 v43, v34;
	s21 =	sxor.u32 $0x80000000, s30  }
0x23a: {  	v10 =	vnsel vm7, $0x0, v10;
	v20 =	vadd.f32 v39, v21;
	v12 =	vadd.f32 v44, v30;
	s31 =	spop (v2sf);
	s21 =	simm.s32 @!p0 $0x40  }
0x23b: {  	v15 =	vadd.f32 v41, v17;
	v9 =	vadd.f32 v10, v9;
	s20 =	sxor.u32 $0x80000000, s31;
	p0 =	seq.s32 s26, $0x1;
	v10 =	vmov s21  }
0x23c: {  	v16 =	vadd.f32 v40, v16;
	s20 =	simm.s32 @!p0 $0x40;
	vm8 =	veq.s32 v10, v0;
	vm9 =	veq.s32 v10, v6  }
0x23d: {  	vm10 =	veq.s32 v10, v8;
	vm11 =	veq.s32 v10, v7;
	v48 =	vmov s20  }
0x23e: {  	v45 =	vsel vm8, $0x3F800000, v5;
	v46 =	vsel vm11, $0x3F800000, v5;
	v47 =	vsel vm9, $0x3F800000, v5  }
0x23f: {  	v50 =	vnsel vm11, $0x0, v14;
	v51 =	vsel vm10, $0x3F800000, v5;
	v52 =	vnsel vm10, $0x0, v14  }
0x240: {  	v53 =	vnsel vm8, $0x0, v14;
	vm12 =	veq.s32 v48, v8;
	vm13 =	veq.s32 v48, v0  }
0x241: {  	v54 =	vnsel vm9, $0x0, v14;
	vm14 =	veq.s32 v48, v6;
	v10 =	vadd.f32 v45, v12  }
0x242: {  	vm15 =	veq.s32 v48, v7;
	v19 =	vadd.f32 v53, v19;
	v55 =	vsel vm13, $0x3F800000, v5  }
0x243: {  	v49 =	vadd.f32 v47, v18;
	v56 =	vnsel vm13, $0x0, v13;
	v10 =	vadd.f32 v55, v10  }
0x244: {  	v9 =	vadd.f32 v54, v9;
	v57 =	vsel vm14, $0x3F800000, v5;
	v19 =	vadd.f32 v56, v19  }
0x245: {  	v12 =	vadd.f32 v46, v15;
	v58 =	vnsel vm14, $0x0, v13;
	v14 =	vadd.f32 v57, v49;
	[tilespmem:$0x10480] =	vst v10  }
0x246: {  	v59 =	vsel vm15, $0x3F800000, v5;
	v60 =	vadd.f32 v51, v20;
	v9 =	vadd.f32 v58, v9;
	[tilespmem:$0x10500] =	vst v19  }
0x247: {  	v11 =	vadd.f32 v52, v11;
	v62 =	vsel vm12, $0x3F800000, v5;
	v12 =	vadd.f32 v59, v12;
	[tilespmem:$0x10490] =	vst v14  }
0x248: {  	v63 =	vadd.f32 v62, v60;
	v10 =	vadd.f32 v50, v16;
	[tilespmem:$0x10510] =	vst v9;
	v9 =	vnsel vm12, $0x0, v13  }
0x249: {  	v61 =	vnsel vm15, $0x0, v13;
	[tilespmem:$0x104A0] =	vst v12;
	v9 =	vadd.f32 v9, v11  }
0x24a: {  	[tilespmem:$0x104B0] =	vst v63;
	v10 =	vadd.f32 v61, v10  }
0x24b: {  	[tilespmem:$0x10530] =	vst v9  }
0x24c: {  	[tilespmem:$0x10520] =	vst v10  }
0x24d: {  	[hbm4b:s8+s2] =	stream.linear.scatter [tilespmem:s16], [sflag:$0x3], $0x80, $0x38;
	[tilespmem:$0x10580] =	vst v63  }
0x24e: {  	s18 =	sadd.s32 $0x1, s18;
	_ =	swait.ge [sflag:s12], $0x80  }
0x24f: {  	p0 =	sne.s32 s18, s10;
	[sflag:s12] =	ssyncset.done $0x0  }
.Ltmp4:
0x250: {  	[sflag:s12] =	ssyncadd.s32 $0xFFFFFF80;
	(pc) =	sbr.rel @p0 .LBB2_1-.Ltmp4, $4  }
0x251: {  	[hbm4b:s9+s2] =	stream.linear.scatter [tilespmem:s17], [sflag:$0x3], $0x80, $0x38;
	[tilespmem:$0x10580] =	vst v63  }
0x252: {  	_ =	swait.ge [sflag:s12], $0x80  }
0x253: {  	[sflag:s12] =	ssyncset.done $0x0  }
0x254: {  	[sflag:s12] =	ssyncadd.s32 $0xFFFFFF80  }
0x255: {  	_ =	sfence.sel $0x180000  }
0x256: {  	[bflag:$0x0] =	sbarrier.arrive $0xFFFF  }
0x257: {  	p0 =	sne.s32 s1, $0x0;
	_ =	strace $0x90000047  }
0x258: {  	s0 =	sadd.s32 @!p0 $0x100000, s0;
	[bflag:$0x2] =	sbarrier.arrive $0xFFFF  }
0x259: {  	[sflag:s0] =	ssyncadd.tile.s32 @!p0 $0x1;
	_ =	shalt  }
.Lfunc_end2:
_tile_overlayer_lowered:
.L_overlay_start_2:
0x25a: {  	(tag) =	ssettag $0x2  }
0x25b: {  	s0 =	rddreg [dreg:$0x0];
	s2 =	stileid.u32  }
0x25c: {  	s1 =	rddreg [dreg:$0x1];
	p0 =	sne.s32 s2, $0x0  }
0x25d: {  	s3 =	rddreg [dreg:$0x2];
	[bflag:$0x3] =	sbarrier.arrive $0xFFFF;
	s2 =	simm.s32 @!p0 $0x1C03  }
0x25e: {  	[timem:s3], [sflag:s2] =	dma.local @!p0 [hbm:s0], s1  }
0x25f: {  	s0 =	simm.s32 @!p0 $0x3  }
0x260: {  	_ =	swait.ge @!p0 [sflag:s0], s1  }
0x261: {  	s1 =	ssub.s32 @!p0 $0x0, s1;
	[sflag:s0] =	ssyncset.done @!p0 $0x0  }
0x262: {  	[sflag:s0] =	ssyncadd.s32 @!p0 s1  }
0x263: {  	[bflag:$0x3] =	sbarrier.arrive $0xFFFF  }
0x264: {  	_ =	shalt  }

</sc_bundles>
